<compile_context>
chip_gen: v7x
topology: tpu7x:2x2x1
jax: 0.10.2.dev20260603
libtpu: 0.0.44.dev20260713+nightly
codegen_flags: <defaults>
</compile_context>

<pallas_src>
import functools

import jax
import jax.numpy as jnp
from jax import lax
from jax.experimental import pallas as pl
from jax.experimental.pallas import tpu as pltpu
from jax.experimental.pallas import tpu_sc as plsc

N = 65536
D = 256
NW = 32
CPW = D // NW
WIN = 4096
NVW = WIN // 16
NWINS = N // WIN
MININT = -(2 ** 31)


def _weights(n):
    grid = jnp.arange(1, n + 1, dtype=jnp.float32)
    pi = (grid - jnp.pi / 8.0) / (n + 0.25)
    m = jax.scipy.stats.norm.ppf(pi)
    return m / jnp.linalg.norm(m)


def _to_key(v):
    u = lax.bitcast_convert_type(v, jnp.int32)
    m = lax.shift_right_arithmetic(u, 31)
    return u ^ (m | MININT)


def _from_key(kk):
    top = lax.shift_right_logical(kk, 31)
    msk = MININT | (~(-top))
    return lax.bitcast_convert_type(kk ^ msk, jnp.float32)


@functools.partial(
    pl.kernel,
    mesh=plsc.VectorSubcoreMesh(core_axis_name="c", subcore_axis_name="s"),
    out_type=[
        jax.ShapeDtypeStruct((D, N), jnp.int32),
        jax.ShapeDtypeStruct((D, N), jnp.int32),
    ],
    scratch_types=[
        pltpu.VMEM((N,), jnp.int32),
        pltpu.VMEM((2048,), jnp.int32),
        pltpu.VMEM((2048,), jnp.int32),
        pltpu.VMEM((1024,), jnp.int32),
        pltpu.VMEM((WIN,), jnp.float32),
        pltpu.VMEM((WIN,), jnp.float32),
        pltpu.VMEM((WIN,), jnp.int32),
        pltpu.VMEM((WIN,), jnp.int32),
        pltpu.SemaphoreType.DMA,
        pltpu.SemaphoreType.DMA,
    ],
    compiler_params=pltpu.CompilerParams(needs_layout_passes=False),
)
def _sw_sc(xT, s1, s2,
           dest, histA, histB, histC,
           sf0, sf1, si0, si1, sem0, sem1):
    wid = lax.axis_index("c") * 16 + lax.axis_index("s")
    ones_i = jnp.ones((16,), jnp.int32)
    sems = (sem0, sem1)

    def streamed(src_slice, stages, body, carry_init):
        pltpu.async_copy(src_slice(0), stages[0], sems[0])

        def wb(w2, carry):
            for b in (0, 1):
                w = w2 * 2 + b
                nb = 1 - b

                @pl.when(w + 1 < NWINS)
                def _():
                    pltpu.async_copy(src_slice(w + 1), stages[nb], sems[nb])

                pltpu.make_async_copy(src_slice(w), stages[b], sems[b]).wait()
                carry = body(w, stages[b], carry)
            return carry
        return lax.fori_loop(0, NWINS // 2, wb, carry_init)

    def zero_hist(h, nbins):
        def zb(i, _):
            h[pl.ds(i * 16, 16)] = jnp.zeros((16,), jnp.int32)
            return 0
        lax.fori_loop(0, nbins // 16, zb, 0, unroll=4)

    def excl_prefix(h, nbins):
        def pb(i, carry):
            v = h[pl.ds(i * 16, 16)]
            inc = plsc.cumsum(v)
            h[pl.ds(i * 16, 16)] = inc - v + carry
            return carry + jnp.sum(v)
        lax.fori_loop(0, nbins // 16, pb, jnp.int32(0))

    def hist_all_body(w, stage, carry):
        @plsc.parallel_loop(0, NVW, step=1, unroll=4)
        def vb(j):
            kk = _to_key(stage[pl.ds(j * 16, 16)])
            plsc.addupdate_scatter(histA, [kk & jnp.int32(2047)], ones_i)
            plsc.addupdate_scatter(
                histB, [lax.shift_right_logical(kk, 11) & jnp.int32(2047)], ones_i)
            plsc.addupdate_scatter(
                histC, [lax.shift_right_logical(kk, 22) & jnp.int32(1023)], ones_i)
        return carry

    def make_permute_body(h, shift, bmask, from_f32):
        def body(w, stage, carry):
            def vb(j, _):
                if from_f32:
                    kk = _to_key(stage[pl.ds(j * 16, 16)])
                else:
                    kk = stage[pl.ds(j * 16, 16)]
                d = lax.shift_right_logical(kk, shift) & bmask
                cnt, last = plsc.scan_count(d)
                ofs = plsc.load_gather(h, [d])
                pos = ofs + cnt - 1
                plsc.store_scatter(dest, [pos], kk)
                plsc.addupdate_scatter(h, [d], cnt, mask=last)
                return 0
            lax.fori_loop(0, NVW, vb, 0, unroll=8)
            return carry
        return body

    def col_body(ci, _):
        c = wid * CPW + ci
        zero_hist(histA, 2048)
        zero_hist(histB, 2048)
        zero_hist(histC, 1024)
        xslice = lambda w: xT.at[c, pl.ds(w * WIN, WIN)]
        streamed(xslice, (sf0, sf1), hist_all_body, 0)
        excl_prefix(histA, 2048)
        excl_prefix(histB, 2048)
        excl_prefix(histC, 1024)
        streamed(xslice, (sf0, sf1),
                 make_permute_body(histA, 0, jnp.int32(2047), True), 0)
        pltpu.sync_copy(dest, s2.at[c])
        streamed(lambda w: s2.at[c, pl.ds(w * WIN, WIN)], (si0, si1),
                 make_permute_body(histB, 11, jnp.int32(2047), False), 0)
        pltpu.sync_copy(dest, s2.at[c])
        streamed(lambda w: s2.at[c, pl.ds(w * WIN, WIN)], (si0, si1),
                 make_permute_body(histC, 22, jnp.int32(1023), False), 0)
        pltpu.sync_copy(dest, s1.at[c])
        return 0

    lax.fori_loop(0, CPW, col_body, 0)


TCW = 4096


def _tc_dot(sorted_keys, k):
    g = N // TCW

    def body(s_ref, k_ref, num_ref, ss_ref):
        i = pl.program_id(0)

        @pl.when(i == 0)
        def _():
            num_ref[...] = jnp.zeros_like(num_ref)
            ss_ref[...] = jnp.zeros_like(ss_ref)

        v = _from_key(s_ref[...])
        kb = k_ref[...]
        num_ref[...] += jnp.sum(v * kb[None, :], axis=1)[None, :]
        ss_ref[...] += jnp.sum(v * v, axis=1)[None, :]

    return pl.pallas_call(
        body,
        grid=(g,),
        in_specs=[
            pl.BlockSpec((D, TCW), lambda i: (0, i)),
            pl.BlockSpec((TCW,), lambda i: (i,)),
        ],
        out_specs=[
            pl.BlockSpec((1, D), lambda i: (0, 0)),
            pl.BlockSpec((1, D), lambda i: (0, 0)),
        ],
        out_shape=[
            jax.ShapeDtypeStruct((1, D), jnp.float32),
            jax.ShapeDtypeStruct((1, D), jnp.float32),
        ],
    )(sorted_keys, k)


def kernel(x):
    eps = 1e-05
    n, d = x.shape
    k = lax.stop_gradient(_weights(n).astype(x.dtype))
    k_norm = jnp.linalg.norm(k)
    xT = x.T
    s_sorted, _ = _sw_sc(xT)
    num, ss = _tc_dot(s_sorted, k)
    s_norm = jnp.sqrt(ss[0])
    cos = num[0] / jnp.maximum(k_norm * s_norm, eps)
    return 1.0 - jnp.abs(cos)

# --- scband reference (transcript-rebuilt; emitter-appended) ---
"""Pipeline reference for scband-shapiro-wilk-85701777424446 (READ-ONLY COPY).

The authoritative reference and input builder live on the scoring server;
editing this copy changes nothing except your own understanding.
"""

import jax, jax.numpy as jnp
import numpy as np


def shapiro_weights(N):
    grid = jnp.arange(1, N + 1, dtype=jnp.float32)
    # elfving expectation mode
    pi = (grid - jnp.pi / 8.0) / (N + 0.25)
    m = jax.scipy.stats.norm.ppf(pi)
    # shapiro_francia covariance mode: a = m
    a = m
    return a / jnp.linalg.norm(a)


def setup_inputs(seed: int = 0) -> dict:
    key = jax.random.key(seed)
    x = jax.random.normal(key, (65536, 256), dtype=jnp.float32)
    return {"x": x}


def reference(x):
    eps = 1e-05
    N = x.shape[0]
    # weights are computed under no_grad in the original -> stop_gradient
    k = jax.lax.stop_gradient(shapiro_weights(N).astype(x.dtype))
    # prepare_data: sort ascending along dim -2 (== dim 0 for 2D input)
    s = jnp.sort(x, axis=-2)
    extra_dims = (1,) * (x.ndim - 1)
    k2 = k.reshape((N,) + extra_dims)
    num = jnp.sum(k2 * s, axis=0)
    k_norm = jnp.linalg.norm(jnp.broadcast_to(k2, s.shape), axis=0)
    s_norm = jnp.linalg.norm(s, axis=0)
    cos = num / jnp.maximum(k_norm * s_norm, eps)
    return 1.0 - jnp.abs(cos)

if __name__ == "__main__":
    import jax
    _d = setup_inputs()
    print(jax.jit(kernel)(*tuple(_d.values())))

</pallas_src>

<mosaic_0001>
#map = affine_map<(d0, d1) -> (0, 0)>
module attributes {stable_mosaic.version = 14 : i64} {
  func.func @_sw_sc(%arg0: i32, %arg1: i32, %arg2: memref<256x65536xf32, #tpu.memory_space<hbm>>, %arg3: memref<256x65536xi32, #tpu.memory_space<hbm>>, %arg4: memref<256x65536xi32, #tpu.memory_space<hbm>>, %arg5: memref<65536xi32, #tpu.memory_space<vmem>>, %arg6: memref<2048xi32, #tpu.memory_space<vmem>>, %arg7: memref<2048xi32, #tpu.memory_space<vmem>>, %arg8: memref<1024xi32, #tpu.memory_space<vmem>>, %arg9: memref<4096xf32, #tpu.memory_space<vmem>>, %arg10: memref<4096xf32, #tpu.memory_space<vmem>>, %arg11: memref<4096xi32, #tpu.memory_space<vmem>>, %arg12: memref<4096xi32, #tpu.memory_space<vmem>>, %arg13: memref<!tpu.dma_semaphore, #tpu.memory_space<semaphore_mem>>, %arg14: memref<!tpu.dma_semaphore, #tpu.memory_space<semaphore_mem>>) attributes {dimension_semantics = [#tpu.dimension_semantics<core_parallel>, #tpu.dimension_semantics<subcore_parallel>], iteration_bounds = array<i64: 2, 16>, scalar_prefetch = 0 : i64, scratch_operands = 10 : i64, tpu.core_type = #tpu.core_type<sc_vector_subcore>, window_params = [{transform_indices = #map}, {transform_indices = #map}, {transform_indices = #map}]} {
    %mul3A = arith.constant 16 : i32
    %mul3A_0 = arith.muli %arg0, %mul3A : i32
    %add3A = arith.addi %mul3A_0, %arg1 : i32
    %broadcast_in_dim3A = arith.constant 1 : i32
    %broadcast_in_dim3A_1 = vector.broadcast %broadcast_in_dim3A : i32 to vector<16xi32>
    %scan3A = arith.constant 0 : i32
    %scan3A_2 = arith.constant 0 : i32
    %scan3A_3 = arith.constant 8 : i32
    %scan3A_4 = arith.addi %scan3A_2, %scan3A_3 : i32
    %scan3A_5 = arith.constant 1 : i32
    %scan3A_6 = scf.for %scan3A_8 = %scan3A_2 to %scan3A_4 step %scan3A_5 iter_args(%scan3A_9 = %scan3A) -> (i32)  : i32 {
      %mul3A_10 = arith.constant 8 : i32
      %mul3A_11 = arith.muli %add3A, %mul3A_10 : i32
      %add3A_12 = arith.addi %mul3A_11, %scan3A_8 : i32
      %scan3A_13 = arith.constant 0 : i32
      %scan3A_14 = arith.constant 0 : i32
      %scan3A_15 = arith.constant 128 : i32
      %scan3A_16 = arith.addi %scan3A_14, %scan3A_15 : i32
      %scan3A_17 = arith.constant 4 : i32
      %scan3A_18 = scf.for %scan3A_106 = %scan3A_14 to %scan3A_16 step %scan3A_17 iter_args(%scan3A_107 = %scan3A_13) -> (i32)  : i32 {
        %broadcast_in_dim3A_108 = arith.constant 0 : i32
        %broadcast_in_dim3A_109 = vector.broadcast %broadcast_in_dim3A_108 : i32 to vector<16xi32>
        %mul3A_110 = arith.constant 16 : i32
        %mul3A_111 = arith.muli %scan3A_106, %mul3A_110 : i32
        %swap3A = arith.index_cast %mul3A_111 : i32 to index
        %swap3A_112 = tpu.vector_load %arg6[%swap3A] {strides = array<i32>} : memref<2048xi32, #tpu.memory_space<vmem>>, vector<16xi32>,
        tpu.vector_store %arg6[%swap3A], %broadcast_in_dim3A_109 {strides = array<i32>} : memref<2048xi32, #tpu.memory_space<vmem>>, vector<16xi32>,
        %scan3A_113 = arith.constant 0 : i32
        %scan3A_114 = arith.constant 1 : i32
        %scan3A_115 = arith.addi %scan3A_106, %scan3A_114 : i32
        %broadcast_in_dim3A_116 = arith.constant 0 : i32
        %broadcast_in_dim3A_117 = vector.broadcast %broadcast_in_dim3A_116 : i32 to vector<16xi32>
        %mul3A_118 = arith.constant 16 : i32
        %mul3A_119 = arith.muli %scan3A_115, %mul3A_118 : i32
        %swap3A_120 = arith.index_cast %mul3A_119 : i32 to index
        %swap3A_121 = tpu.vector_load %arg6[%swap3A_120] {strides = array<i32>} : memref<2048xi32, #tpu.memory_space<vmem>>, vector<16xi32>,
        tpu.vector_store %arg6[%swap3A_120], %broadcast_in_dim3A_117 {strides = array<i32>} : memref<2048xi32, #tpu.memory_space<vmem>>, vector<16xi32>,
        %scan3A_122 = arith.constant 0 : i32
        %scan3A_123 = arith.constant 2 : i32
        %scan3A_124 = arith.addi %scan3A_106, %scan3A_123 : i32
        %broadcast_in_dim3A_125 = arith.constant 0 : i32
        %broadcast_in_dim3A_126 = vector.broadcast %broadcast_in_dim3A_125 : i32 to vector<16xi32>
        %mul3A_127 = arith.constant 16 : i32
        %mul3A_128 = arith.muli %scan3A_124, %mul3A_127 : i32
        %swap3A_129 = arith.index_cast %mul3A_128 : i32 to index
        %swap3A_130 = tpu.vector_load %arg6[%swap3A_129] {strides = array<i32>} : memref<2048xi32, #tpu.memory_space<vmem>>, vector<16xi32>,
        tpu.vector_store %arg6[%swap3A_129], %broadcast_in_dim3A_126 {strides = array<i32>} : memref<2048xi32, #tpu.memory_space<vmem>>, vector<16xi32>,
        %scan3A_131 = arith.constant 0 : i32
        %scan3A_132 = arith.constant 3 : i32
        %scan3A_133 = arith.addi %scan3A_106, %scan3A_132 : i32
        %broadcast_in_dim3A_134 = arith.constant 0 : i32
        %broadcast_in_dim3A_135 = vector.broadcast %broadcast_in_dim3A_134 : i32 to vector<16xi32>
        %mul3A_136 = arith.constant 16 : i32
        %mul3A_137 = arith.muli %scan3A_133, %mul3A_136 : i32
        %swap3A_138 = arith.index_cast %mul3A_137 : i32 to index
        %swap3A_139 = tpu.vector_load %arg6[%swap3A_138] {strides = array<i32>} : memref<2048xi32, #tpu.memory_space<vmem>>, vector<16xi32>,
        tpu.vector_store %arg6[%swap3A_138], %broadcast_in_dim3A_135 {strides = array<i32>} : memref<2048xi32, #tpu.memory_space<vmem>>, vector<16xi32>,
        %scan3A_140 = arith.constant 0 : i32
        scf.yield %scan3A_140 : i32
      }
      %scan3A_19 = arith.constant 128 : i32
      %scan3A_20 = arith.constant 0 : i32
      %scan3A_21 = arith.constant 0 : i32
      %scan3A_22 = arith.constant 128 : i32
      %scan3A_23 = arith.addi %scan3A_21, %scan3A_22 : i32
      %scan3A_24 = arith.constant 4 : i32
      %scan3A_25 = scf.for %scan3A_106 = %scan3A_21 to %scan3A_23 step %scan3A_24 iter_args(%scan3A_107 = %scan3A_20) -> (i32)  : i32 {
        %broadcast_in_dim3A_108 = arith.constant 0 : i32
        %broadcast_in_dim3A_109 = vector.broadcast %broadcast_in_dim3A_108 : i32 to vector<16xi32>
        %mul3A_110 = arith.constant 16 : i32
        %mul3A_111 = arith.muli %scan3A_106, %mul3A_110 : i32
        %swap3A = arith.index_cast %mul3A_111 : i32 to index
        %swap3A_112 = tpu.vector_load %arg7[%swap3A] {strides = array<i32>} : memref<2048xi32, #tpu.memory_space<vmem>>, vector<16xi32>,
        tpu.vector_store %arg7[%swap3A], %broadcast_in_dim3A_109 {strides = array<i32>} : memref<2048xi32, #tpu.memory_space<vmem>>, vector<16xi32>,
        %scan3A_113 = arith.constant 0 : i32
        %scan3A_114 = arith.constant 1 : i32
        %scan3A_115 = arith.addi %scan3A_106, %scan3A_114 : i32
        %broadcast_in_dim3A_116 = arith.constant 0 : i32
        %broadcast_in_dim3A_117 = vector.broadcast %broadcast_in_dim3A_116 : i32 to vector<16xi32>
        %mul3A_118 = arith.constant 16 : i32
        %mul3A_119 = arith.muli %scan3A_115, %mul3A_118 : i32
        %swap3A_120 = arith.index_cast %mul3A_119 : i32 to index
        %swap3A_121 = tpu.vector_load %arg7[%swap3A_120] {strides = array<i32>} : memref<2048xi32, #tpu.memory_space<vmem>>, vector<16xi32>,
        tpu.vector_store %arg7[%swap3A_120], %broadcast_in_dim3A_117 {strides = array<i32>} : memref<2048xi32, #tpu.memory_space<vmem>>, vector<16xi32>,
        %scan3A_122 = arith.constant 0 : i32
        %scan3A_123 = arith.constant 2 : i32
        %scan3A_124 = arith.addi %scan3A_106, %scan3A_123 : i32
        %broadcast_in_dim3A_125 = arith.constant 0 : i32
        %broadcast_in_dim3A_126 = vector.broadcast %broadcast_in_dim3A_125 : i32 to vector<16xi32>
        %mul3A_127 = arith.constant 16 : i32
        %mul3A_128 = arith.muli %scan3A_124, %mul3A_127 : i32
        %swap3A_129 = arith.index_cast %mul3A_128 : i32 to index
        %swap3A_130 = tpu.vector_load %arg7[%swap3A_129] {strides = array<i32>} : memref<2048xi32, #tpu.memory_space<vmem>>, vector<16xi32>,
        tpu.vector_store %arg7[%swap3A_129], %broadcast_in_dim3A_126 {strides = array<i32>} : memref<2048xi32, #tpu.memory_space<vmem>>, vector<16xi32>,
        %scan3A_131 = arith.constant 0 : i32
        %scan3A_132 = arith.constant 3 : i32
        %scan3A_133 = arith.addi %scan3A_106, %scan3A_132 : i32
        %broadcast_in_dim3A_134 = arith.constant 0 : i32
        %broadcast_in_dim3A_135 = vector.broadcast %broadcast_in_dim3A_134 : i32 to vector<16xi32>
        %mul3A_136 = arith.constant 16 : i32
        %mul3A_137 = arith.muli %scan3A_133, %mul3A_136 : i32
        %swap3A_138 = arith.index_cast %mul3A_137 : i32 to index
        %swap3A_139 = tpu.vector_load %arg7[%swap3A_138] {strides = array<i32>} : memref<2048xi32, #tpu.memory_space<vmem>>, vector<16xi32>,
        tpu.vector_store %arg7[%swap3A_138], %broadcast_in_dim3A_135 {strides = array<i32>} : memref<2048xi32, #tpu.memory_space<vmem>>, vector<16xi32>,
        %scan3A_140 = arith.constant 0 : i32
        scf.yield %scan3A_140 : i32
      }
      %scan3A_26 = arith.constant 128 : i32
      %scan3A_27 = arith.constant 0 : i32
      %scan3A_28 = arith.constant 0 : i32
      %scan3A_29 = arith.constant 64 : i32
      %scan3A_30 = arith.addi %scan3A_28, %scan3A_29 : i32
      %scan3A_31 = arith.constant 4 : i32
      %scan3A_32 = scf.for %scan3A_106 = %scan3A_28 to %scan3A_30 step %scan3A_31 iter_args(%scan3A_107 = %scan3A_27) -> (i32)  : i32 {
        %broadcast_in_dim3A_108 = arith.constant 0 : i32
        %broadcast_in_dim3A_109 = vector.broadcast %broadcast_in_dim3A_108 : i32 to vector<16xi32>
        %mul3A_110 = arith.constant 16 : i32
        %mul3A_111 = arith.muli %scan3A_106, %mul3A_110 : i32
        %swap3A = arith.index_cast %mul3A_111 : i32 to index
        %swap3A_112 = tpu.vector_load %arg8[%swap3A] {strides = array<i32>} : memref<1024xi32, #tpu.memory_space<vmem>>, vector<16xi32>,
        tpu.vector_store %arg8[%swap3A], %broadcast_in_dim3A_109 {strides = array<i32>} : memref<1024xi32, #tpu.memory_space<vmem>>, vector<16xi32>,
        %scan3A_113 = arith.constant 0 : i32
        %scan3A_114 = arith.constant 1 : i32
        %scan3A_115 = arith.addi %scan3A_106, %scan3A_114 : i32
        %broadcast_in_dim3A_116 = arith.constant 0 : i32
        %broadcast_in_dim3A_117 = vector.broadcast %broadcast_in_dim3A_116 : i32 to vector<16xi32>
        %mul3A_118 = arith.constant 16 : i32
        %mul3A_119 = arith.muli %scan3A_115, %mul3A_118 : i32
        %swap3A_120 = arith.index_cast %mul3A_119 : i32 to index
        %swap3A_121 = tpu.vector_load %arg8[%swap3A_120] {strides = array<i32>} : memref<1024xi32, #tpu.memory_space<vmem>>, vector<16xi32>,
        tpu.vector_store %arg8[%swap3A_120], %broadcast_in_dim3A_117 {strides = array<i32>} : memref<1024xi32, #tpu.memory_space<vmem>>, vector<16xi32>,
        %scan3A_122 = arith.constant 0 : i32
        %scan3A_123 = arith.constant 2 : i32
        %scan3A_124 = arith.addi %scan3A_106, %scan3A_123 : i32
        %broadcast_in_dim3A_125 = arith.constant 0 : i32
        %broadcast_in_dim3A_126 = vector.broadcast %broadcast_in_dim3A_125 : i32 to vector<16xi32>
        %mul3A_127 = arith.constant 16 : i32
        %mul3A_128 = arith.muli %scan3A_124, %mul3A_127 : i32
        %swap3A_129 = arith.index_cast %mul3A_128 : i32 to index
        %swap3A_130 = tpu.vector_load %arg8[%swap3A_129] {strides = array<i32>} : memref<1024xi32, #tpu.memory_space<vmem>>, vector<16xi32>,
        tpu.vector_store %arg8[%swap3A_129], %broadcast_in_dim3A_126 {strides = array<i32>} : memref<1024xi32, #tpu.memory_space<vmem>>, vector<16xi32>,
        %scan3A_131 = arith.constant 0 : i32
        %scan3A_132 = arith.constant 3 : i32
        %scan3A_133 = arith.addi %scan3A_106, %scan3A_132 : i32
        %broadcast_in_dim3A_134 = arith.constant 0 : i32
        %broadcast_in_dim3A_135 = vector.broadcast %broadcast_in_dim3A_134 : i32 to vector<16xi32>
        %mul3A_136 = arith.constant 16 : i32
        %mul3A_137 = arith.muli %scan3A_133, %mul3A_136 : i32
        %swap3A_138 = arith.index_cast %mul3A_137 : i32 to index
        %swap3A_139 = tpu.vector_load %arg8[%swap3A_138] {strides = array<i32>} : memref<1024xi32, #tpu.memory_space<vmem>>, vector<16xi32>,
        tpu.vector_store %arg8[%swap3A_138], %broadcast_in_dim3A_135 {strides = array<i32>} : memref<1024xi32, #tpu.memory_space<vmem>>, vector<16xi32>,
        %scan3A_140 = arith.constant 0 : i32
        scf.yield %scan3A_140 : i32
      }
      %scan3A_33 = arith.constant 64 : i32
      %dma_start3A = arith.constant 0 : i32
      %dma_start3A_34 = tpu.memref_slice %arg2[%add3A_12, %dma_start3A] : memref<256x65536xf32, #tpu.memory_space<hbm>> -> memref<1x4096xf32, #tpu.memory_space<hbm>>
      %dma_start3A_35 = tpu.memref_squeeze %dma_start3A_34 : memref<1x4096xf32, #tpu.memory_space<hbm>> -> memref<4096xf32, #tpu.memory_space<hbm>>
      %dma_start3A_36 = arith.constant 0 : i32
      %dma_start3A_37 = tpu.memref_slice %arg2[%add3A_12, %dma_start3A_36] : memref<256x65536xf32, #tpu.memory_space<hbm>> -> memref<1x4096xf32, #tpu.memory_space<hbm>>
      %dma_start3A_38 = tpu.memref_squeeze %dma_start3A_37 : memref<1x4096xf32, #tpu.memory_space<hbm>> -> memref<4096xf32, #tpu.memory_space<hbm>>
      tpu.enqueue_dma source(%dma_start3A_38 : memref<4096xf32, #tpu.memory_space<hbm>>) target(%arg9 : memref<4096xf32, #tpu.memory_space<vmem>>) target_semaphore(%arg13 : memref<!tpu.dma_semaphore, #tpu.memory_space<semaphore_mem>>)
      %scan3A_39 = arith.constant 0 : i32
      %scan3A_40 = arith.constant 0 : i32
      %scan3A_41 = arith.constant 8 : i32
      %scan3A_42 = arith.addi %scan3A_40, %scan3A_41 : i32
      %scan3A_43 = arith.constant 1 : i32
      scf.for %scan3A_106 = %scan3A_40 to %scan3A_42 step %scan3A_43  : i32 {
        %mul3A_107 = arith.constant 2 : i32
        %mul3A_108 = arith.muli %scan3A_106, %mul3A_107 : i32
        %add3A_109 = arith.constant 0 : i32
        %add3A_110 = arith.addi %mul3A_108, %add3A_109 : i32
        %add3A_111 = arith.constant 1 : i32
        %add3A_112 = arith.addi %add3A_110, %add3A_111 : i32
        %lt3A = arith.constant 16 : i32
        %lt3A_113 = arith.cmpi slt, %add3A_112, %lt3A : i32
        %convert_element_type3A = arith.extui %lt3A_113 : i1 to i32
        %cond3A = arith.constant 0 : i32
        %cond3A_114 = arith.cmpi ne, %convert_element_type3A, %cond3A : i32
        scf.if %cond3A_114 {
          %add3A_142 = arith.constant 1 : i32
          %add3A_143 = arith.addi %add3A_110, %add3A_142 : i32
          %mul3A_144 = arith.constant 4096 : i32
          %mul3A_145 = arith.muli %add3A_143, %mul3A_144 : i32
          %dma_start3A_146 = tpu.memref_slice %arg2[%add3A_12, %mul3A_145] : memref<256x65536xf32, #tpu.memory_space<hbm>> -> memref<1x4096xf32, #tpu.memory_space<hbm>>
          %dma_start3A_147 = tpu.memref_squeeze %dma_start3A_146 : memref<1x4096xf32, #tpu.memory_space<hbm>> -> memref<4096xf32, #tpu.memory_space<hbm>>
          %dma_start3A_148 = tpu.memref_slice %arg2[%add3A_12, %mul3A_145] : memref<256x65536xf32, #tpu.memory_space<hbm>> -> memref<1x4096xf32, #tpu.memory_space<hbm>>
          %dma_start3A_149 = tpu.memref_squeeze %dma_start3A_148 : memref<1x4096xf32, #tpu.memory_space<hbm>> -> memref<4096xf32, #tpu.memory_space<hbm>>
          tpu.enqueue_dma source(%dma_start3A_149 : memref<4096xf32, #tpu.memory_space<hbm>>) target(%arg10 : memref<4096xf32, #tpu.memory_space<vmem>>) target_semaphore(%arg14 : memref<!tpu.dma_semaphore, #tpu.memory_space<semaphore_mem>>)
        } else {
        }
        %mul3A_115 = arith.constant 4096 : i32
        %mul3A_116 = arith.muli %add3A_110, %mul3A_115 : i32
        %dma_wait3A = tpu.memref_slice %arg2[%add3A_12, %mul3A_116] : memref<256x65536xf32, #tpu.memory_space<hbm>> -> memref<1x4096xf32, #tpu.memory_space<hbm>>
        %dma_wait3A_117 = tpu.memref_squeeze %dma_wait3A : memref<1x4096xf32, #tpu.memory_space<hbm>> -> memref<4096xf32, #tpu.memory_space<hbm>>
        %dma_wait3A_118 = tpu.memref_slice %arg2[%add3A_12, %mul3A_116] : memref<256x65536xf32, #tpu.memory_space<hbm>> -> memref<1x4096xf32, #tpu.memory_space<hbm>>
        %dma_wait3A_119 = tpu.memref_squeeze %dma_wait3A_118 : memref<1x4096xf32, #tpu.memory_space<hbm>> -> memref<4096xf32, #tpu.memory_space<hbm>>
        tpu.wait_dma2 semaphore(%arg13 : memref<!tpu.dma_semaphore, #tpu.memory_space<semaphore_mem>>) src(%dma_wait3A_119 : memref<4096xf32, #tpu.memory_space<hbm>>) dst(%arg9 : memref<4096xf32, #tpu.memory_space<vmem>>)
        %parallel_loop3A = arith.constant 0 : i32
        %parallel_loop3A_120 = arith.constant 256 : i32
        %parallel_loop3A_121 = arith.constant 1 : i32
        scf.for %parallel_loop3A_142 = %parallel_loop3A to %parallel_loop3A_120 step %parallel_loop3A_121  : i32 {
          %parallel_loop3A_143 = arith.constant 16 : i32
          %parallel_loop3A_144 = arith.muli %parallel_loop3A_142, %parallel_loop3A_143 : i32
          %parallel_loop3A_145 = arith.index_cast %parallel_loop3A_144 : i32 to index
          %parallel_loop3A_146 = tpu.vector_load %arg9[%parallel_loop3A_145] {strides = array<i32>} : memref<4096xf32, #tpu.memory_space<vmem>>, vector<16xf32>,
          %parallel_loop3A_147 = tpu.bitcast %parallel_loop3A_146 : vector<16xf32> -> vector<16xi32>
          %parallel_loop3A_148 = arith.constant 31 : i32
          %parallel_loop3A_149 = vector.broadcast %parallel_loop3A_148 : i32 to vector<16xi32>
          %parallel_loop3A_150 = arith.shrsi %parallel_loop3A_147, %parallel_loop3A_149 : vector<16xi32>
          %parallel_loop3A_151 = arith.constant -2147483648 : i32
          %parallel_loop3A_152 = vector.broadcast %parallel_loop3A_151 : i32 to vector<16xi32>
          %parallel_loop3A_153 = arith.ori %parallel_loop3A_150, %parallel_loop3A_152 : vector<16xi32>
          %parallel_loop3A_154 = arith.xori %parallel_loop3A_147, %parallel_loop3A_153 : vector<16xi32>
          %parallel_loop3A_155 = arith.constant 2047 : i32
          %parallel_loop3A_156 = vector.broadcast %parallel_loop3A_155 : i32 to vector<16xi32>
          %parallel_loop3A_157 = arith.andi %parallel_loop3A_154, %parallel_loop3A_156 : vector<16xi32>
          tpu.vector_store_idx %arg6[%parallel_loop3A_157], %broadcast_in_dim3A_1 {add = true} : memref<2048xi32, #tpu.memory_space<vmem>>[vector<16xi32>], vector<16xi32>,
          %parallel_loop3A_158 = arith.constant 11 : i32
          %parallel_loop3A_159 = vector.broadcast %parallel_loop3A_158 : i32 to vector<16xi32>
          %parallel_loop3A_160 = arith.shrui %parallel_loop3A_154, %parallel_loop3A_159 : vector<16xi32>
          %parallel_loop3A_161 = arith.constant 2047 : i32
          %parallel_loop3A_162 = vector.broadcast %parallel_loop3A_161 : i32 to vector<16xi32>
          %parallel_loop3A_163 = arith.andi %parallel_loop3A_160, %parallel_loop3A_162 : vector<16xi32>
          tpu.vector_store_idx %arg7[%parallel_loop3A_163], %broadcast_in_dim3A_1 {add = true} : memref<2048xi32, #tpu.memory_space<vmem>>[vector<16xi32>], vector<16xi32>,
          %parallel_loop3A_164 = arith.constant 22 : i32
          %parallel_loop3A_165 = vector.broadcast %parallel_loop3A_164 : i32 to vector<16xi32>
          %parallel_loop3A_166 = arith.shrui %parallel_loop3A_154, %parallel_loop3A_165 : vector<16xi32>
          %parallel_loop3A_167 = arith.constant 1023 : i32
          %parallel_loop3A_168 = vector.broadcast %parallel_loop3A_167 : i32 to vector<16xi32>
          %parallel_loop3A_169 = arith.andi %parallel_loop3A_166, %parallel_loop3A_168 : vector<16xi32>
          tpu.vector_store_idx %arg8[%parallel_loop3A_169], %broadcast_in_dim3A_1 {add = true} : memref<1024xi32, #tpu.memory_space<vmem>>[vector<16xi32>], vector<16xi32>,
        } {sc.loop_unroll_factor = 4 : i64, sc.parallel_access}
        %mul3A_122 = arith.constant 2 : i32
        %mul3A_123 = arith.muli %scan3A_106, %mul3A_122 : i32
        %add3A_124 = arith.constant 1 : i32
        %add3A_125 = arith.addi %mul3A_123, %add3A_124 : i32
        %add3A_126 = arith.constant 1 : i32
        %add3A_127 = arith.addi %add3A_125, %add3A_126 : i32
        %lt3A_128 = arith.constant 16 : i32
        %lt3A_129 = arith.cmpi slt, %add3A_127, %lt3A_128 : i32
        %convert_element_type3A_130 = arith.extui %lt3A_129 : i1 to i32
        %cond3A_131 = arith.constant 0 : i32
        %cond3A_132 = arith.cmpi ne, %convert_element_type3A_130, %cond3A_131 : i32
        scf.if %cond3A_132 {
          %add3A_142 = arith.constant 1 : i32
          %add3A_143 = arith.addi %add3A_125, %add3A_142 : i32
          %mul3A_144 = arith.constant 4096 : i32
          %mul3A_145 = arith.muli %add3A_143, %mul3A_144 : i32
          %dma_start3A_146 = tpu.memref_slice %arg2[%add3A_12, %mul3A_145] : memref<256x65536xf32, #tpu.memory_space<hbm>> -> memref<1x4096xf32, #tpu.memory_space<hbm>>
          %dma_start3A_147 = tpu.memref_squeeze %dma_start3A_146 : memref<1x4096xf32, #tpu.memory_space<hbm>> -> memref<4096xf32, #tpu.memory_space<hbm>>
          %dma_start3A_148 = tpu.memref_slice %arg2[%add3A_12, %mul3A_145] : memref<256x65536xf32, #tpu.memory_space<hbm>> -> memref<1x4096xf32, #tpu.memory_space<hbm>>
          %dma_start3A_149 = tpu.memref_squeeze %dma_start3A_148 : memref<1x4096xf32, #tpu.memory_space<hbm>> -> memref<4096xf32, #tpu.memory_space<hbm>>
          tpu.enqueue_dma source(%dma_start3A_149 : memref<4096xf32, #tpu.memory_space<hbm>>) target(%arg9 : memref<4096xf32, #tpu.memory_space<vmem>>) target_semaphore(%arg13 : memref<!tpu.dma_semaphore, #tpu.memory_space<semaphore_mem>>)
        } else {
        }
        %mul3A_133 = arith.constant 4096 : i32
        %mul3A_134 = arith.muli %add3A_125, %mul3A_133 : i32
        %dma_wait3A_135 = tpu.memref_slice %arg2[%add3A_12, %mul3A_134] : memref<256x65536xf32, #tpu.memory_space<hbm>> -> memref<1x4096xf32, #tpu.memory_space<hbm>>
        %dma_wait3A_136 = tpu.memref_squeeze %dma_wait3A_135 : memref<1x4096xf32, #tpu.memory_space<hbm>> -> memref<4096xf32, #tpu.memory_space<hbm>>
        %dma_wait3A_137 = tpu.memref_slice %arg2[%add3A_12, %mul3A_134] : memref<256x65536xf32, #tpu.memory_space<hbm>> -> memref<1x4096xf32, #tpu.memory_space<hbm>>
        %dma_wait3A_138 = tpu.memref_squeeze %dma_wait3A_137 : memref<1x4096xf32, #tpu.memory_space<hbm>> -> memref<4096xf32, #tpu.memory_space<hbm>>
        tpu.wait_dma2 semaphore(%arg14 : memref<!tpu.dma_semaphore, #tpu.memory_space<semaphore_mem>>) src(%dma_wait3A_138 : memref<4096xf32, #tpu.memory_space<hbm>>) dst(%arg10 : memref<4096xf32, #tpu.memory_space<vmem>>)
        %parallel_loop3A_139 = arith.constant 0 : i32
        %parallel_loop3A_140 = arith.constant 256 : i32
        %parallel_loop3A_141 = arith.constant 1 : i32
        scf.for %parallel_loop3A_142 = %parallel_loop3A_139 to %parallel_loop3A_140 step %parallel_loop3A_141  : i32 {
          %parallel_loop3A_143 = arith.constant 16 : i32
          %parallel_loop3A_144 = arith.muli %parallel_loop3A_142, %parallel_loop3A_143 : i32
          %parallel_loop3A_145 = arith.index_cast %parallel_loop3A_144 : i32 to index
          %parallel_loop3A_146 = tpu.vector_load %arg10[%parallel_loop3A_145] {strides = array<i32>} : memref<4096xf32, #tpu.memory_space<vmem>>, vector<16xf32>,
          %parallel_loop3A_147 = tpu.bitcast %parallel_loop3A_146 : vector<16xf32> -> vector<16xi32>
          %parallel_loop3A_148 = arith.constant 31 : i32
          %parallel_loop3A_149 = vector.broadcast %parallel_loop3A_148 : i32 to vector<16xi32>
          %parallel_loop3A_150 = arith.shrsi %parallel_loop3A_147, %parallel_loop3A_149 : vector<16xi32>
          %parallel_loop3A_151 = arith.constant -2147483648 : i32
          %parallel_loop3A_152 = vector.broadcast %parallel_loop3A_151 : i32 to vector<16xi32>
          %parallel_loop3A_153 = arith.ori %parallel_loop3A_150, %parallel_loop3A_152 : vector<16xi32>
          %parallel_loop3A_154 = arith.xori %parallel_loop3A_147, %parallel_loop3A_153 : vector<16xi32>
          %parallel_loop3A_155 = arith.constant 2047 : i32
          %parallel_loop3A_156 = vector.broadcast %parallel_loop3A_155 : i32 to vector<16xi32>
          %parallel_loop3A_157 = arith.andi %parallel_loop3A_154, %parallel_loop3A_156 : vector<16xi32>
          tpu.vector_store_idx %arg6[%parallel_loop3A_157], %broadcast_in_dim3A_1 {add = true} : memref<2048xi32, #tpu.memory_space<vmem>>[vector<16xi32>], vector<16xi32>,
          %parallel_loop3A_158 = arith.constant 11 : i32
          %parallel_loop3A_159 = vector.broadcast %parallel_loop3A_158 : i32 to vector<16xi32>
          %parallel_loop3A_160 = arith.shrui %parallel_loop3A_154, %parallel_loop3A_159 : vector<16xi32>
          %parallel_loop3A_161 = arith.constant 2047 : i32
          %parallel_loop3A_162 = vector.broadcast %parallel_loop3A_161 : i32 to vector<16xi32>
          %parallel_loop3A_163 = arith.andi %parallel_loop3A_160, %parallel_loop3A_162 : vector<16xi32>
          tpu.vector_store_idx %arg7[%parallel_loop3A_163], %broadcast_in_dim3A_1 {add = true} : memref<2048xi32, #tpu.memory_space<vmem>>[vector<16xi32>], vector<16xi32>,
          %parallel_loop3A_164 = arith.constant 22 : i32
          %parallel_loop3A_165 = vector.broadcast %parallel_loop3A_164 : i32 to vector<16xi32>
          %parallel_loop3A_166 = arith.shrui %parallel_loop3A_154, %parallel_loop3A_165 : vector<16xi32>
          %parallel_loop3A_167 = arith.constant 1023 : i32
          %parallel_loop3A_168 = vector.broadcast %parallel_loop3A_167 : i32 to vector<16xi32>
          %parallel_loop3A_169 = arith.andi %parallel_loop3A_166, %parallel_loop3A_168 : vector<16xi32>
          tpu.vector_store_idx %arg8[%parallel_loop3A_169], %broadcast_in_dim3A_1 {add = true} : memref<1024xi32, #tpu.memory_space<vmem>>[vector<16xi32>], vector<16xi32>,
        } {sc.loop_unroll_factor = 4 : i64, sc.parallel_access}
      }
      %scan3A_44 = arith.constant 8 : i32
      %scan3A_45 = arith.constant 0 : i32
      %scan3A_46 = arith.constant 0 : i32
      %scan3A_47 = arith.constant 128 : i32
      %scan3A_48 = arith.addi %scan3A_46, %scan3A_47 : i32
      %scan3A_49 = arith.constant 1 : i32
      %scan3A_50 = scf.for %scan3A_106 = %scan3A_46 to %scan3A_48 step %scan3A_49 iter_args(%scan3A_107 = %scan3A_45) -> (i32)  : i32 {
        %mul3A_108 = arith.constant 16 : i32
        %mul3A_109 = arith.muli %scan3A_106, %mul3A_108 : i32
        %get3A = arith.index_cast %mul3A_109 : i32 to index
        %get3A_110 = tpu.vector_load %arg6[%get3A] {strides = array<i32>} : memref<2048xi32, #tpu.memory_space<vmem>>, vector<16xi32>,
        %broadcast_in_dim3A_111 = arith.constant true
        %broadcast_in_dim3A_112 = vector.broadcast %broadcast_in_dim3A_111 : i1 to vector<16xi1>
        %masked_cumsum3A = tpu.scan <sum>, %get3A_110 masked %broadcast_in_dim3A_112 : vector<16xi32>, vector<16xi1> -> vector<16xi32>
        %sub3A = arith.subi %masked_cumsum3A, %get3A_110 : vector<16xi32>
        %add3A_113 = vector.broadcast %scan3A_107 : i32 to vector<16xi32>
        %add3A_114 = arith.addi %sub3A, %add3A_113 : vector<16xi32>
        %mul3A_115 = arith.constant 16 : i32
        %mul3A_116 = arith.muli %scan3A_106, %mul3A_115 : i32
        %swap3A = arith.index_cast %mul3A_116 : i32 to index
        %swap3A_117 = tpu.vector_load %arg6[%swap3A] {strides = array<i32>} : memref<2048xi32, #tpu.memory_space<vmem>>, vector<16xi32>,
        tpu.vector_store %arg6[%swap3A], %add3A_114 {strides = array<i32>} : memref<2048xi32, #tpu.memory_space<vmem>>, vector<16xi32>,
        %reduce_sum3A = arith.constant true
        %reduce_sum3A_118 = vector.broadcast %reduce_sum3A : i1 to vector<16xi1>
        %reduce_sum3A_119 = tpu.scan <sum>, %get3A_110 masked %reduce_sum3A_118 : vector<16xi32>, vector<16xi1> -> vector<16xi32>
        %reduce_sum3A_120 = vector.extract %reduce_sum3A_119[15] : i32 from vector<16xi32>
        %add3A_121 = arith.addi %scan3A_107, %reduce_sum3A_120 : i32
        scf.yield %add3A_121 : i32
      }
      %scan3A_51 = arith.constant 128 : i32
      %scan3A_52 = arith.constant 0 : i32
      %scan3A_53 = arith.constant 0 : i32
      %scan3A_54 = arith.constant 128 : i32
      %scan3A_55 = arith.addi %scan3A_53, %scan3A_54 : i32
      %scan3A_56 = arith.constant 1 : i32
      %scan3A_57 = scf.for %scan3A_106 = %scan3A_53 to %scan3A_55 step %scan3A_56 iter_args(%scan3A_107 = %scan3A_52) -> (i32)  : i32 {
        %mul3A_108 = arith.constant 16 : i32
        %mul3A_109 = arith.muli %scan3A_106, %mul3A_108 : i32
        %get3A = arith.index_cast %mul3A_109 : i32 to index
        %get3A_110 = tpu.vector_load %arg7[%get3A] {strides = array<i32>} : memref<2048xi32, #tpu.memory_space<vmem>>, vector<16xi32>,
        %broadcast_in_dim3A_111 = arith.constant true
        %broadcast_in_dim3A_112 = vector.broadcast %broadcast_in_dim3A_111 : i1 to vector<16xi1>
        %masked_cumsum3A = tpu.scan <sum>, %get3A_110 masked %broadcast_in_dim3A_112 : vector<16xi32>, vector<16xi1> -> vector<16xi32>
        %sub3A = arith.subi %masked_cumsum3A, %get3A_110 : vector<16xi32>
        %add3A_113 = vector.broadcast %scan3A_107 : i32 to vector<16xi32>
        %add3A_114 = arith.addi %sub3A, %add3A_113 : vector<16xi32>
        %mul3A_115 = arith.constant 16 : i32
        %mul3A_116 = arith.muli %scan3A_106, %mul3A_115 : i32
        %swap3A = arith.index_cast %mul3A_116 : i32 to index
        %swap3A_117 = tpu.vector_load %arg7[%swap3A] {strides = array<i32>} : memref<2048xi32, #tpu.memory_space<vmem>>, vector<16xi32>,
        tpu.vector_store %arg7[%swap3A], %add3A_114 {strides = array<i32>} : memref<2048xi32, #tpu.memory_space<vmem>>, vector<16xi32>,
        %reduce_sum3A = arith.constant true
        %reduce_sum3A_118 = vector.broadcast %reduce_sum3A : i1 to vector<16xi1>
        %reduce_sum3A_119 = tpu.scan <sum>, %get3A_110 masked %reduce_sum3A_118 : vector<16xi32>, vector<16xi1> -> vector<16xi32>
        %reduce_sum3A_120 = vector.extract %reduce_sum3A_119[15] : i32 from vector<16xi32>
        %add3A_121 = arith.addi %scan3A_107, %reduce_sum3A_120 : i32
        scf.yield %add3A_121 : i32
      }
      %scan3A_58 = arith.constant 128 : i32
      %scan3A_59 = arith.constant 0 : i32
      %scan3A_60 = arith.constant 0 : i32
      %scan3A_61 = arith.constant 64 : i32
      %scan3A_62 = arith.addi %scan3A_60, %scan3A_61 : i32
      %scan3A_63 = arith.constant 1 : i32
      %scan3A_64 = scf.for %scan3A_106 = %scan3A_60 to %scan3A_62 step %scan3A_63 iter_args(%scan3A_107 = %scan3A_59) -> (i32)  : i32 {
        %mul3A_108 = arith.constant 16 : i32
        %mul3A_109 = arith.muli %scan3A_106, %mul3A_108 : i32
        %get3A = arith.index_cast %mul3A_109 : i32 to index
        %get3A_110 = tpu.vector_load %arg8[%get3A] {strides = array<i32>} : memref<1024xi32, #tpu.memory_space<vmem>>, vector<16xi32>,
        %broadcast_in_dim3A_111 = arith.constant true
        %broadcast_in_dim3A_112 = vector.broadcast %broadcast_in_dim3A_111 : i1 to vector<16xi1>
        %masked_cumsum3A = tpu.scan <sum>, %get3A_110 masked %broadcast_in_dim3A_112 : vector<16xi32>, vector<16xi1> -> vector<16xi32>
        %sub3A = arith.subi %masked_cumsum3A, %get3A_110 : vector<16xi32>
        %add3A_113 = vector.broadcast %scan3A_107 : i32 to vector<16xi32>
        %add3A_114 = arith.addi %sub3A, %add3A_113 : vector<16xi32>
        %mul3A_115 = arith.constant 16 : i32
        %mul3A_116 = arith.muli %scan3A_106, %mul3A_115 : i32
        %swap3A = arith.index_cast %mul3A_116 : i32 to index
        %swap3A_117 = tpu.vector_load %arg8[%swap3A] {strides = array<i32>} : memref<1024xi32, #tpu.memory_space<vmem>>, vector<16xi32>,
        tpu.vector_store %arg8[%swap3A], %add3A_114 {strides = array<i32>} : memref<1024xi32, #tpu.memory_space<vmem>>, vector<16xi32>,
        %reduce_sum3A = arith.constant true
        %reduce_sum3A_118 = vector.broadcast %reduce_sum3A : i1 to vector<16xi1>
        %reduce_sum3A_119 = tpu.scan <sum>, %get3A_110 masked %reduce_sum3A_118 : vector<16xi32>, vector<16xi1> -> vector<16xi32>
        %reduce_sum3A_120 = vector.extract %reduce_sum3A_119[15] : i32 from vector<16xi32>
        %add3A_121 = arith.addi %scan3A_107, %reduce_sum3A_120 : i32
        scf.yield %add3A_121 : i32
      }
      %scan3A_65 = arith.constant 64 : i32
      %dma_start3A_66 = arith.constant 0 : i32
      %dma_start3A_67 = tpu.memref_slice %arg2[%add3A_12, %dma_start3A_66] : memref<256x65536xf32, #tpu.memory_space<hbm>> -> memref<1x4096xf32, #tpu.memory_space<hbm>>
      %dma_start3A_68 = tpu.memref_squeeze %dma_start3A_67 : memref<1x4096xf32, #tpu.memory_space<hbm>> -> memref<4096xf32, #tpu.memory_space<hbm>>
      %dma_start3A_69 = arith.constant 0 : i32
      %dma_start3A_70 = tpu.memref_slice %arg2[%add3A_12, %dma_start3A_69] : memref<256x65536xf32, #tpu.memory_space<hbm>> -> memref<1x4096xf32, #tpu.memory_space<hbm>>
      %dma_start3A_71 = tpu.memref_squeeze %dma_start3A_70 : memref<1x4096xf32, #tpu.memory_space<hbm>> -> memref<4096xf32, #tpu.memory_space<hbm>>
      tpu.enqueue_dma source(%dma_start3A_71 : memref<4096xf32, #tpu.memory_space<hbm>>) target(%arg9 : memref<4096xf32, #tpu.memory_space<vmem>>) target_semaphore(%arg13 : memref<!tpu.dma_semaphore, #tpu.memory_space<semaphore_mem>>)
      %scan3A_72 = arith.constant 0 : i32
      %scan3A_73 = arith.constant 2047 : i32
      %scan3A_74 = arith.constant 0 : i32
      %scan3A_75 = arith.constant 8 : i32
      %scan3A_76 = arith.addi %scan3A_74, %scan3A_75 : i32
      %scan3A_77 = arith.constant 1 : i32
      scf.for %scan3A_106 = %scan3A_74 to %scan3A_76 step %scan3A_77  : i32 {
        %mul3A_107 = arith.constant 2 : i32
        %mul3A_108 = arith.muli %scan3A_106, %mul3A_107 : i32
        %add3A_109 = arith.constant 0 : i32
        %add3A_110 = arith.addi %mul3A_108, %add3A_109 : i32
        %add3A_111 = arith.constant 1 : i32
        %add3A_112 = arith.addi %add3A_110, %add3A_111 : i32
        %lt3A = arith.constant 16 : i32
        %lt3A_113 = arith.cmpi slt, %add3A_112, %lt3A : i32
        %convert_element_type3A = arith.extui %lt3A_113 : i1 to i32
        %cond3A = arith.constant 0 : i32
        %cond3A_114 = arith.cmpi ne, %convert_element_type3A, %cond3A : i32
        scf.if %cond3A_114 {
          %add3A_151 = arith.constant 1 : i32
          %add3A_152 = arith.addi %add3A_110, %add3A_151 : i32
          %mul3A_153 = arith.constant 4096 : i32
          %mul3A_154 = arith.muli %add3A_152, %mul3A_153 : i32
          %dma_start3A_155 = tpu.memref_slice %arg2[%add3A_12, %mul3A_154] : memref<256x65536xf32, #tpu.memory_space<hbm>> -> memref<1x4096xf32, #tpu.memory_space<hbm>>
          %dma_start3A_156 = tpu.memref_squeeze %dma_start3A_155 : memref<1x4096xf32, #tpu.memory_space<hbm>> -> memref<4096xf32, #tpu.memory_space<hbm>>
          %dma_start3A_157 = tpu.memref_slice %arg2[%add3A_12, %mul3A_154] : memref<256x65536xf32, #tpu.memory_space<hbm>> -> memref<1x4096xf32, #tpu.memory_space<hbm>>
          %dma_start3A_158 = tpu.memref_squeeze %dma_start3A_157 : memref<1x4096xf32, #tpu.memory_space<hbm>> -> memref<4096xf32, #tpu.memory_space<hbm>>
          tpu.enqueue_dma source(%dma_start3A_158 : memref<4096xf32, #tpu.memory_space<hbm>>) target(%arg10 : memref<4096xf32, #tpu.memory_space<vmem>>) target_semaphore(%arg14 : memref<!tpu.dma_semaphore, #tpu.memory_space<semaphore_mem>>)
        } else {
        }
        %mul3A_115 = arith.constant 4096 : i32
        %mul3A_116 = arith.muli %add3A_110, %mul3A_115 : i32
        %dma_wait3A = tpu.memref_slice %arg2[%add3A_12, %mul3A_116] : memref<256x65536xf32, #tpu.memory_space<hbm>> -> memref<1x4096xf32, #tpu.memory_space<hbm>>
        %dma_wait3A_117 = tpu.memref_squeeze %dma_wait3A : memref<1x4096xf32, #tpu.memory_space<hbm>> -> memref<4096xf32, #tpu.memory_space<hbm>>
        %dma_wait3A_118 = tpu.memref_slice %arg2[%add3A_12, %mul3A_116] : memref<256x65536xf32, #tpu.memory_space<hbm>> -> memref<1x4096xf32, #tpu.memory_space<hbm>>
        %dma_wait3A_119 = tpu.memref_squeeze %dma_wait3A_118 : memref<1x4096xf32, #tpu.memory_space<hbm>> -> memref<4096xf32, #tpu.memory_space<hbm>>
        tpu.wait_dma2 semaphore(%arg13 : memref<!tpu.dma_semaphore, #tpu.memory_space<semaphore_mem>>) src(%dma_wait3A_119 : memref<4096xf32, #tpu.memory_space<hbm>>) dst(%arg9 : memref<4096xf32, #tpu.memory_space<vmem>>)
        %scan3A_120 = arith.constant 0 : i32
        %scan3A_121 = arith.constant 0 : i32
        %scan3A_122 = arith.constant 256 : i32
        %scan3A_123 = arith.addi %scan3A_121, %scan3A_122 : i32
        %scan3A_124 = arith.constant 8 : i32
        %scan3A_125 = scf.for %scan3A_151 = %scan3A_121 to %scan3A_123 step %scan3A_124 iter_args(%scan3A_152 = %scan3A_120) -> (i32)  : i32 {
          %mul3A_153 = arith.constant 16 : i32
          %mul3A_154 = arith.muli %scan3A_151, %mul3A_153 : i32
          %get3A = arith.index_cast %mul3A_154 : i32 to index
          %get3A_155 = tpu.vector_load %arg9[%get3A] {strides = array<i32>} : memref<4096xf32, #tpu.memory_space<vmem>>, vector<16xf32>,
          %bitcast_convert_type3A = tpu.bitcast %get3A_155 : vector<16xf32> -> vector<16xi32>
          %shift_right_arithmetic3A = arith.constant 31 : i32
          %shift_right_arithmetic3A_156 = vector.broadcast %shift_right_arithmetic3A : i32 to vector<16xi32>
          %shift_right_arithmetic3A_157 = arith.shrsi %bitcast_convert_type3A, %shift_right_arithmetic3A_156 : vector<16xi32>
          %or3A = arith.constant -2147483648 : i32
          %or3A_158 = vector.broadcast %or3A : i32 to vector<16xi32>
          %or3A_159 = arith.ori %shift_right_arithmetic3A_157, %or3A_158 : vector<16xi32>
          %xor3A = arith.xori %bitcast_convert_type3A, %or3A_159 : vector<16xi32>
          %shift_right_logical3A = arith.constant 0 : i32
          %shift_right_logical3A_160 = vector.broadcast %shift_right_logical3A : i32 to vector<16xi32>
          %shift_right_logical3A_161 = arith.shrui %xor3A, %shift_right_logical3A_160 : vector<16xi32>
          %and3A = vector.broadcast %scan3A_73 : i32 to vector<16xi32>
          %and3A_162 = arith.andi %shift_right_logical3A_161, %and3A : vector<16xi32>
          %broadcast_in_dim3A_163 = arith.constant true
          %broadcast_in_dim3A_164 = vector.broadcast %broadcast_in_dim3A_163 : i1 to vector<16xi1>
          %unique3A, %unique3A_165 = tpu.scan_count mask(%broadcast_in_dim3A_164 : vector<16xi1>) value(%and3A_162 : vector<16xi32>) : vector<16xi1>, vector<16xi32>
          %gather3A = tpu.vector_load_idx %arg6[%and3A_162] : memref<2048xi32, #tpu.memory_space<vmem>>[vector<16xi32>], vector<16xi32>,
          %add3A_166 = arith.addi %gather3A, %unique3A_165 : vector<16xi32>
          %sub3A = arith.constant 1 : i32
          %sub3A_167 = vector.broadcast %sub3A : i32 to vector<16xi32>
          %sub3A_168 = arith.subi %add3A_166, %sub3A_167 : vector<16xi32>
          tpu.vector_store_idx %arg5[%sub3A_168], %xor3A : memref<65536xi32, #tpu.memory_space<vmem>>[vector<16xi32>], vector<16xi32>,
          tpu.vector_store_idx %arg6[%and3A_162], %unique3A_165 masked %unique3A {add = true} : memref<2048xi32, #tpu.memory_space<vmem>>[vector<16xi32>], vector<16xi32>, vector<16xi1>
          %scan3A_169 = arith.constant 0 : i32
          %scan3A_170 = arith.constant 1 : i32
          %scan3A_171 = arith.addi %scan3A_151, %scan3A_170 : i32
          %mul3A_172 = arith.constant 16 : i32
          %mul3A_173 = arith.muli %scan3A_171, %mul3A_172 : i32
          %get3A_174 = arith.index_cast %mul3A_173 : i32 to index
          %get3A_175 = tpu.vector_load %arg9[%get3A_174] {strides = array<i32>} : memref<4096xf32, #tpu.memory_space<vmem>>, vector<16xf32>,
          %bitcast_convert_type3A_176 = tpu.bitcast %get3A_175 : vector<16xf32> -> vector<16xi32>
          %shift_right_arithmetic3A_177 = arith.constant 31 : i32
          %shift_right_arithmetic3A_178 = vector.broadcast %shift_right_arithmetic3A_177 : i32 to vector<16xi32>
          %shift_right_arithmetic3A_179 = arith.shrsi %bitcast_convert_type3A_176, %shift_right_arithmetic3A_178 : vector<16xi32>
          %or3A_180 = arith.constant -2147483648 : i32
          %or3A_181 = vector.broadcast %or3A_180 : i32 to vector<16xi32>
          %or3A_182 = arith.ori %shift_right_arithmetic3A_179, %or3A_181 : vector<16xi32>
          %xor3A_183 = arith.xori %bitcast_convert_type3A_176, %or3A_182 : vector<16xi32>
          %shift_right_logical3A_184 = arith.constant 0 : i32
          %shift_right_logical3A_185 = vector.broadcast %shift_right_logical3A_184 : i32 to vector<16xi32>
          %shift_right_logical3A_186 = arith.shrui %xor3A_183, %shift_right_logical3A_185 : vector<16xi32>
          %and3A_187 = vector.broadcast %scan3A_73 : i32 to vector<16xi32>
          %and3A_188 = arith.andi %shift_right_logical3A_186, %and3A_187 : vector<16xi32>
          %broadcast_in_dim3A_189 = arith.constant true
          %broadcast_in_dim3A_190 = vector.broadcast %broadcast_in_dim3A_189 : i1 to vector<16xi1>
          %unique3A_191, %unique3A_192 = tpu.scan_count mask(%broadcast_in_dim3A_190 : vector<16xi1>) value(%and3A_188 : vector<16xi32>) : vector<16xi1>, vector<16xi32>
          %gather3A_193 = tpu.vector_load_idx %arg6[%and3A_188] : memref<2048xi32, #tpu.memory_space<vmem>>[vector<16xi32>], vector<16xi32>,
          %add3A_194 = arith.addi %gather3A_193, %unique3A_192 : vector<16xi32>
          %sub3A_195 = arith.constant 1 : i32
          %sub3A_196 = vector.broadcast %sub3A_195 : i32 to vector<16xi32>
          %sub3A_197 = arith.subi %add3A_194, %sub3A_196 : vector<16xi32>
          tpu.vector_store_idx %arg5[%sub3A_197], %xor3A_183 : memref<65536xi32, #tpu.memory_space<vmem>>[vector<16xi32>], vector<16xi32>,
          tpu.vector_store_idx %arg6[%and3A_188], %unique3A_192 masked %unique3A_191 {add = true} : memref<2048xi32, #tpu.memory_space<vmem>>[vector<16xi32>], vector<16xi32>, vector<16xi1>
          %scan3A_198 = arith.constant 0 : i32
          %scan3A_199 = arith.constant 2 : i32
          %scan3A_200 = arith.addi %scan3A_151, %scan3A_199 : i32
          %mul3A_201 = arith.constant 16 : i32
          %mul3A_202 = arith.muli %scan3A_200, %mul3A_201 : i32
          %get3A_203 = arith.index_cast %mul3A_202 : i32 to index
          %get3A_204 = tpu.vector_load %arg9[%get3A_203] {strides = array<i32>} : memref<4096xf32, #tpu.memory_space<vmem>>, vector<16xf32>,
          %bitcast_convert_type3A_205 = tpu.bitcast %get3A_204 : vector<16xf32> -> vector<16xi32>
          %shift_right_arithmetic3A_206 = arith.constant 31 : i32
          %shift_right_arithmetic3A_207 = vector.broadcast %shift_right_arithmetic3A_206 : i32 to vector<16xi32>
          %shift_right_arithmetic3A_208 = arith.shrsi %bitcast_convert_type3A_205, %shift_right_arithmetic3A_207 : vector<16xi32>
          %or3A_209 = arith.constant -2147483648 : i32
          %or3A_210 = vector.broadcast %or3A_209 : i32 to vector<16xi32>
          %or3A_211 = arith.ori %shift_right_arithmetic3A_208, %or3A_210 : vector<16xi32>
          %xor3A_212 = arith.xori %bitcast_convert_type3A_205, %or3A_211 : vector<16xi32>
          %shift_right_logical3A_213 = arith.constant 0 : i32
          %shift_right_logical3A_214 = vector.broadcast %shift_right_logical3A_213 : i32 to vector<16xi32>
          %shift_right_logical3A_215 = arith.shrui %xor3A_212, %shift_right_logical3A_214 : vector<16xi32>
          %and3A_216 = vector.broadcast %scan3A_73 : i32 to vector<16xi32>
          %and3A_217 = arith.andi %shift_right_logical3A_215, %and3A_216 : vector<16xi32>
          %broadcast_in_dim3A_218 = arith.constant true
          %broadcast_in_dim3A_219 = vector.broadcast %broadcast_in_dim3A_218 : i1 to vector<16xi1>
          %unique3A_220, %unique3A_221 = tpu.scan_count mask(%broadcast_in_dim3A_219 : vector<16xi1>) value(%and3A_217 : vector<16xi32>) : vector<16xi1>, vector<16xi32>
          %gather3A_222 = tpu.vector_load_idx %arg6[%and3A_217] : memref<2048xi32, #tpu.memory_space<vmem>>[vector<16xi32>], vector<16xi32>,
          %add3A_223 = arith.addi %gather3A_222, %unique3A_221 : vector<16xi32>
          %sub3A_224 = arith.constant 1 : i32
          %sub3A_225 = vector.broadcast %sub3A_224 : i32 to vector<16xi32>
          %sub3A_226 = arith.subi %add3A_223, %sub3A_225 : vector<16xi32>
          tpu.vector_store_idx %arg5[%sub3A_226], %xor3A_212 : memref<65536xi32, #tpu.memory_space<vmem>>[vector<16xi32>], vector<16xi32>,
          tpu.vector_store_idx %arg6[%and3A_217], %unique3A_221 masked %unique3A_220 {add = true} : memref<2048xi32, #tpu.memory_space<vmem>>[vector<16xi32>], vector<16xi32>, vector<16xi1>
          %scan3A_227 = arith.constant 0 : i32
          %scan3A_228 = arith.constant 3 : i32
          %scan3A_229 = arith.addi %scan3A_151, %scan3A_228 : i32
          %mul3A_230 = arith.constant 16 : i32
          %mul3A_231 = arith.muli %scan3A_229, %mul3A_230 : i32
          %get3A_232 = arith.index_cast %mul3A_231 : i32 to index
          %get3A_233 = tpu.vector_load %arg9[%get3A_232] {strides = array<i32>} : memref<4096xf32, #tpu.memory_space<vmem>>, vector<16xf32>,
          %bitcast_convert_type3A_234 = tpu.bitcast %get3A_233 : vector<16xf32> -> vector<16xi32>
          %shift_right_arithmetic3A_235 = arith.constant 31 : i32
          %shift_right_arithmetic3A_236 = vector.broadcast %shift_right_arithmetic3A_235 : i32 to vector<16xi32>
          %shift_right_arithmetic3A_237 = arith.shrsi %bitcast_convert_type3A_234, %shift_right_arithmetic3A_236 : vector<16xi32>
          %or3A_238 = arith.constant -2147483648 : i32
          %or3A_239 = vector.broadcast %or3A_238 : i32 to vector<16xi32>
          %or3A_240 = arith.ori %shift_right_arithmetic3A_237, %or3A_239 : vector<16xi32>
          %xor3A_241 = arith.xori %bitcast_convert_type3A_234, %or3A_240 : vector<16xi32>
          %shift_right_logical3A_242 = arith.constant 0 : i32
          %shift_right_logical3A_243 = vector.broadcast %shift_right_logical3A_242 : i32 to vector<16xi32>
          %shift_right_logical3A_244 = arith.shrui %xor3A_241, %shift_right_logical3A_243 : vector<16xi32>
          %and3A_245 = vector.broadcast %scan3A_73 : i32 to vector<16xi32>
          %and3A_246 = arith.andi %shift_right_logical3A_244, %and3A_245 : vector<16xi32>
          %broadcast_in_dim3A_247 = arith.constant true
          %broadcast_in_dim3A_248 = vector.broadcast %broadcast_in_dim3A_247 : i1 to vector<16xi1>
          %unique3A_249, %unique3A_250 = tpu.scan_count mask(%broadcast_in_dim3A_248 : vector<16xi1>) value(%and3A_246 : vector<16xi32>) : vector<16xi1>, vector<16xi32>
          %gather3A_251 = tpu.vector_load_idx %arg6[%and3A_246] : memref<2048xi32, #tpu.memory_space<vmem>>[vector<16xi32>], vector<16xi32>,
          %add3A_252 = arith.addi %gather3A_251, %unique3A_250 : vector<16xi32>
          %sub3A_253 = arith.constant 1 : i32
          %sub3A_254 = vector.broadcast %sub3A_253 : i32 to vector<16xi32>
          %sub3A_255 = arith.subi %add3A_252, %sub3A_254 : vector<16xi32>
          tpu.vector_store_idx %arg5[%sub3A_255], %xor3A_241 : memref<65536xi32, #tpu.memory_space<vmem>>[vector<16xi32>], vector<16xi32>,
          tpu.vector_store_idx %arg6[%and3A_246], %unique3A_250 masked %unique3A_249 {add = true} : memref<2048xi32, #tpu.memory_space<vmem>>[vector<16xi32>], vector<16xi32>, vector<16xi1>
          %scan3A_256 = arith.constant 0 : i32
          %scan3A_257 = arith.constant 4 : i32
          %scan3A_258 = arith.addi %scan3A_151, %scan3A_257 : i32
          %mul3A_259 = arith.constant 16 : i32
          %mul3A_260 = arith.muli %scan3A_258, %mul3A_259 : i32
          %get3A_261 = arith.index_cast %mul3A_260 : i32 to index
          %get3A_262 = tpu.vector_load %arg9[%get3A_261] {strides = array<i32>} : memref<4096xf32, #tpu.memory_space<vmem>>, vector<16xf32>,
          %bitcast_convert_type3A_263 = tpu.bitcast %get3A_262 : vector<16xf32> -> vector<16xi32>
          %shift_right_arithmetic3A_264 = arith.constant 31 : i32
          %shift_right_arithmetic3A_265 = vector.broadcast %shift_right_arithmetic3A_264 : i32 to vector<16xi32>
          %shift_right_arithmetic3A_266 = arith.shrsi %bitcast_convert_type3A_263, %shift_right_arithmetic3A_265 : vector<16xi32>
          %or3A_267 = arith.constant -2147483648 : i32
          %or3A_268 = vector.broadcast %or3A_267 : i32 to vector<16xi32>
          %or3A_269 = arith.ori %shift_right_arithmetic3A_266, %or3A_268 : vector<16xi32>
          %xor3A_270 = arith.xori %bitcast_convert_type3A_263, %or3A_269 : vector<16xi32>
          %shift_right_logical3A_271 = arith.constant 0 : i32
          %shift_right_logical3A_272 = vector.broadcast %shift_right_logical3A_271 : i32 to vector<16xi32>
          %shift_right_logical3A_273 = arith.shrui %xor3A_270, %shift_right_logical3A_272 : vector<16xi32>
          %and3A_274 = vector.broadcast %scan3A_73 : i32 to vector<16xi32>
          %and3A_275 = arith.andi %shift_right_logical3A_273, %and3A_274 : vector<16xi32>
          %broadcast_in_dim3A_276 = arith.constant true
          %broadcast_in_dim3A_277 = vector.broadcast %broadcast_in_dim3A_276 : i1 to vector<16xi1>
          %unique3A_278, %unique3A_279 = tpu.scan_count mask(%broadcast_in_dim3A_277 : vector<16xi1>) value(%and3A_275 : vector<16xi32>) : vector<16xi1>, vector<16xi32>
          %gather3A_280 = tpu.vector_load_idx %arg6[%and3A_275] : memref<2048xi32, #tpu.memory_space<vmem>>[vector<16xi32>], vector<16xi32>,
          %add3A_281 = arith.addi %gather3A_280, %unique3A_279 : vector<16xi32>
          %sub3A_282 = arith.constant 1 : i32
          %sub3A_283 = vector.broadcast %sub3A_282 : i32 to vector<16xi32>
          %sub3A_284 = arith.subi %add3A_281, %sub3A_283 : vector<16xi32>
          tpu.vector_store_idx %arg5[%sub3A_284], %xor3A_270 : memref<65536xi32, #tpu.memory_space<vmem>>[vector<16xi32>], vector<16xi32>,
          tpu.vector_store_idx %arg6[%and3A_275], %unique3A_279 masked %unique3A_278 {add = true} : memref<2048xi32, #tpu.memory_space<vmem>>[vector<16xi32>], vector<16xi32>, vector<16xi1>
          %scan3A_285 = arith.constant 0 : i32
          %scan3A_286 = arith.constant 5 : i32
          %scan3A_287 = arith.addi %scan3A_151, %scan3A_286 : i32
          %mul3A_288 = arith.constant 16 : i32
          %mul3A_289 = arith.muli %scan3A_287, %mul3A_288 : i32
          %get3A_290 = arith.index_cast %mul3A_289 : i32 to index
          %get3A_291 = tpu.vector_load %arg9[%get3A_290] {strides = array<i32>} : memref<4096xf32, #tpu.memory_space<vmem>>, vector<16xf32>,
          %bitcast_convert_type3A_292 = tpu.bitcast %get3A_291 : vector<16xf32> -> vector<16xi32>
          %shift_right_arithmetic3A_293 = arith.constant 31 : i32
          %shift_right_arithmetic3A_294 = vector.broadcast %shift_right_arithmetic3A_293 : i32 to vector<16xi32>
          %shift_right_arithmetic3A_295 = arith.shrsi %bitcast_convert_type3A_292, %shift_right_arithmetic3A_294 : vector<16xi32>
          %or3A_296 = arith.constant -2147483648 : i32
          %or3A_297 = vector.broadcast %or3A_296 : i32 to vector<16xi32>
          %or3A_298 = arith.ori %shift_right_arithmetic3A_295, %or3A_297 : vector<16xi32>
          %xor3A_299 = arith.xori %bitcast_convert_type3A_292, %or3A_298 : vector<16xi32>
          %shift_right_logical3A_300 = arith.constant 0 : i32
          %shift_right_logical3A_301 = vector.broadcast %shift_right_logical3A_300 : i32 to vector<16xi32>
          %shift_right_logical3A_302 = arith.shrui %xor3A_299, %shift_right_logical3A_301 : vector<16xi32>
          %and3A_303 = vector.broadcast %scan3A_73 : i32 to vector<16xi32>
          %and3A_304 = arith.andi %shift_right_logical3A_302, %and3A_303 : vector<16xi32>
          %broadcast_in_dim3A_305 = arith.constant true
          %broadcast_in_dim3A_306 = vector.broadcast %broadcast_in_dim3A_305 : i1 to vector<16xi1>
          %unique3A_307, %unique3A_308 = tpu.scan_count mask(%broadcast_in_dim3A_306 : vector<16xi1>) value(%and3A_304 : vector<16xi32>) : vector<16xi1>, vector<16xi32>
          %gather3A_309 = tpu.vector_load_idx %arg6[%and3A_304] : memref<2048xi32, #tpu.memory_space<vmem>>[vector<16xi32>], vector<16xi32>,
          %add3A_310 = arith.addi %gather3A_309, %unique3A_308 : vector<16xi32>
          %sub3A_311 = arith.constant 1 : i32
          %sub3A_312 = vector.broadcast %sub3A_311 : i32 to vector<16xi32>
          %sub3A_313 = arith.subi %add3A_310, %sub3A_312 : vector<16xi32>
          tpu.vector_store_idx %arg5[%sub3A_313], %xor3A_299 : memref<65536xi32, #tpu.memory_space<vmem>>[vector<16xi32>], vector<16xi32>,
          tpu.vector_store_idx %arg6[%and3A_304], %unique3A_308 masked %unique3A_307 {add = true} : memref<2048xi32, #tpu.memory_space<vmem>>[vector<16xi32>], vector<16xi32>, vector<16xi1>
          %scan3A_314 = arith.constant 0 : i32
          %scan3A_315 = arith.constant 6 : i32
          %scan3A_316 = arith.addi %scan3A_151, %scan3A_315 : i32
          %mul3A_317 = arith.constant 16 : i32
          %mul3A_318 = arith.muli %scan3A_316, %mul3A_317 : i32
          %get3A_319 = arith.index_cast %mul3A_318 : i32 to index
          %get3A_320 = tpu.vector_load %arg9[%get3A_319] {strides = array<i32>} : memref<4096xf32, #tpu.memory_space<vmem>>, vector<16xf32>,
          %bitcast_convert_type3A_321 = tpu.bitcast %get3A_320 : vector<16xf32> -> vector<16xi32>
          %shift_right_arithmetic3A_322 = arith.constant 31 : i32
          %shift_right_arithmetic3A_323 = vector.broadcast %shift_right_arithmetic3A_322 : i32 to vector<16xi32>
          %shift_right_arithmetic3A_324 = arith.shrsi %bitcast_convert_type3A_321, %shift_right_arithmetic3A_323 : vector<16xi32>
          %or3A_325 = arith.constant -2147483648 : i32
          %or3A_326 = vector.broadcast %or3A_325 : i32 to vector<16xi32>
          %or3A_327 = arith.ori %shift_right_arithmetic3A_324, %or3A_326 : vector<16xi32>
          %xor3A_328 = arith.xori %bitcast_convert_type3A_321, %or3A_327 : vector<16xi32>
          %shift_right_logical3A_329 = arith.constant 0 : i32
          %shift_right_logical3A_330 = vector.broadcast %shift_right_logical3A_329 : i32 to vector<16xi32>
          %shift_right_logical3A_331 = arith.shrui %xor3A_328, %shift_right_logical3A_330 : vector<16xi32>
          %and3A_332 = vector.broadcast %scan3A_73 : i32 to vector<16xi32>
          %and3A_333 = arith.andi %shift_right_logical3A_331, %and3A_332 : vector<16xi32>
          %broadcast_in_dim3A_334 = arith.constant true
          %broadcast_in_dim3A_335 = vector.broadcast %broadcast_in_dim3A_334 : i1 to vector<16xi1>
          %unique3A_336, %unique3A_337 = tpu.scan_count mask(%broadcast_in_dim3A_335 : vector<16xi1>) value(%and3A_333 : vector<16xi32>) : vector<16xi1>, vector<16xi32>
          %gather3A_338 = tpu.vector_load_idx %arg6[%and3A_333] : memref<2048xi32, #tpu.memory_space<vmem>>[vector<16xi32>], vector<16xi32>,
          %add3A_339 = arith.addi %gather3A_338, %unique3A_337 : vector<16xi32>
          %sub3A_340 = arith.constant 1 : i32
          %sub3A_341 = vector.broadcast %sub3A_340 : i32 to vector<16xi32>
          %sub3A_342 = arith.subi %add3A_339, %sub3A_341 : vector<16xi32>
          tpu.vector_store_idx %arg5[%sub3A_342], %xor3A_328 : memref<65536xi32, #tpu.memory_space<vmem>>[vector<16xi32>], vector<16xi32>,
          tpu.vector_store_idx %arg6[%and3A_333], %unique3A_337 masked %unique3A_336 {add = true} : memref<2048xi32, #tpu.memory_space<vmem>>[vector<16xi32>], vector<16xi32>, vector<16xi1>
          %scan3A_343 = arith.constant 0 : i32
          %scan3A_344 = arith.constant 7 : i32
          %scan3A_345 = arith.addi %scan3A_151, %scan3A_344 : i32
          %mul3A_346 = arith.constant 16 : i32
          %mul3A_347 = arith.muli %scan3A_345, %mul3A_346 : i32
          %get3A_348 = arith.index_cast %mul3A_347 : i32 to index
          %get3A_349 = tpu.vector_load %arg9[%get3A_348] {strides = array<i32>} : memref<4096xf32, #tpu.memory_space<vmem>>, vector<16xf32>,
          %bitcast_convert_type3A_350 = tpu.bitcast %get3A_349 : vector<16xf32> -> vector<16xi32>
          %shift_right_arithmetic3A_351 = arith.constant 31 : i32
          %shift_right_arithmetic3A_352 = vector.broadcast %shift_right_arithmetic3A_351 : i32 to vector<16xi32>
          %shift_right_arithmetic3A_353 = arith.shrsi %bitcast_convert_type3A_350, %shift_right_arithmetic3A_352 : vector<16xi32>
          %or3A_354 = arith.constant -2147483648 : i32
          %or3A_355 = vector.broadcast %or3A_354 : i32 to vector<16xi32>
          %or3A_356 = arith.ori %shift_right_arithmetic3A_353, %or3A_355 : vector<16xi32>
          %xor3A_357 = arith.xori %bitcast_convert_type3A_350, %or3A_356 : vector<16xi32>
          %shift_right_logical3A_358 = arith.constant 0 : i32
          %shift_right_logical3A_359 = vector.broadcast %shift_right_logical3A_358 : i32 to vector<16xi32>
          %shift_right_logical3A_360 = arith.shrui %xor3A_357, %shift_right_logical3A_359 : vector<16xi32>
          %and3A_361 = vector.broadcast %scan3A_73 : i32 to vector<16xi32>
          %and3A_362 = arith.andi %shift_right_logical3A_360, %and3A_361 : vector<16xi32>
          %broadcast_in_dim3A_363 = arith.constant true
          %broadcast_in_dim3A_364 = vector.broadcast %broadcast_in_dim3A_363 : i1 to vector<16xi1>
          %unique3A_365, %unique3A_366 = tpu.scan_count mask(%broadcast_in_dim3A_364 : vector<16xi1>) value(%and3A_362 : vector<16xi32>) : vector<16xi1>, vector<16xi32>
          %gather3A_367 = tpu.vector_load_idx %arg6[%and3A_362] : memref<2048xi32, #tpu.memory_space<vmem>>[vector<16xi32>], vector<16xi32>,
          %add3A_368 = arith.addi %gather3A_367, %unique3A_366 : vector<16xi32>
          %sub3A_369 = arith.constant 1 : i32
          %sub3A_370 = vector.broadcast %sub3A_369 : i32 to vector<16xi32>
          %sub3A_371 = arith.subi %add3A_368, %sub3A_370 : vector<16xi32>
          tpu.vector_store_idx %arg5[%sub3A_371], %xor3A_357 : memref<65536xi32, #tpu.memory_space<vmem>>[vector<16xi32>], vector<16xi32>,
          tpu.vector_store_idx %arg6[%and3A_362], %unique3A_366 masked %unique3A_365 {add = true} : memref<2048xi32, #tpu.memory_space<vmem>>[vector<16xi32>], vector<16xi32>, vector<16xi1>
          %scan3A_372 = arith.constant 0 : i32
          scf.yield %scan3A_372 : i32
        }
        %scan3A_126 = arith.constant 256 : i32
        %mul3A_127 = arith.constant 2 : i32
        %mul3A_128 = arith.muli %scan3A_106, %mul3A_127 : i32
        %add3A_129 = arith.constant 1 : i32
        %add3A_130 = arith.addi %mul3A_128, %add3A_129 : i32
        %add3A_131 = arith.constant 1 : i32
        %add3A_132 = arith.addi %add3A_130, %add3A_131 : i32
        %lt3A_133 = arith.constant 16 : i32
        %lt3A_134 = arith.cmpi slt, %add3A_132, %lt3A_133 : i32
        %convert_element_type3A_135 = arith.extui %lt3A_134 : i1 to i32
        %cond3A_136 = arith.constant 0 : i32
        %cond3A_137 = arith.cmpi ne, %convert_element_type3A_135, %cond3A_136 : i32
        scf.if %cond3A_137 {
          %add3A_151 = arith.constant 1 : i32
          %add3A_152 = arith.addi %add3A_130, %add3A_151 : i32
          %mul3A_153 = arith.constant 4096 : i32
          %mul3A_154 = arith.muli %add3A_152, %mul3A_153 : i32
          %dma_start3A_155 = tpu.memref_slice %arg2[%add3A_12, %mul3A_154] : memref<256x65536xf32, #tpu.memory_space<hbm>> -> memref<1x4096xf32, #tpu.memory_space<hbm>>
          %dma_start3A_156 = tpu.memref_squeeze %dma_start3A_155 : memref<1x4096xf32, #tpu.memory_space<hbm>> -> memref<4096xf32, #tpu.memory_space<hbm>>
          %dma_start3A_157 = tpu.memref_slice %arg2[%add3A_12, %mul3A_154] : memref<256x65536xf32, #tpu.memory_space<hbm>> -> memref<1x4096xf32, #tpu.memory_space<hbm>>
          %dma_start3A_158 = tpu.memref_squeeze %dma_start3A_157 : memref<1x4096xf32, #tpu.memory_space<hbm>> -> memref<4096xf32, #tpu.memory_space<hbm>>
          tpu.enqueue_dma source(%dma_start3A_158 : memref<4096xf32, #tpu.memory_space<hbm>>) target(%arg9 : memref<4096xf32, #tpu.memory_space<vmem>>) target_semaphore(%arg13 : memref<!tpu.dma_semaphore, #tpu.memory_space<semaphore_mem>>)
        } else {
        }
        %mul3A_138 = arith.constant 4096 : i32
        %mul3A_139 = arith.muli %add3A_130, %mul3A_138 : i32
        %dma_wait3A_140 = tpu.memref_slice %arg2[%add3A_12, %mul3A_139] : memref<256x65536xf32, #tpu.memory_space<hbm>> -> memref<1x4096xf32, #tpu.memory_space<hbm>>
        %dma_wait3A_141 = tpu.memref_squeeze %dma_wait3A_140 : memref<1x4096xf32, #tpu.memory_space<hbm>> -> memref<4096xf32, #tpu.memory_space<hbm>>
        %dma_wait3A_142 = tpu.memref_slice %arg2[%add3A_12, %mul3A_139] : memref<256x65536xf32, #tpu.memory_space<hbm>> -> memref<1x4096xf32, #tpu.memory_space<hbm>>
        %dma_wait3A_143 = tpu.memref_squeeze %dma_wait3A_142 : memref<1x4096xf32, #tpu.memory_space<hbm>> -> memref<4096xf32, #tpu.memory_space<hbm>>
        tpu.wait_dma2 semaphore(%arg14 : memref<!tpu.dma_semaphore, #tpu.memory_space<semaphore_mem>>) src(%dma_wait3A_143 : memref<4096xf32, #tpu.memory_space<hbm>>) dst(%arg10 : memref<4096xf32, #tpu.memory_space<vmem>>)
        %scan3A_144 = arith.constant 0 : i32
        %scan3A_145 = arith.constant 0 : i32
        %scan3A_146 = arith.constant 256 : i32
        %scan3A_147 = arith.addi %scan3A_145, %scan3A_146 : i32
        %scan3A_148 = arith.constant 8 : i32
        %scan3A_149 = scf.for %scan3A_151 = %scan3A_145 to %scan3A_147 step %scan3A_148 iter_args(%scan3A_152 = %scan3A_144) -> (i32)  : i32 {
          %mul3A_153 = arith.constant 16 : i32
          %mul3A_154 = arith.muli %scan3A_151, %mul3A_153 : i32
          %get3A = arith.index_cast %mul3A_154 : i32 to index
          %get3A_155 = tpu.vector_load %arg10[%get3A] {strides = array<i32>} : memref<4096xf32, #tpu.memory_space<vmem>>, vector<16xf32>,
          %bitcast_convert_type3A = tpu.bitcast %get3A_155 : vector<16xf32> -> vector<16xi32>
          %shift_right_arithmetic3A = arith.constant 31 : i32
          %shift_right_arithmetic3A_156 = vector.broadcast %shift_right_arithmetic3A : i32 to vector<16xi32>
          %shift_right_arithmetic3A_157 = arith.shrsi %bitcast_convert_type3A, %shift_right_arithmetic3A_156 : vector<16xi32>
          %or3A = arith.constant -2147483648 : i32
          %or3A_158 = vector.broadcast %or3A : i32 to vector<16xi32>
          %or3A_159 = arith.ori %shift_right_arithmetic3A_157, %or3A_158 : vector<16xi32>
          %xor3A = arith.xori %bitcast_convert_type3A, %or3A_159 : vector<16xi32>
          %shift_right_logical3A = arith.constant 0 : i32
          %shift_right_logical3A_160 = vector.broadcast %shift_right_logical3A : i32 to vector<16xi32>
          %shift_right_logical3A_161 = arith.shrui %xor3A, %shift_right_logical3A_160 : vector<16xi32>
          %and3A = vector.broadcast %scan3A_73 : i32 to vector<16xi32>
          %and3A_162 = arith.andi %shift_right_logical3A_161, %and3A : vector<16xi32>
          %broadcast_in_dim3A_163 = arith.constant true
          %broadcast_in_dim3A_164 = vector.broadcast %broadcast_in_dim3A_163 : i1 to vector<16xi1>
          %unique3A, %unique3A_165 = tpu.scan_count mask(%broadcast_in_dim3A_164 : vector<16xi1>) value(%and3A_162 : vector<16xi32>) : vector<16xi1>, vector<16xi32>
          %gather3A = tpu.vector_load_idx %arg6[%and3A_162] : memref<2048xi32, #tpu.memory_space<vmem>>[vector<16xi32>], vector<16xi32>,
          %add3A_166 = arith.addi %gather3A, %unique3A_165 : vector<16xi32>
          %sub3A = arith.constant 1 : i32
          %sub3A_167 = vector.broadcast %sub3A : i32 to vector<16xi32>
          %sub3A_168 = arith.subi %add3A_166, %sub3A_167 : vector<16xi32>
          tpu.vector_store_idx %arg5[%sub3A_168], %xor3A : memref<65536xi32, #tpu.memory_space<vmem>>[vector<16xi32>], vector<16xi32>,
          tpu.vector_store_idx %arg6[%and3A_162], %unique3A_165 masked %unique3A {add = true} : memref<2048xi32, #tpu.memory_space<vmem>>[vector<16xi32>], vector<16xi32>, vector<16xi1>
          %scan3A_169 = arith.constant 0 : i32
          %scan3A_170 = arith.constant 1 : i32
          %scan3A_171 = arith.addi %scan3A_151, %scan3A_170 : i32
          %mul3A_172 = arith.constant 16 : i32
          %mul3A_173 = arith.muli %scan3A_171, %mul3A_172 : i32
          %get3A_174 = arith.index_cast %mul3A_173 : i32 to index
          %get3A_175 = tpu.vector_load %arg10[%get3A_174] {strides = array<i32>} : memref<4096xf32, #tpu.memory_space<vmem>>, vector<16xf32>,
          %bitcast_convert_type3A_176 = tpu.bitcast %get3A_175 : vector<16xf32> -> vector<16xi32>
          %shift_right_arithmetic3A_177 = arith.constant 31 : i32
          %shift_right_arithmetic3A_178 = vector.broadcast %shift_right_arithmetic3A_177 : i32 to vector<16xi32>
          %shift_right_arithmetic3A_179 = arith.shrsi %bitcast_convert_type3A_176, %shift_right_arithmetic3A_178 : vector<16xi32>
          %or3A_180 = arith.constant -2147483648 : i32
          %or3A_181 = vector.broadcast %or3A_180 : i32 to vector<16xi32>
          %or3A_182 = arith.ori %shift_right_arithmetic3A_179, %or3A_181 : vector<16xi32>
          %xor3A_183 = arith.xori %bitcast_convert_type3A_176, %or3A_182 : vector<16xi32>
          %shift_right_logical3A_184 = arith.constant 0 : i32
          %shift_right_logical3A_185 = vector.broadcast %shift_right_logical3A_184 : i32 to vector<16xi32>
          %shift_right_logical3A_186 = arith.shrui %xor3A_183, %shift_right_logical3A_185 : vector<16xi32>
          %and3A_187 = vector.broadcast %scan3A_73 : i32 to vector<16xi32>
          %and3A_188 = arith.andi %shift_right_logical3A_186, %and3A_187 : vector<16xi32>
          %broadcast_in_dim3A_189 = arith.constant true
          %broadcast_in_dim3A_190 = vector.broadcast %broadcast_in_dim3A_189 : i1 to vector<16xi1>
          %unique3A_191, %unique3A_192 = tpu.scan_count mask(%broadcast_in_dim3A_190 : vector<16xi1>) value(%and3A_188 : vector<16xi32>) : vector<16xi1>, vector<16xi32>
          %gather3A_193 = tpu.vector_load_idx %arg6[%and3A_188] : memref<2048xi32, #tpu.memory_space<vmem>>[vector<16xi32>], vector<16xi32>,
          %add3A_194 = arith.addi %gather3A_193, %unique3A_192 : vector<16xi32>
          %sub3A_195 = arith.constant 1 : i32
          %sub3A_196 = vector.broadcast %sub3A_195 : i32 to vector<16xi32>
          %sub3A_197 = arith.subi %add3A_194, %sub3A_196 : vector<16xi32>
          tpu.vector_store_idx %arg5[%sub3A_197], %xor3A_183 : memref<65536xi32, #tpu.memory_space<vmem>>[vector<16xi32>], vector<16xi32>,
          tpu.vector_store_idx %arg6[%and3A_188], %unique3A_192 masked %unique3A_191 {add = true} : memref<2048xi32, #tpu.memory_space<vmem>>[vector<16xi32>], vector<16xi32>, vector<16xi1>
          %scan3A_198 = arith.constant 0 : i32
          %scan3A_199 = arith.constant 2 : i32
          %scan3A_200 = arith.addi %scan3A_151, %scan3A_199 : i32
          %mul3A_201 = arith.constant 16 : i32
          %mul3A_202 = arith.muli %scan3A_200, %mul3A_201 : i32
          %get3A_203 = arith.index_cast %mul3A_202 : i32 to index
          %get3A_204 = tpu.vector_load %arg10[%get3A_203] {strides = array<i32>} : memref<4096xf32, #tpu.memory_space<vmem>>, vector<16xf32>,
          %bitcast_convert_type3A_205 = tpu.bitcast %get3A_204 : vector<16xf32> -> vector<16xi32>
          %shift_right_arithmetic3A_206 = arith.constant 31 : i32
          %shift_right_arithmetic3A_207 = vector.broadcast %shift_right_arithmetic3A_206 : i32 to vector<16xi32>
          %shift_right_arithmetic3A_208 = arith.shrsi %bitcast_convert_type3A_205, %shift_right_arithmetic3A_207 : vector<16xi32>
          %or3A_209 = arith.constant -2147483648 : i32
          %or3A_210 = vector.broadcast %or3A_209 : i32 to vector<16xi32>
          %or3A_211 = arith.ori %shift_right_arithmetic3A_208, %or3A_210 : vector<16xi32>
          %xor3A_212 = arith.xori %bitcast_convert_type3A_205, %or3A_211 : vector<16xi32>
          %shift_right_logical3A_213 = arith.constant 0 : i32
          %shift_right_logical3A_214 = vector.broadcast %shift_right_logical3A_213 : i32 to vector<16xi32>
          %shift_right_logical3A_215 = arith.shrui %xor3A_212, %shift_right_logical3A_214 : vector<16xi32>
          %and3A_216 = vector.broadcast %scan3A_73 : i32 to vector<16xi32>
          %and3A_217 = arith.andi %shift_right_logical3A_215, %and3A_216 : vector<16xi32>
          %broadcast_in_dim3A_218 = arith.constant true
          %broadcast_in_dim3A_219 = vector.broadcast %broadcast_in_dim3A_218 : i1 to vector<16xi1>
          %unique3A_220, %unique3A_221 = tpu.scan_count mask(%broadcast_in_dim3A_219 : vector<16xi1>) value(%and3A_217 : vector<16xi32>) : vector<16xi1>, vector<16xi32>
          %gather3A_222 = tpu.vector_load_idx %arg6[%and3A_217] : memref<2048xi32, #tpu.memory_space<vmem>>[vector<16xi32>], vector<16xi32>,
          %add3A_223 = arith.addi %gather3A_222, %unique3A_221 : vector<16xi32>
          %sub3A_224 = arith.constant 1 : i32
          %sub3A_225 = vector.broadcast %sub3A_224 : i32 to vector<16xi32>
          %sub3A_226 = arith.subi %add3A_223, %sub3A_225 : vector<16xi32>
          tpu.vector_store_idx %arg5[%sub3A_226], %xor3A_212 : memref<65536xi32, #tpu.memory_space<vmem>>[vector<16xi32>], vector<16xi32>,
          tpu.vector_store_idx %arg6[%and3A_217], %unique3A_221 masked %unique3A_220 {add = true} : memref<2048xi32, #tpu.memory_space<vmem>>[vector<16xi32>], vector<16xi32>, vector<16xi1>
          %scan3A_227 = arith.constant 0 : i32
          %scan3A_228 = arith.constant 3 : i32
          %scan3A_229 = arith.addi %scan3A_151, %scan3A_228 : i32
          %mul3A_230 = arith.constant 16 : i32
          %mul3A_231 = arith.muli %scan3A_229, %mul3A_230 : i32
          %get3A_232 = arith.index_cast %mul3A_231 : i32 to index
          %get3A_233 = tpu.vector_load %arg10[%get3A_232] {strides = array<i32>} : memref<4096xf32, #tpu.memory_space<vmem>>, vector<16xf32>,
          %bitcast_convert_type3A_234 = tpu.bitcast %get3A_233 : vector<16xf32> -> vector<16xi32>
          %shift_right_arithmetic3A_235 = arith.constant 31 : i32
          %shift_right_arithmetic3A_236 = vector.broadcast %shift_right_arithmetic3A_235 : i32 to vector<16xi32>
          %shift_right_arithmetic3A_237 = arith.shrsi %bitcast_convert_type3A_234, %shift_right_arithmetic3A_236 : vector<16xi32>
          %or3A_238 = arith.constant -2147483648 : i32
          %or3A_239 = vector.broadcast %or3A_238 : i32 to vector<16xi32>
          %or3A_240 = arith.ori %shift_right_arithmetic3A_237, %or3A_239 : vector<16xi32>
          %xor3A_241 = arith.xori %bitcast_convert_type3A_234, %or3A_240 : vector<16xi32>
          %shift_right_logical3A_242 = arith.constant 0 : i32
          %shift_right_logical3A_243 = vector.broadcast %shift_right_logical3A_242 : i32 to vector<16xi32>
          %shift_right_logical3A_244 = arith.shrui %xor3A_241, %shift_right_logical3A_243 : vector<16xi32>
          %and3A_245 = vector.broadcast %scan3A_73 : i32 to vector<16xi32>
          %and3A_246 = arith.andi %shift_right_logical3A_244, %and3A_245 : vector<16xi32>
          %broadcast_in_dim3A_247 = arith.constant true
          %broadcast_in_dim3A_248 = vector.broadcast %broadcast_in_dim3A_247 : i1 to vector<16xi1>
          %unique3A_249, %unique3A_250 = tpu.scan_count mask(%broadcast_in_dim3A_248 : vector<16xi1>) value(%and3A_246 : vector<16xi32>) : vector<16xi1>, vector<16xi32>
          %gather3A_251 = tpu.vector_load_idx %arg6[%and3A_246] : memref<2048xi32, #tpu.memory_space<vmem>>[vector<16xi32>], vector<16xi32>,
          %add3A_252 = arith.addi %gather3A_251, %unique3A_250 : vector<16xi32>
          %sub3A_253 = arith.constant 1 : i32
          %sub3A_254 = vector.broadcast %sub3A_253 : i32 to vector<16xi32>
          %sub3A_255 = arith.subi %add3A_252, %sub3A_254 : vector<16xi32>
          tpu.vector_store_idx %arg5[%sub3A_255], %xor3A_241 : memref<65536xi32, #tpu.memory_space<vmem>>[vector<16xi32>], vector<16xi32>,
          tpu.vector_store_idx %arg6[%and3A_246], %unique3A_250 masked %unique3A_249 {add = true} : memref<2048xi32, #tpu.memory_space<vmem>>[vector<16xi32>], vector<16xi32>, vector<16xi1>
          %scan3A_256 = arith.constant 0 : i32
          %scan3A_257 = arith.constant 4 : i32
          %scan3A_258 = arith.addi %scan3A_151, %scan3A_257 : i32
          %mul3A_259 = arith.constant 16 : i32
          %mul3A_260 = arith.muli %scan3A_258, %mul3A_259 : i32
          %get3A_261 = arith.index_cast %mul3A_260 : i32 to index
          %get3A_262 = tpu.vector_load %arg10[%get3A_261] {strides = array<i32>} : memref<4096xf32, #tpu.memory_space<vmem>>, vector<16xf32>,
          %bitcast_convert_type3A_263 = tpu.bitcast %get3A_262 : vector<16xf32> -> vector<16xi32>
          %shift_right_arithmetic3A_264 = arith.constant 31 : i32
          %shift_right_arithmetic3A_265 = vector.broadcast %shift_right_arithmetic3A_264 : i32 to vector<16xi32>
          %shift_right_arithmetic3A_266 = arith.shrsi %bitcast_convert_type3A_263, %shift_right_arithmetic3A_265 : vector<16xi32>
          %or3A_267 = arith.constant -2147483648 : i32
          %or3A_268 = vector.broadcast %or3A_267 : i32 to vector<16xi32>
          %or3A_269 = arith.ori %shift_right_arithmetic3A_266, %or3A_268 : vector<16xi32>
          %xor3A_270 = arith.xori %bitcast_convert_type3A_263, %or3A_269 : vector<16xi32>
          %shift_right_logical3A_271 = arith.constant 0 : i32
          %shift_right_logical3A_272 = vector.broadcast %shift_right_logical3A_271 : i32 to vector<16xi32>
          %shift_right_logical3A_273 = arith.shrui %xor3A_270, %shift_right_logical3A_272 : vector<16xi32>
          %and3A_274 = vector.broadcast %scan3A_73 : i32 to vector<16xi32>
          %and3A_275 = arith.andi %shift_right_logical3A_273, %and3A_274 : vector<16xi32>
          %broadcast_in_dim3A_276 = arith.constant true
          %broadcast_in_dim3A_277 = vector.broadcast %broadcast_in_dim3A_276 : i1 to vector<16xi1>
          %unique3A_278, %unique3A_279 = tpu.scan_count mask(%broadcast_in_dim3A_277 : vector<16xi1>) value(%and3A_275 : vector<16xi32>) : vector<16xi1>, vector<16xi32>
          %gather3A_280 = tpu.vector_load_idx %arg6[%and3A_275] : memref<2048xi32, #tpu.memory_space<vmem>>[vector<16xi32>], vector<16xi32>,
          %add3A_281 = arith.addi %gather3A_280, %unique3A_279 : vector<16xi32>
          %sub3A_282 = arith.constant 1 : i32
          %sub3A_283 = vector.broadcast %sub3A_282 : i32 to vector<16xi32>
          %sub3A_284 = arith.subi %add3A_281, %sub3A_283 : vector<16xi32>
          tpu.vector_store_idx %arg5[%sub3A_284], %xor3A_270 : memref<65536xi32, #tpu.memory_space<vmem>>[vector<16xi32>], vector<16xi32>,
          tpu.vector_store_idx %arg6[%and3A_275], %unique3A_279 masked %unique3A_278 {add = true} : memref<2048xi32, #tpu.memory_space<vmem>>[vector<16xi32>], vector<16xi32>, vector<16xi1>
          %scan3A_285 = arith.constant 0 : i32
          %scan3A_286 = arith.constant 5 : i32
          %scan3A_287 = arith.addi %scan3A_151, %scan3A_286 : i32
          %mul3A_288 = arith.constant 16 : i32
          %mul3A_289 = arith.muli %scan3A_287, %mul3A_288 : i32
          %get3A_290 = arith.index_cast %mul3A_289 : i32 to index
          %get3A_291 = tpu.vector_load %arg10[%get3A_290] {strides = array<i32>} : memref<4096xf32, #tpu.memory_space<vmem>>, vector<16xf32>,
          %bitcast_convert_type3A_292 = tpu.bitcast %get3A_291 : vector<16xf32> -> vector<16xi32>
          %shift_right_arithmetic3A_293 = arith.constant 31 : i32
          %shift_right_arithmetic3A_294 = vector.broadcast %shift_right_arithmetic3A_293 : i32 to vector<16xi32>
          %shift_right_arithmetic3A_295 = arith.shrsi %bitcast_convert_type3A_292, %shift_right_arithmetic3A_294 : vector<16xi32>
          %or3A_296 = arith.constant -2147483648 : i32
          %or3A_297 = vector.broadcast %or3A_296 : i32 to vector<16xi32>
          %or3A_298 = arith.ori %shift_right_arithmetic3A_295, %or3A_297 : vector<16xi32>
          %xor3A_299 = arith.xori %bitcast_convert_type3A_292, %or3A_298 : vector<16xi32>
          %shift_right_logical3A_300 = arith.constant 0 : i32
          %shift_right_logical3A_301 = vector.broadcast %shift_right_logical3A_300 : i32 to vector<16xi32>
          %shift_right_logical3A_302 = arith.shrui %xor3A_299, %shift_right_logical3A_301 : vector<16xi32>
          %and3A_303 = vector.broadcast %scan3A_73 : i32 to vector<16xi32>
          %and3A_304 = arith.andi %shift_right_logical3A_302, %and3A_303 : vector<16xi32>
          %broadcast_in_dim3A_305 = arith.constant true
          %broadcast_in_dim3A_306 = vector.broadcast %broadcast_in_dim3A_305 : i1 to vector<16xi1>
          %unique3A_307, %unique3A_308 = tpu.scan_count mask(%broadcast_in_dim3A_306 : vector<16xi1>) value(%and3A_304 : vector<16xi32>) : vector<16xi1>, vector<16xi32>
          %gather3A_309 = tpu.vector_load_idx %arg6[%and3A_304] : memref<2048xi32, #tpu.memory_space<vmem>>[vector<16xi32>], vector<16xi32>,
          %add3A_310 = arith.addi %gather3A_309, %unique3A_308 : vector<16xi32>
          %sub3A_311 = arith.constant 1 : i32
          %sub3A_312 = vector.broadcast %sub3A_311 : i32 to vector<16xi32>
          %sub3A_313 = arith.subi %add3A_310, %sub3A_312 : vector<16xi32>
          tpu.vector_store_idx %arg5[%sub3A_313], %xor3A_299 : memref<65536xi32, #tpu.memory_space<vmem>>[vector<16xi32>], vector<16xi32>,
          tpu.vector_store_idx %arg6[%and3A_304], %unique3A_308 masked %unique3A_307 {add = true} : memref<2048xi32, #tpu.memory_space<vmem>>[vector<16xi32>], vector<16xi32>, vector<16xi1>
          %scan3A_314 = arith.constant 0 : i32
          %scan3A_315 = arith.constant 6 : i32
          %scan3A_316 = arith.addi %scan3A_151, %scan3A_315 : i32
          %mul3A_317 = arith.constant 16 : i32
          %mul3A_318 = arith.muli %scan3A_316, %mul3A_317 : i32
          %get3A_319 = arith.index_cast %mul3A_318 : i32 to index
          %get3A_320 = tpu.vector_load %arg10[%get3A_319] {strides = array<i32>} : memref<4096xf32, #tpu.memory_space<vmem>>, vector<16xf32>,
          %bitcast_convert_type3A_321 = tpu.bitcast %get3A_320 : vector<16xf32> -> vector<16xi32>
          %shift_right_arithmetic3A_322 = arith.constant 31 : i32
          %shift_right_arithmetic3A_323 = vector.broadcast %shift_right_arithmetic3A_322 : i32 to vector<16xi32>
          %shift_right_arithmetic3A_324 = arith.shrsi %bitcast_convert_type3A_321, %shift_right_arithmetic3A_323 : vector<16xi32>
          %or3A_325 = arith.constant -2147483648 : i32
          %or3A_326 = vector.broadcast %or3A_325 : i32 to vector<16xi32>
          %or3A_327 = arith.ori %shift_right_arithmetic3A_324, %or3A_326 : vector<16xi32>
          %xor3A_328 = arith.xori %bitcast_convert_type3A_321, %or3A_327 : vector<16xi32>
          %shift_right_logical3A_329 = arith.constant 0 : i32
          %shift_right_logical3A_330 = vector.broadcast %shift_right_logical3A_329 : i32 to vector<16xi32>
          %shift_right_logical3A_331 = arith.shrui %xor3A_328, %shift_right_logical3A_330 : vector<16xi32>
          %and3A_332 = vector.broadcast %scan3A_73 : i32 to vector<16xi32>
          %and3A_333 = arith.andi %shift_right_logical3A_331, %and3A_332 : vector<16xi32>
          %broadcast_in_dim3A_334 = arith.constant true
          %broadcast_in_dim3A_335 = vector.broadcast %broadcast_in_dim3A_334 : i1 to vector<16xi1>
          %unique3A_336, %unique3A_337 = tpu.scan_count mask(%broadcast_in_dim3A_335 : vector<16xi1>) value(%and3A_333 : vector<16xi32>) : vector<16xi1>, vector<16xi32>
          %gather3A_338 = tpu.vector_load_idx %arg6[%and3A_333] : memref<2048xi32, #tpu.memory_space<vmem>>[vector<16xi32>], vector<16xi32>,
          %add3A_339 = arith.addi %gather3A_338, %unique3A_337 : vector<16xi32>
          %sub3A_340 = arith.constant 1 : i32
          %sub3A_341 = vector.broadcast %sub3A_340 : i32 to vector<16xi32>
          %sub3A_342 = arith.subi %add3A_339, %sub3A_341 : vector<16xi32>
          tpu.vector_store_idx %arg5[%sub3A_342], %xor3A_328 : memref<65536xi32, #tpu.memory_space<vmem>>[vector<16xi32>], vector<16xi32>,
          tpu.vector_store_idx %arg6[%and3A_333], %unique3A_337 masked %unique3A_336 {add = true} : memref<2048xi32, #tpu.memory_space<vmem>>[vector<16xi32>], vector<16xi32>, vector<16xi1>
          %scan3A_343 = arith.constant 0 : i32
          %scan3A_344 = arith.constant 7 : i32
          %scan3A_345 = arith.addi %scan3A_151, %scan3A_344 : i32
          %mul3A_346 = arith.constant 16 : i32
          %mul3A_347 = arith.muli %scan3A_345, %mul3A_346 : i32
          %get3A_348 = arith.index_cast %mul3A_347 : i32 to index
          %get3A_349 = tpu.vector_load %arg10[%get3A_348] {strides = array<i32>} : memref<4096xf32, #tpu.memory_space<vmem>>, vector<16xf32>,
          %bitcast_convert_type3A_350 = tpu.bitcast %get3A_349 : vector<16xf32> -> vector<16xi32>
          %shift_right_arithmetic3A_351 = arith.constant 31 : i32
          %shift_right_arithmetic3A_352 = vector.broadcast %shift_right_arithmetic3A_351 : i32 to vector<16xi32>
          %shift_right_arithmetic3A_353 = arith.shrsi %bitcast_convert_type3A_350, %shift_right_arithmetic3A_352 : vector<16xi32>
          %or3A_354 = arith.constant -2147483648 : i32
          %or3A_355 = vector.broadcast %or3A_354 : i32 to vector<16xi32>
          %or3A_356 = arith.ori %shift_right_arithmetic3A_353, %or3A_355 : vector<16xi32>
          %xor3A_357 = arith.xori %bitcast_convert_type3A_350, %or3A_356 : vector<16xi32>
          %shift_right_logical3A_358 = arith.constant 0 : i32
          %shift_right_logical3A_359 = vector.broadcast %shift_right_logical3A_358 : i32 to vector<16xi32>
          %shift_right_logical3A_360 = arith.shrui %xor3A_357, %shift_right_logical3A_359 : vector<16xi32>
          %and3A_361 = vector.broadcast %scan3A_73 : i32 to vector<16xi32>
          %and3A_362 = arith.andi %shift_right_logical3A_360, %and3A_361 : vector<16xi32>
          %broadcast_in_dim3A_363 = arith.constant true
          %broadcast_in_dim3A_364 = vector.broadcast %broadcast_in_dim3A_363 : i1 to vector<16xi1>
          %unique3A_365, %unique3A_366 = tpu.scan_count mask(%broadcast_in_dim3A_364 : vector<16xi1>) value(%and3A_362 : vector<16xi32>) : vector<16xi1>, vector<16xi32>
          %gather3A_367 = tpu.vector_load_idx %arg6[%and3A_362] : memref<2048xi32, #tpu.memory_space<vmem>>[vector<16xi32>], vector<16xi32>,
          %add3A_368 = arith.addi %gather3A_367, %unique3A_366 : vector<16xi32>
          %sub3A_369 = arith.constant 1 : i32
          %sub3A_370 = vector.broadcast %sub3A_369 : i32 to vector<16xi32>
          %sub3A_371 = arith.subi %add3A_368, %sub3A_370 : vector<16xi32>
          tpu.vector_store_idx %arg5[%sub3A_371], %xor3A_357 : memref<65536xi32, #tpu.memory_space<vmem>>[vector<16xi32>], vector<16xi32>,
          tpu.vector_store_idx %arg6[%and3A_362], %unique3A_366 masked %unique3A_365 {add = true} : memref<2048xi32, #tpu.memory_space<vmem>>[vector<16xi32>], vector<16xi32>, vector<16xi1>
          %scan3A_372 = arith.constant 0 : i32
          scf.yield %scan3A_372 : i32
        }
        %scan3A_150 = arith.constant 256 : i32
      }
      %scan3A_78 = arith.constant 8 : i32
      "tpu.region"() ({
        %run_scoped3A = tpu.sem_alloc : memref<!tpu.dma_semaphore, #tpu.memory_space<semaphore_mem>>
        %dma_start3A_106 = arith.constant 0 : i32
        %dma_start3A_107 = tpu.memref_slice %arg4[%add3A_12, %dma_start3A_106] : memref<256x65536xi32, #tpu.memory_space<hbm>> -> memref<1x65536xi32, #tpu.memory_space<hbm>>
        %dma_start3A_108 = tpu.memref_squeeze %dma_start3A_107 : memref<1x65536xi32, #tpu.memory_space<hbm>> -> memref<65536xi32, #tpu.memory_space<hbm>>
        %dma_start3A_109 = arith.constant 0 : i32
        %dma_start3A_110 = tpu.memref_slice %arg4[%add3A_12, %dma_start3A_109] : memref<256x65536xi32, #tpu.memory_space<hbm>> -> memref<1x65536xi32, #tpu.memory_space<hbm>>
        %dma_start3A_111 = tpu.memref_squeeze %dma_start3A_110 : memref<1x65536xi32, #tpu.memory_space<hbm>> -> memref<65536xi32, #tpu.memory_space<hbm>>
        tpu.enqueue_dma source(%arg5 : memref<65536xi32, #tpu.memory_space<vmem>>) target(%dma_start3A_111 : memref<65536xi32, #tpu.memory_space<hbm>>) target_semaphore(%run_scoped3A : memref<!tpu.dma_semaphore, #tpu.memory_space<semaphore_mem>>)
        %dma_wait3A = arith.constant 0 : i32
        %dma_wait3A_112 = tpu.memref_slice %arg4[%add3A_12, %dma_wait3A] : memref<256x65536xi32, #tpu.memory_space<hbm>> -> memref<1x65536xi32, #tpu.memory_space<hbm>>
        %dma_wait3A_113 = tpu.memref_squeeze %dma_wait3A_112 : memref<1x65536xi32, #tpu.memory_space<hbm>> -> memref<65536xi32, #tpu.memory_space<hbm>>
        %dma_wait3A_114 = arith.constant 0 : i32
        %dma_wait3A_115 = tpu.memref_slice %arg4[%add3A_12, %dma_wait3A_114] : memref<256x65536xi32, #tpu.memory_space<hbm>> -> memref<1x65536xi32, #tpu.memory_space<hbm>>
        %dma_wait3A_116 = tpu.memref_squeeze %dma_wait3A_115 : memref<1x65536xi32, #tpu.memory_space<hbm>> -> memref<65536xi32, #tpu.memory_space<hbm>>
        tpu.wait_dma2 semaphore(%run_scoped3A : memref<!tpu.dma_semaphore, #tpu.memory_space<semaphore_mem>>) src(%arg5 : memref<65536xi32, #tpu.memory_space<vmem>>) dst(%dma_wait3A_116 : memref<65536xi32, #tpu.memory_space<hbm>>)
        tpu.yield
      }) : () -> ()
      %dma_start3A_79 = arith.constant 0 : i32
      %dma_start3A_80 = tpu.memref_slice %arg4[%add3A_12, %dma_start3A_79] : memref<256x65536xi32, #tpu.memory_space<hbm>> -> memref<1x4096xi32, #tpu.memory_space<hbm>>
      %dma_start3A_81 = tpu.memref_squeeze %dma_start3A_80 : memref<1x4096xi32, #tpu.memory_space<hbm>> -> memref<4096xi32, #tpu.memory_space<hbm>>
      %dma_start3A_82 = arith.constant 0 : i32
      %dma_start3A_83 = tpu.memref_slice %arg4[%add3A_12, %dma_start3A_82] : memref<256x65536xi32, #tpu.memory_space<hbm>> -> memref<1x4096xi32, #tpu.memory_space<hbm>>
      %dma_start3A_84 = tpu.memref_squeeze %dma_start3A_83 : memref<1x4096xi32, #tpu.memory_space<hbm>> -> memref<4096xi32, #tpu.memory_space<hbm>>
      tpu.enqueue_dma source(%dma_start3A_84 : memref<4096xi32, #tpu.memory_space<hbm>>) target(%arg11 : memref<4096xi32, #tpu.memory_space<vmem>>) target_semaphore(%arg13 : memref<!tpu.dma_semaphore, #tpu.memory_space<semaphore_mem>>)
      %scan3A_85 = arith.constant 0 : i32
      %scan3A_86 = arith.constant 2047 : i32
      %scan3A_87 = arith.constant 0 : i32
      %scan3A_88 = arith.constant 8 : i32
      %scan3A_89 = arith.addi %scan3A_87, %scan3A_88 : i32
      %scan3A_90 = arith.constant 1 : i32
      scf.for %scan3A_106 = %scan3A_87 to %scan3A_89 step %scan3A_90  : i32 {
        %mul3A_107 = arith.constant 2 : i32
        %mul3A_108 = arith.muli %scan3A_106, %mul3A_107 : i32
        %add3A_109 = arith.constant 0 : i32
        %add3A_110 = arith.addi %mul3A_108, %add3A_109 : i32
        %add3A_111 = arith.constant 1 : i32
        %add3A_112 = arith.addi %add3A_110, %add3A_111 : i32
        %lt3A = arith.constant 16 : i32
        %lt3A_113 = arith.cmpi slt, %add3A_112, %lt3A : i32
        %convert_element_type3A = arith.extui %lt3A_113 : i1 to i32
        %cond3A = arith.constant 0 : i32
        %cond3A_114 = arith.cmpi ne, %convert_element_type3A, %cond3A : i32
        scf.if %cond3A_114 {
          %add3A_151 = arith.constant 1 : i32
          %add3A_152 = arith.addi %add3A_110, %add3A_151 : i32
          %mul3A_153 = arith.constant 4096 : i32
          %mul3A_154 = arith.muli %add3A_152, %mul3A_153 : i32
          %dma_start3A_155 = tpu.memref_slice %arg4[%add3A_12, %mul3A_154] : memref<256x65536xi32, #tpu.memory_space<hbm>> -> memref<1x4096xi32, #tpu.memory_space<hbm>>
          %dma_start3A_156 = tpu.memref_squeeze %dma_start3A_155 : memref<1x4096xi32, #tpu.memory_space<hbm>> -> memref<4096xi32, #tpu.memory_space<hbm>>
          %dma_start3A_157 = tpu.memref_slice %arg4[%add3A_12, %mul3A_154] : memref<256x65536xi32, #tpu.memory_space<hbm>> -> memref<1x4096xi32, #tpu.memory_space<hbm>>
          %dma_start3A_158 = tpu.memref_squeeze %dma_start3A_157 : memref<1x4096xi32, #tpu.memory_space<hbm>> -> memref<4096xi32, #tpu.memory_space<hbm>>
          tpu.enqueue_dma source(%dma_start3A_158 : memref<4096xi32, #tpu.memory_space<hbm>>) target(%arg12 : memref<4096xi32, #tpu.memory_space<vmem>>) target_semaphore(%arg14 : memref<!tpu.dma_semaphore, #tpu.memory_space<semaphore_mem>>)
        } else {
        }
        %mul3A_115 = arith.constant 4096 : i32
        %mul3A_116 = arith.muli %add3A_110, %mul3A_115 : i32
        %dma_wait3A = tpu.memref_slice %arg4[%add3A_12, %mul3A_116] : memref<256x65536xi32, #tpu.memory_space<hbm>> -> memref<1x4096xi32, #tpu.memory_space<hbm>>
        %dma_wait3A_117 = tpu.memref_squeeze %dma_wait3A : memref<1x4096xi32, #tpu.memory_space<hbm>> -> memref<4096xi32, #tpu.memory_space<hbm>>
        %dma_wait3A_118 = tpu.memref_slice %arg4[%add3A_12, %mul3A_116] : memref<256x65536xi32, #tpu.memory_space<hbm>> -> memref<1x4096xi32, #tpu.memory_space<hbm>>
        %dma_wait3A_119 = tpu.memref_squeeze %dma_wait3A_118 : memref<1x4096xi32, #tpu.memory_space<hbm>> -> memref<4096xi32, #tpu.memory_space<hbm>>
        tpu.wait_dma2 semaphore(%arg13 : memref<!tpu.dma_semaphore, #tpu.memory_space<semaphore_mem>>) src(%dma_wait3A_119 : memref<4096xi32, #tpu.memory_space<hbm>>) dst(%arg11 : memref<4096xi32, #tpu.memory_space<vmem>>)
        %scan3A_120 = arith.constant 0 : i32
        %scan3A_121 = arith.constant 0 : i32
        %scan3A_122 = arith.constant 256 : i32
        %scan3A_123 = arith.addi %scan3A_121, %scan3A_122 : i32
        %scan3A_124 = arith.constant 8 : i32
        %scan3A_125 = scf.for %scan3A_151 = %scan3A_121 to %scan3A_123 step %scan3A_124 iter_args(%scan3A_152 = %scan3A_120) -> (i32)  : i32 {
          %mul3A_153 = arith.constant 16 : i32
          %mul3A_154 = arith.muli %scan3A_151, %mul3A_153 : i32
          %get3A = arith.index_cast %mul3A_154 : i32 to index
          %get3A_155 = tpu.vector_load %arg11[%get3A] {strides = array<i32>} : memref<4096xi32, #tpu.memory_space<vmem>>, vector<16xi32>,
          %shift_right_logical3A = arith.constant 11 : i32
          %shift_right_logical3A_156 = vector.broadcast %shift_right_logical3A : i32 to vector<16xi32>
          %shift_right_logical3A_157 = arith.shrui %get3A_155, %shift_right_logical3A_156 : vector<16xi32>
          %and3A = vector.broadcast %scan3A_86 : i32 to vector<16xi32>
          %and3A_158 = arith.andi %shift_right_logical3A_157, %and3A : vector<16xi32>
          %broadcast_in_dim3A_159 = arith.constant true
          %broadcast_in_dim3A_160 = vector.broadcast %broadcast_in_dim3A_159 : i1 to vector<16xi1>
          %unique3A, %unique3A_161 = tpu.scan_count mask(%broadcast_in_dim3A_160 : vector<16xi1>) value(%and3A_158 : vector<16xi32>) : vector<16xi1>, vector<16xi32>
          %gather3A = tpu.vector_load_idx %arg7[%and3A_158] : memref<2048xi32, #tpu.memory_space<vmem>>[vector<16xi32>], vector<16xi32>,
          %add3A_162 = arith.addi %gather3A, %unique3A_161 : vector<16xi32>
          %sub3A = arith.constant 1 : i32
          %sub3A_163 = vector.broadcast %sub3A : i32 to vector<16xi32>
          %sub3A_164 = arith.subi %add3A_162, %sub3A_163 : vector<16xi32>
          tpu.vector_store_idx %arg5[%sub3A_164], %get3A_155 : memref<65536xi32, #tpu.memory_space<vmem>>[vector<16xi32>], vector<16xi32>,
          tpu.vector_store_idx %arg7[%and3A_158], %unique3A_161 masked %unique3A {add = true} : memref<2048xi32, #tpu.memory_space<vmem>>[vector<16xi32>], vector<16xi32>, vector<16xi1>
          %scan3A_165 = arith.constant 0 : i32
          %scan3A_166 = arith.constant 1 : i32
          %scan3A_167 = arith.addi %scan3A_151, %scan3A_166 : i32
          %mul3A_168 = arith.constant 16 : i32
          %mul3A_169 = arith.muli %scan3A_167, %mul3A_168 : i32
          %get3A_170 = arith.index_cast %mul3A_169 : i32 to index
          %get3A_171 = tpu.vector_load %arg11[%get3A_170] {strides = array<i32>} : memref<4096xi32, #tpu.memory_space<vmem>>, vector<16xi32>,
          %shift_right_logical3A_172 = arith.constant 11 : i32
          %shift_right_logical3A_173 = vector.broadcast %shift_right_logical3A_172 : i32 to vector<16xi32>
          %shift_right_logical3A_174 = arith.shrui %get3A_171, %shift_right_logical3A_173 : vector<16xi32>
          %and3A_175 = vector.broadcast %scan3A_86 : i32 to vector<16xi32>
          %and3A_176 = arith.andi %shift_right_logical3A_174, %and3A_175 : vector<16xi32>
          %broadcast_in_dim3A_177 = arith.constant true
          %broadcast_in_dim3A_178 = vector.broadcast %broadcast_in_dim3A_177 : i1 to vector<16xi1>
          %unique3A_179, %unique3A_180 = tpu.scan_count mask(%broadcast_in_dim3A_178 : vector<16xi1>) value(%and3A_176 : vector<16xi32>) : vector<16xi1>, vector<16xi32>
          %gather3A_181 = tpu.vector_load_idx %arg7[%and3A_176] : memref<2048xi32, #tpu.memory_space<vmem>>[vector<16xi32>], vector<16xi32>,
          %add3A_182 = arith.addi %gather3A_181, %unique3A_180 : vector<16xi32>
          %sub3A_183 = arith.constant 1 : i32
          %sub3A_184 = vector.broadcast %sub3A_183 : i32 to vector<16xi32>
          %sub3A_185 = arith.subi %add3A_182, %sub3A_184 : vector<16xi32>
          tpu.vector_store_idx %arg5[%sub3A_185], %get3A_171 : memref<65536xi32, #tpu.memory_space<vmem>>[vector<16xi32>], vector<16xi32>,
          tpu.vector_store_idx %arg7[%and3A_176], %unique3A_180 masked %unique3A_179 {add = true} : memref<2048xi32, #tpu.memory_space<vmem>>[vector<16xi32>], vector<16xi32>, vector<16xi1>
          %scan3A_186 = arith.constant 0 : i32
          %scan3A_187 = arith.constant 2 : i32
          %scan3A_188 = arith.addi %scan3A_151, %scan3A_187 : i32
          %mul3A_189 = arith.constant 16 : i32
          %mul3A_190 = arith.muli %scan3A_188, %mul3A_189 : i32
          %get3A_191 = arith.index_cast %mul3A_190 : i32 to index
          %get3A_192 = tpu.vector_load %arg11[%get3A_191] {strides = array<i32>} : memref<4096xi32, #tpu.memory_space<vmem>>, vector<16xi32>,
          %shift_right_logical3A_193 = arith.constant 11 : i32
          %shift_right_logical3A_194 = vector.broadcast %shift_right_logical3A_193 : i32 to vector<16xi32>
          %shift_right_logical3A_195 = arith.shrui %get3A_192, %shift_right_logical3A_194 : vector<16xi32>
          %and3A_196 = vector.broadcast %scan3A_86 : i32 to vector<16xi32>
          %and3A_197 = arith.andi %shift_right_logical3A_195, %and3A_196 : vector<16xi32>
          %broadcast_in_dim3A_198 = arith.constant true
          %broadcast_in_dim3A_199 = vector.broadcast %broadcast_in_dim3A_198 : i1 to vector<16xi1>
          %unique3A_200, %unique3A_201 = tpu.scan_count mask(%broadcast_in_dim3A_199 : vector<16xi1>) value(%and3A_197 : vector<16xi32>) : vector<16xi1>, vector<16xi32>
          %gather3A_202 = tpu.vector_load_idx %arg7[%and3A_197] : memref<2048xi32, #tpu.memory_space<vmem>>[vector<16xi32>], vector<16xi32>,
          %add3A_203 = arith.addi %gather3A_202, %unique3A_201 : vector<16xi32>
          %sub3A_204 = arith.constant 1 : i32
          %sub3A_205 = vector.broadcast %sub3A_204 : i32 to vector<16xi32>
          %sub3A_206 = arith.subi %add3A_203, %sub3A_205 : vector<16xi32>
          tpu.vector_store_idx %arg5[%sub3A_206], %get3A_192 : memref<65536xi32, #tpu.memory_space<vmem>>[vector<16xi32>], vector<16xi32>,
          tpu.vector_store_idx %arg7[%and3A_197], %unique3A_201 masked %unique3A_200 {add = true} : memref<2048xi32, #tpu.memory_space<vmem>>[vector<16xi32>], vector<16xi32>, vector<16xi1>
          %scan3A_207 = arith.constant 0 : i32
          %scan3A_208 = arith.constant 3 : i32
          %scan3A_209 = arith.addi %scan3A_151, %scan3A_208 : i32
          %mul3A_210 = arith.constant 16 : i32
          %mul3A_211 = arith.muli %scan3A_209, %mul3A_210 : i32
          %get3A_212 = arith.index_cast %mul3A_211 : i32 to index
          %get3A_213 = tpu.vector_load %arg11[%get3A_212] {strides = array<i32>} : memref<4096xi32, #tpu.memory_space<vmem>>, vector<16xi32>,
          %shift_right_logical3A_214 = arith.constant 11 : i32
          %shift_right_logical3A_215 = vector.broadcast %shift_right_logical3A_214 : i32 to vector<16xi32>
          %shift_right_logical3A_216 = arith.shrui %get3A_213, %shift_right_logical3A_215 : vector<16xi32>
          %and3A_217 = vector.broadcast %scan3A_86 : i32 to vector<16xi32>
          %and3A_218 = arith.andi %shift_right_logical3A_216, %and3A_217 : vector<16xi32>
          %broadcast_in_dim3A_219 = arith.constant true
          %broadcast_in_dim3A_220 = vector.broadcast %broadcast_in_dim3A_219 : i1 to vector<16xi1>
          %unique3A_221, %unique3A_222 = tpu.scan_count mask(%broadcast_in_dim3A_220 : vector<16xi1>) value(%and3A_218 : vector<16xi32>) : vector<16xi1>, vector<16xi32>
          %gather3A_223 = tpu.vector_load_idx %arg7[%and3A_218] : memref<2048xi32, #tpu.memory_space<vmem>>[vector<16xi32>], vector<16xi32>,
          %add3A_224 = arith.addi %gather3A_223, %unique3A_222 : vector<16xi32>
          %sub3A_225 = arith.constant 1 : i32
          %sub3A_226 = vector.broadcast %sub3A_225 : i32 to vector<16xi32>
          %sub3A_227 = arith.subi %add3A_224, %sub3A_226 : vector<16xi32>
          tpu.vector_store_idx %arg5[%sub3A_227], %get3A_213 : memref<65536xi32, #tpu.memory_space<vmem>>[vector<16xi32>], vector<16xi32>,
          tpu.vector_store_idx %arg7[%and3A_218], %unique3A_222 masked %unique3A_221 {add = true} : memref<2048xi32, #tpu.memory_space<vmem>>[vector<16xi32>], vector<16xi32>, vector<16xi1>
          %scan3A_228 = arith.constant 0 : i32
          %scan3A_229 = arith.constant 4 : i32
          %scan3A_230 = arith.addi %scan3A_151, %scan3A_229 : i32
          %mul3A_231 = arith.constant 16 : i32
          %mul3A_232 = arith.muli %scan3A_230, %mul3A_231 : i32
          %get3A_233 = arith.index_cast %mul3A_232 : i32 to index
          %get3A_234 = tpu.vector_load %arg11[%get3A_233] {strides = array<i32>} : memref<4096xi32, #tpu.memory_space<vmem>>, vector<16xi32>,
          %shift_right_logical3A_235 = arith.constant 11 : i32
          %shift_right_logical3A_236 = vector.broadcast %shift_right_logical3A_235 : i32 to vector<16xi32>
          %shift_right_logical3A_237 = arith.shrui %get3A_234, %shift_right_logical3A_236 : vector<16xi32>
          %and3A_238 = vector.broadcast %scan3A_86 : i32 to vector<16xi32>
          %and3A_239 = arith.andi %shift_right_logical3A_237, %and3A_238 : vector<16xi32>
          %broadcast_in_dim3A_240 = arith.constant true
          %broadcast_in_dim3A_241 = vector.broadcast %broadcast_in_dim3A_240 : i1 to vector<16xi1>
          %unique3A_242, %unique3A_243 = tpu.scan_count mask(%broadcast_in_dim3A_241 : vector<16xi1>) value(%and3A_239 : vector<16xi32>) : vector<16xi1>, vector<16xi32>
          %gather3A_244 = tpu.vector_load_idx %arg7[%and3A_239] : memref<2048xi32, #tpu.memory_space<vmem>>[vector<16xi32>], vector<16xi32>,
          %add3A_245 = arith.addi %gather3A_244, %unique3A_243 : vector<16xi32>
          %sub3A_246 = arith.constant 1 : i32
          %sub3A_247 = vector.broadcast %sub3A_246 : i32 to vector<16xi32>
          %sub3A_248 = arith.subi %add3A_245, %sub3A_247 : vector<16xi32>
          tpu.vector_store_idx %arg5[%sub3A_248], %get3A_234 : memref<65536xi32, #tpu.memory_space<vmem>>[vector<16xi32>], vector<16xi32>,
          tpu.vector_store_idx %arg7[%and3A_239], %unique3A_243 masked %unique3A_242 {add = true} : memref<2048xi32, #tpu.memory_space<vmem>>[vector<16xi32>], vector<16xi32>, vector<16xi1>
          %scan3A_249 = arith.constant 0 : i32
          %scan3A_250 = arith.constant 5 : i32
          %scan3A_251 = arith.addi %scan3A_151, %scan3A_250 : i32
          %mul3A_252 = arith.constant 16 : i32
          %mul3A_253 = arith.muli %scan3A_251, %mul3A_252 : i32
          %get3A_254 = arith.index_cast %mul3A_253 : i32 to index
          %get3A_255 = tpu.vector_load %arg11[%get3A_254] {strides = array<i32>} : memref<4096xi32, #tpu.memory_space<vmem>>, vector<16xi32>,
          %shift_right_logical3A_256 = arith.constant 11 : i32
          %shift_right_logical3A_257 = vector.broadcast %shift_right_logical3A_256 : i32 to vector<16xi32>
          %shift_right_logical3A_258 = arith.shrui %get3A_255, %shift_right_logical3A_257 : vector<16xi32>
          %and3A_259 = vector.broadcast %scan3A_86 : i32 to vector<16xi32>
          %and3A_260 = arith.andi %shift_right_logical3A_258, %and3A_259 : vector<16xi32>
          %broadcast_in_dim3A_261 = arith.constant true
          %broadcast_in_dim3A_262 = vector.broadcast %broadcast_in_dim3A_261 : i1 to vector<16xi1>
          %unique3A_263, %unique3A_264 = tpu.scan_count mask(%broadcast_in_dim3A_262 : vector<16xi1>) value(%and3A_260 : vector<16xi32>) : vector<16xi1>, vector<16xi32>
          %gather3A_265 = tpu.vector_load_idx %arg7[%and3A_260] : memref<2048xi32, #tpu.memory_space<vmem>>[vector<16xi32>], vector<16xi32>,
          %add3A_266 = arith.addi %gather3A_265, %unique3A_264 : vector<16xi32>
          %sub3A_267 = arith.constant 1 : i32
          %sub3A_268 = vector.broadcast %sub3A_267 : i32 to vector<16xi32>
          %sub3A_269 = arith.subi %add3A_266, %sub3A_268 : vector<16xi32>
          tpu.vector_store_idx %arg5[%sub3A_269], %get3A_255 : memref<65536xi32, #tpu.memory_space<vmem>>[vector<16xi32>], vector<16xi32>,
          tpu.vector_store_idx %arg7[%and3A_260], %unique3A_264 masked %unique3A_263 {add = true} : memref<2048xi32, #tpu.memory_space<vmem>>[vector<16xi32>], vector<16xi32>, vector<16xi1>
          %scan3A_270 = arith.constant 0 : i32
          %scan3A_271 = arith.constant 6 : i32
          %scan3A_272 = arith.addi %scan3A_151, %scan3A_271 : i32
          %mul3A_273 = arith.constant 16 : i32
          %mul3A_274 = arith.muli %scan3A_272, %mul3A_273 : i32
          %get3A_275 = arith.index_cast %mul3A_274 : i32 to index
          %get3A_276 = tpu.vector_load %arg11[%get3A_275] {strides = array<i32>} : memref<4096xi32, #tpu.memory_space<vmem>>, vector<16xi32>,
          %shift_right_logical3A_277 = arith.constant 11 : i32
          %shift_right_logical3A_278 = vector.broadcast %shift_right_logical3A_277 : i32 to vector<16xi32>
          %shift_right_logical3A_279 = arith.shrui %get3A_276, %shift_right_logical3A_278 : vector<16xi32>
          %and3A_280 = vector.broadcast %scan3A_86 : i32 to vector<16xi32>
          %and3A_281 = arith.andi %shift_right_logical3A_279, %and3A_280 : vector<16xi32>
          %broadcast_in_dim3A_282 = arith.constant true
          %broadcast_in_dim3A_283 = vector.broadcast %broadcast_in_dim3A_282 : i1 to vector<16xi1>
          %unique3A_284, %unique3A_285 = tpu.scan_count mask(%broadcast_in_dim3A_283 : vector<16xi1>) value(%and3A_281 : vector<16xi32>) : vector<16xi1>, vector<16xi32>
          %gather3A_286 = tpu.vector_load_idx %arg7[%and3A_281] : memref<2048xi32, #tpu.memory_space<vmem>>[vector<16xi32>], vector<16xi32>,
          %add3A_287 = arith.addi %gather3A_286, %unique3A_285 : vector<16xi32>
          %sub3A_288 = arith.constant 1 : i32
          %sub3A_289 = vector.broadcast %sub3A_288 : i32 to vector<16xi32>
          %sub3A_290 = arith.subi %add3A_287, %sub3A_289 : vector<16xi32>
          tpu.vector_store_idx %arg5[%sub3A_290], %get3A_276 : memref<65536xi32, #tpu.memory_space<vmem>>[vector<16xi32>], vector<16xi32>,
          tpu.vector_store_idx %arg7[%and3A_281], %unique3A_285 masked %unique3A_284 {add = true} : memref<2048xi32, #tpu.memory_space<vmem>>[vector<16xi32>], vector<16xi32>, vector<16xi1>
          %scan3A_291 = arith.constant 0 : i32
          %scan3A_292 = arith.constant 7 : i32
          %scan3A_293 = arith.addi %scan3A_151, %scan3A_292 : i32
          %mul3A_294 = arith.constant 16 : i32
          %mul3A_295 = arith.muli %scan3A_293, %mul3A_294 : i32
          %get3A_296 = arith.index_cast %mul3A_295 : i32 to index
          %get3A_297 = tpu.vector_load %arg11[%get3A_296] {strides = array<i32>} : memref<4096xi32, #tpu.memory_space<vmem>>, vector<16xi32>,
          %shift_right_logical3A_298 = arith.constant 11 : i32
          %shift_right_logical3A_299 = vector.broadcast %shift_right_logical3A_298 : i32 to vector<16xi32>
          %shift_right_logical3A_300 = arith.shrui %get3A_297, %shift_right_logical3A_299 : vector<16xi32>
          %and3A_301 = vector.broadcast %scan3A_86 : i32 to vector<16xi32>
          %and3A_302 = arith.andi %shift_right_logical3A_300, %and3A_301 : vector<16xi32>
          %broadcast_in_dim3A_303 = arith.constant true
          %broadcast_in_dim3A_304 = vector.broadcast %broadcast_in_dim3A_303 : i1 to vector<16xi1>
          %unique3A_305, %unique3A_306 = tpu.scan_count mask(%broadcast_in_dim3A_304 : vector<16xi1>) value(%and3A_302 : vector<16xi32>) : vector<16xi1>, vector<16xi32>
          %gather3A_307 = tpu.vector_load_idx %arg7[%and3A_302] : memref<2048xi32, #tpu.memory_space<vmem>>[vector<16xi32>], vector<16xi32>,
          %add3A_308 = arith.addi %gather3A_307, %unique3A_306 : vector<16xi32>
          %sub3A_309 = arith.constant 1 : i32
          %sub3A_310 = vector.broadcast %sub3A_309 : i32 to vector<16xi32>
          %sub3A_311 = arith.subi %add3A_308, %sub3A_310 : vector<16xi32>
          tpu.vector_store_idx %arg5[%sub3A_311], %get3A_297 : memref<65536xi32, #tpu.memory_space<vmem>>[vector<16xi32>], vector<16xi32>,
          tpu.vector_store_idx %arg7[%and3A_302], %unique3A_306 masked %unique3A_305 {add = true} : memref<2048xi32, #tpu.memory_space<vmem>>[vector<16xi32>], vector<16xi32>, vector<16xi1>
          %scan3A_312 = arith.constant 0 : i32
          scf.yield %scan3A_312 : i32
        }
        %scan3A_126 = arith.constant 256 : i32
        %mul3A_127 = arith.constant 2 : i32
        %mul3A_128 = arith.muli %scan3A_106, %mul3A_127 : i32
        %add3A_129 = arith.constant 1 : i32
        %add3A_130 = arith.addi %mul3A_128, %add3A_129 : i32
        %add3A_131 = arith.constant 1 : i32
        %add3A_132 = arith.addi %add3A_130, %add3A_131 : i32
        %lt3A_133 = arith.constant 16 : i32
        %lt3A_134 = arith.cmpi slt, %add3A_132, %lt3A_133 : i32
        %convert_element_type3A_135 = arith.extui %lt3A_134 : i1 to i32
        %cond3A_136 = arith.constant 0 : i32
        %cond3A_137 = arith.cmpi ne, %convert_element_type3A_135, %cond3A_136 : i32
        scf.if %cond3A_137 {
          %add3A_151 = arith.constant 1 : i32
          %add3A_152 = arith.addi %add3A_130, %add3A_151 : i32
          %mul3A_153 = arith.constant 4096 : i32
          %mul3A_154 = arith.muli %add3A_152, %mul3A_153 : i32
          %dma_start3A_155 = tpu.memref_slice %arg4[%add3A_12, %mul3A_154] : memref<256x65536xi32, #tpu.memory_space<hbm>> -> memref<1x4096xi32, #tpu.memory_space<hbm>>
          %dma_start3A_156 = tpu.memref_squeeze %dma_start3A_155 : memref<1x4096xi32, #tpu.memory_space<hbm>> -> memref<4096xi32, #tpu.memory_space<hbm>>
          %dma_start3A_157 = tpu.memref_slice %arg4[%add3A_12, %mul3A_154] : memref<256x65536xi32, #tpu.memory_space<hbm>> -> memref<1x4096xi32, #tpu.memory_space<hbm>>
          %dma_start3A_158 = tpu.memref_squeeze %dma_start3A_157 : memref<1x4096xi32, #tpu.memory_space<hbm>> -> memref<4096xi32, #tpu.memory_space<hbm>>
          tpu.enqueue_dma source(%dma_start3A_158 : memref<4096xi32, #tpu.memory_space<hbm>>) target(%arg11 : memref<4096xi32, #tpu.memory_space<vmem>>) target_semaphore(%arg13 : memref<!tpu.dma_semaphore, #tpu.memory_space<semaphore_mem>>)
        } else {
        }
        %mul3A_138 = arith.constant 4096 : i32
        %mul3A_139 = arith.muli %add3A_130, %mul3A_138 : i32
        %dma_wait3A_140 = tpu.memref_slice %arg4[%add3A_12, %mul3A_139] : memref<256x65536xi32, #tpu.memory_space<hbm>> -> memref<1x4096xi32, #tpu.memory_space<hbm>>
        %dma_wait3A_141 = tpu.memref_squeeze %dma_wait3A_140 : memref<1x4096xi32, #tpu.memory_space<hbm>> -> memref<4096xi32, #tpu.memory_space<hbm>>
        %dma_wait3A_142 = tpu.memref_slice %arg4[%add3A_12, %mul3A_139] : memref<256x65536xi32, #tpu.memory_space<hbm>> -> memref<1x4096xi32, #tpu.memory_space<hbm>>
        %dma_wait3A_143 = tpu.memref_squeeze %dma_wait3A_142 : memref<1x4096xi32, #tpu.memory_space<hbm>> -> memref<4096xi32, #tpu.memory_space<hbm>>
        tpu.wait_dma2 semaphore(%arg14 : memref<!tpu.dma_semaphore, #tpu.memory_space<semaphore_mem>>) src(%dma_wait3A_143 : memref<4096xi32, #tpu.memory_space<hbm>>) dst(%arg12 : memref<4096xi32, #tpu.memory_space<vmem>>)
        %scan3A_144 = arith.constant 0 : i32
        %scan3A_145 = arith.constant 0 : i32
        %scan3A_146 = arith.constant 256 : i32
        %scan3A_147 = arith.addi %scan3A_145, %scan3A_146 : i32
        %scan3A_148 = arith.constant 8 : i32
        %scan3A_149 = scf.for %scan3A_151 = %scan3A_145 to %scan3A_147 step %scan3A_148 iter_args(%scan3A_152 = %scan3A_144) -> (i32)  : i32 {
          %mul3A_153 = arith.constant 16 : i32
          %mul3A_154 = arith.muli %scan3A_151, %mul3A_153 : i32
          %get3A = arith.index_cast %mul3A_154 : i32 to index
          %get3A_155 = tpu.vector_load %arg12[%get3A] {strides = array<i32>} : memref<4096xi32, #tpu.memory_space<vmem>>, vector<16xi32>,
          %shift_right_logical3A = arith.constant 11 : i32
          %shift_right_logical3A_156 = vector.broadcast %shift_right_logical3A : i32 to vector<16xi32>
          %shift_right_logical3A_157 = arith.shrui %get3A_155, %shift_right_logical3A_156 : vector<16xi32>
          %and3A = vector.broadcast %scan3A_86 : i32 to vector<16xi32>
          %and3A_158 = arith.andi %shift_right_logical3A_157, %and3A : vector<16xi32>
          %broadcast_in_dim3A_159 = arith.constant true
          %broadcast_in_dim3A_160 = vector.broadcast %broadcast_in_dim3A_159 : i1 to vector<16xi1>
          %unique3A, %unique3A_161 = tpu.scan_count mask(%broadcast_in_dim3A_160 : vector<16xi1>) value(%and3A_158 : vector<16xi32>) : vector<16xi1>, vector<16xi32>
          %gather3A = tpu.vector_load_idx %arg7[%and3A_158] : memref<2048xi32, #tpu.memory_space<vmem>>[vector<16xi32>], vector<16xi32>,
          %add3A_162 = arith.addi %gather3A, %unique3A_161 : vector<16xi32>
          %sub3A = arith.constant 1 : i32
          %sub3A_163 = vector.broadcast %sub3A : i32 to vector<16xi32>
          %sub3A_164 = arith.subi %add3A_162, %sub3A_163 : vector<16xi32>
          tpu.vector_store_idx %arg5[%sub3A_164], %get3A_155 : memref<65536xi32, #tpu.memory_space<vmem>>[vector<16xi32>], vector<16xi32>,
          tpu.vector_store_idx %arg7[%and3A_158], %unique3A_161 masked %unique3A {add = true} : memref<2048xi32, #tpu.memory_space<vmem>>[vector<16xi32>], vector<16xi32>, vector<16xi1>
          %scan3A_165 = arith.constant 0 : i32
          %scan3A_166 = arith.constant 1 : i32
          %scan3A_167 = arith.addi %scan3A_151, %scan3A_166 : i32
          %mul3A_168 = arith.constant 16 : i32
          %mul3A_169 = arith.muli %scan3A_167, %mul3A_168 : i32
          %get3A_170 = arith.index_cast %mul3A_169 : i32 to index
          %get3A_171 = tpu.vector_load %arg12[%get3A_170] {strides = array<i32>} : memref<4096xi32, #tpu.memory_space<vmem>>, vector<16xi32>,
          %shift_right_logical3A_172 = arith.constant 11 : i32
          %shift_right_logical3A_173 = vector.broadcast %shift_right_logical3A_172 : i32 to vector<16xi32>
          %shift_right_logical3A_174 = arith.shrui %get3A_171, %shift_right_logical3A_173 : vector<16xi32>
          %and3A_175 = vector.broadcast %scan3A_86 : i32 to vector<16xi32>
          %and3A_176 = arith.andi %shift_right_logical3A_174, %and3A_175 : vector<16xi32>
          %broadcast_in_dim3A_177 = arith.constant true
          %broadcast_in_dim3A_178 = vector.broadcast %broadcast_in_dim3A_177 : i1 to vector<16xi1>
          %unique3A_179, %unique3A_180 = tpu.scan_count mask(%broadcast_in_dim3A_178 : vector<16xi1>) value(%and3A_176 : vector<16xi32>) : vector<16xi1>, vector<16xi32>
          %gather3A_181 = tpu.vector_load_idx %arg7[%and3A_176] : memref<2048xi32, #tpu.memory_space<vmem>>[vector<16xi32>], vector<16xi32>,
          %add3A_182 = arith.addi %gather3A_181, %unique3A_180 : vector<16xi32>
          %sub3A_183 = arith.constant 1 : i32
          %sub3A_184 = vector.broadcast %sub3A_183 : i32 to vector<16xi32>
          %sub3A_185 = arith.subi %add3A_182, %sub3A_184 : vector<16xi32>
          tpu.vector_store_idx %arg5[%sub3A_185], %get3A_171 : memref<65536xi32, #tpu.memory_space<vmem>>[vector<16xi32>], vector<16xi32>,
          tpu.vector_store_idx %arg7[%and3A_176], %unique3A_180 masked %unique3A_179 {add = true} : memref<2048xi32, #tpu.memory_space<vmem>>[vector<16xi32>], vector<16xi32>, vector<16xi1>
          %scan3A_186 = arith.constant 0 : i32
          %scan3A_187 = arith.constant 2 : i32
          %scan3A_188 = arith.addi %scan3A_151, %scan3A_187 : i32
          %mul3A_189 = arith.constant 16 : i32
          %mul3A_190 = arith.muli %scan3A_188, %mul3A_189 : i32
          %get3A_191 = arith.index_cast %mul3A_190 : i32 to index
          %get3A_192 = tpu.vector_load %arg12[%get3A_191] {strides = array<i32>} : memref<4096xi32, #tpu.memory_space<vmem>>, vector<16xi32>,
          %shift_right_logical3A_193 = arith.constant 11 : i32
          %shift_right_logical3A_194 = vector.broadcast %shift_right_logical3A_193 : i32 to vector<16xi32>
          %shift_right_logical3A_195 = arith.shrui %get3A_192, %shift_right_logical3A_194 : vector<16xi32>
          %and3A_196 = vector.broadcast %scan3A_86 : i32 to vector<16xi32>
          %and3A_197 = arith.andi %shift_right_logical3A_195, %and3A_196 : vector<16xi32>
          %broadcast_in_dim3A_198 = arith.constant true
          %broadcast_in_dim3A_199 = vector.broadcast %broadcast_in_dim3A_198 : i1 to vector<16xi1>
          %unique3A_200, %unique3A_201 = tpu.scan_count mask(%broadcast_in_dim3A_199 : vector<16xi1>) value(%and3A_197 : vector<16xi32>) : vector<16xi1>, vector<16xi32>
          %gather3A_202 = tpu.vector_load_idx %arg7[%and3A_197] : memref<2048xi32, #tpu.memory_space<vmem>>[vector<16xi32>], vector<16xi32>,
          %add3A_203 = arith.addi %gather3A_202, %unique3A_201 : vector<16xi32>
          %sub3A_204 = arith.constant 1 : i32
          %sub3A_205 = vector.broadcast %sub3A_204 : i32 to vector<16xi32>
          %sub3A_206 = arith.subi %add3A_203, %sub3A_205 : vector<16xi32>
          tpu.vector_store_idx %arg5[%sub3A_206], %get3A_192 : memref<65536xi32, #tpu.memory_space<vmem>>[vector<16xi32>], vector<16xi32>,
          tpu.vector_store_idx %arg7[%and3A_197], %unique3A_201 masked %unique3A_200 {add = true} : memref<2048xi32, #tpu.memory_space<vmem>>[vector<16xi32>], vector<16xi32>, vector<16xi1>
          %scan3A_207 = arith.constant 0 : i32
          %scan3A_208 = arith.constant 3 : i32
          %scan3A_209 = arith.addi %scan3A_151, %scan3A_208 : i32
          %mul3A_210 = arith.constant 16 : i32
          %mul3A_211 = arith.muli %scan3A_209, %mul3A_210 : i32
          %get3A_212 = arith.index_cast %mul3A_211 : i32 to index
          %get3A_213 = tpu.vector_load %arg12[%get3A_212] {strides = array<i32>} : memref<4096xi32, #tpu.memory_space<vmem>>, vector<16xi32>,
          %shift_right_logical3A_214 = arith.constant 11 : i32
          %shift_right_logical3A_215 = vector.broadcast %shift_right_logical3A_214 : i32 to vector<16xi32>
          %shift_right_logical3A_216 = arith.shrui %get3A_213, %shift_right_logical3A_215 : vector<16xi32>
          %and3A_217 = vector.broadcast %scan3A_86 : i32 to vector<16xi32>
          %and3A_218 = arith.andi %shift_right_logical3A_216, %and3A_217 : vector<16xi32>
          %broadcast_in_dim3A_219 = arith.constant true
          %broadcast_in_dim3A_220 = vector.broadcast %broadcast_in_dim3A_219 : i1 to vector<16xi1>
          %unique3A_221, %unique3A_222 = tpu.scan_count mask(%broadcast_in_dim3A_220 : vector<16xi1>) value(%and3A_218 : vector<16xi32>) : vector<16xi1>, vector<16xi32>
          %gather3A_223 = tpu.vector_load_idx %arg7[%and3A_218] : memref<2048xi32, #tpu.memory_space<vmem>>[vector<16xi32>], vector<16xi32>,
          %add3A_224 = arith.addi %gather3A_223, %unique3A_222 : vector<16xi32>
          %sub3A_225 = arith.constant 1 : i32
          %sub3A_226 = vector.broadcast %sub3A_225 : i32 to vector<16xi32>
          %sub3A_227 = arith.subi %add3A_224, %sub3A_226 : vector<16xi32>
          tpu.vector_store_idx %arg5[%sub3A_227], %get3A_213 : memref<65536xi32, #tpu.memory_space<vmem>>[vector<16xi32>], vector<16xi32>,
          tpu.vector_store_idx %arg7[%and3A_218], %unique3A_222 masked %unique3A_221 {add = true} : memref<2048xi32, #tpu.memory_space<vmem>>[vector<16xi32>], vector<16xi32>, vector<16xi1>
          %scan3A_228 = arith.constant 0 : i32
          %scan3A_229 = arith.constant 4 : i32
          %scan3A_230 = arith.addi %scan3A_151, %scan3A_229 : i32
          %mul3A_231 = arith.constant 16 : i32
          %mul3A_232 = arith.muli %scan3A_230, %mul3A_231 : i32
          %get3A_233 = arith.index_cast %mul3A_232 : i32 to index
          %get3A_234 = tpu.vector_load %arg12[%get3A_233] {strides = array<i32>} : memref<4096xi32, #tpu.memory_space<vmem>>, vector<16xi32>,
          %shift_right_logical3A_235 = arith.constant 11 : i32
          %shift_right_logical3A_236 = vector.broadcast %shift_right_logical3A_235 : i32 to vector<16xi32>
          %shift_right_logical3A_237 = arith.shrui %get3A_234, %shift_right_logical3A_236 : vector<16xi32>
          %and3A_238 = vector.broadcast %scan3A_86 : i32 to vector<16xi32>
          %and3A_239 = arith.andi %shift_right_logical3A_237, %and3A_238 : vector<16xi32>
          %broadcast_in_dim3A_240 = arith.constant true
          %broadcast_in_dim3A_241 = vector.broadcast %broadcast_in_dim3A_240 : i1 to vector<16xi1>
          %unique3A_242, %unique3A_243 = tpu.scan_count mask(%broadcast_in_dim3A_241 : vector<16xi1>) value(%and3A_239 : vector<16xi32>) : vector<16xi1>, vector<16xi32>
          %gather3A_244 = tpu.vector_load_idx %arg7[%and3A_239] : memref<2048xi32, #tpu.memory_space<vmem>>[vector<16xi32>], vector<16xi32>,
          %add3A_245 = arith.addi %gather3A_244, %unique3A_243 : vector<16xi32>
          %sub3A_246 = arith.constant 1 : i32
          %sub3A_247 = vector.broadcast %sub3A_246 : i32 to vector<16xi32>
          %sub3A_248 = arith.subi %add3A_245, %sub3A_247 : vector<16xi32>
          tpu.vector_store_idx %arg5[%sub3A_248], %get3A_234 : memref<65536xi32, #tpu.memory_space<vmem>>[vector<16xi32>], vector<16xi32>,
          tpu.vector_store_idx %arg7[%and3A_239], %unique3A_243 masked %unique3A_242 {add = true} : memref<2048xi32, #tpu.memory_space<vmem>>[vector<16xi32>], vector<16xi32>, vector<16xi1>
          %scan3A_249 = arith.constant 0 : i32
          %scan3A_250 = arith.constant 5 : i32
          %scan3A_251 = arith.addi %scan3A_151, %scan3A_250 : i32
          %mul3A_252 = arith.constant 16 : i32
          %mul3A_253 = arith.muli %scan3A_251, %mul3A_252 : i32
          %get3A_254 = arith.index_cast %mul3A_253 : i32 to index
          %get3A_255 = tpu.vector_load %arg12[%get3A_254] {strides = array<i32>} : memref<4096xi32, #tpu.memory_space<vmem>>, vector<16xi32>,
          %shift_right_logical3A_256 = arith.constant 11 : i32
          %shift_right_logical3A_257 = vector.broadcast %shift_right_logical3A_256 : i32 to vector<16xi32>
          %shift_right_logical3A_258 = arith.shrui %get3A_255, %shift_right_logical3A_257 : vector<16xi32>
          %and3A_259 = vector.broadcast %scan3A_86 : i32 to vector<16xi32>
          %and3A_260 = arith.andi %shift_right_logical3A_258, %and3A_259 : vector<16xi32>
          %broadcast_in_dim3A_261 = arith.constant true
          %broadcast_in_dim3A_262 = vector.broadcast %broadcast_in_dim3A_261 : i1 to vector<16xi1>
          %unique3A_263, %unique3A_264 = tpu.scan_count mask(%broadcast_in_dim3A_262 : vector<16xi1>) value(%and3A_260 : vector<16xi32>) : vector<16xi1>, vector<16xi32>
          %gather3A_265 = tpu.vector_load_idx %arg7[%and3A_260] : memref<2048xi32, #tpu.memory_space<vmem>>[vector<16xi32>], vector<16xi32>,
          %add3A_266 = arith.addi %gather3A_265, %unique3A_264 : vector<16xi32>
          %sub3A_267 = arith.constant 1 : i32
          %sub3A_268 = vector.broadcast %sub3A_267 : i32 to vector<16xi32>
          %sub3A_269 = arith.subi %add3A_266, %sub3A_268 : vector<16xi32>
          tpu.vector_store_idx %arg5[%sub3A_269], %get3A_255 : memref<65536xi32, #tpu.memory_space<vmem>>[vector<16xi32>], vector<16xi32>,
          tpu.vector_store_idx %arg7[%and3A_260], %unique3A_264 masked %unique3A_263 {add = true} : memref<2048xi32, #tpu.memory_space<vmem>>[vector<16xi32>], vector<16xi32>, vector<16xi1>
          %scan3A_270 = arith.constant 0 : i32
          %scan3A_271 = arith.constant 6 : i32
          %scan3A_272 = arith.addi %scan3A_151, %scan3A_271 : i32
          %mul3A_273 = arith.constant 16 : i32
          %mul3A_274 = arith.muli %scan3A_272, %mul3A_273 : i32
          %get3A_275 = arith.index_cast %mul3A_274 : i32 to index
          %get3A_276 = tpu.vector_load %arg12[%get3A_275] {strides = array<i32>} : memref<4096xi32, #tpu.memory_space<vmem>>, vector<16xi32>,
          %shift_right_logical3A_277 = arith.constant 11 : i32
          %shift_right_logical3A_278 = vector.broadcast %shift_right_logical3A_277 : i32 to vector<16xi32>
          %shift_right_logical3A_279 = arith.shrui %get3A_276, %shift_right_logical3A_278 : vector<16xi32>
          %and3A_280 = vector.broadcast %scan3A_86 : i32 to vector<16xi32>
          %and3A_281 = arith.andi %shift_right_logical3A_279, %and3A_280 : vector<16xi32>
          %broadcast_in_dim3A_282 = arith.constant true
          %broadcast_in_dim3A_283 = vector.broadcast %broadcast_in_dim3A_282 : i1 to vector<16xi1>
          %unique3A_284, %unique3A_285 = tpu.scan_count mask(%broadcast_in_dim3A_283 : vector<16xi1>) value(%and3A_281 : vector<16xi32>) : vector<16xi1>, vector<16xi32>
          %gather3A_286 = tpu.vector_load_idx %arg7[%and3A_281] : memref<2048xi32, #tpu.memory_space<vmem>>[vector<16xi32>], vector<16xi32>,
          %add3A_287 = arith.addi %gather3A_286, %unique3A_285 : vector<16xi32>
          %sub3A_288 = arith.constant 1 : i32
          %sub3A_289 = vector.broadcast %sub3A_288 : i32 to vector<16xi32>
          %sub3A_290 = arith.subi %add3A_287, %sub3A_289 : vector<16xi32>
          tpu.vector_store_idx %arg5[%sub3A_290], %get3A_276 : memref<65536xi32, #tpu.memory_space<vmem>>[vector<16xi32>], vector<16xi32>,
          tpu.vector_store_idx %arg7[%and3A_281], %unique3A_285 masked %unique3A_284 {add = true} : memref<2048xi32, #tpu.memory_space<vmem>>[vector<16xi32>], vector<16xi32>, vector<16xi1>
          %scan3A_291 = arith.constant 0 : i32
          %scan3A_292 = arith.constant 7 : i32
          %scan3A_293 = arith.addi %scan3A_151, %scan3A_292 : i32
          %mul3A_294 = arith.constant 16 : i32
          %mul3A_295 = arith.muli %scan3A_293, %mul3A_294 : i32
          %get3A_296 = arith.index_cast %mul3A_295 : i32 to index
          %get3A_297 = tpu.vector_load %arg12[%get3A_296] {strides = array<i32>} : memref<4096xi32, #tpu.memory_space<vmem>>, vector<16xi32>,
          %shift_right_logical3A_298 = arith.constant 11 : i32
          %shift_right_logical3A_299 = vector.broadcast %shift_right_logical3A_298 : i32 to vector<16xi32>
          %shift_right_logical3A_300 = arith.shrui %get3A_297, %shift_right_logical3A_299 : vector<16xi32>
          %and3A_301 = vector.broadcast %scan3A_86 : i32 to vector<16xi32>
          %and3A_302 = arith.andi %shift_right_logical3A_300, %and3A_301 : vector<16xi32>
          %broadcast_in_dim3A_303 = arith.constant true
          %broadcast_in_dim3A_304 = vector.broadcast %broadcast_in_dim3A_303 : i1 to vector<16xi1>
          %unique3A_305, %unique3A_306 = tpu.scan_count mask(%broadcast_in_dim3A_304 : vector<16xi1>) value(%and3A_302 : vector<16xi32>) : vector<16xi1>, vector<16xi32>
          %gather3A_307 = tpu.vector_load_idx %arg7[%and3A_302] : memref<2048xi32, #tpu.memory_space<vmem>>[vector<16xi32>], vector<16xi32>,
          %add3A_308 = arith.addi %gather3A_307, %unique3A_306 : vector<16xi32>
          %sub3A_309 = arith.constant 1 : i32
          %sub3A_310 = vector.broadcast %sub3A_309 : i32 to vector<16xi32>
          %sub3A_311 = arith.subi %add3A_308, %sub3A_310 : vector<16xi32>
          tpu.vector_store_idx %arg5[%sub3A_311], %get3A_297 : memref<65536xi32, #tpu.memory_space<vmem>>[vector<16xi32>], vector<16xi32>,
          tpu.vector_store_idx %arg7[%and3A_302], %unique3A_306 masked %unique3A_305 {add = true} : memref<2048xi32, #tpu.memory_space<vmem>>[vector<16xi32>], vector<16xi32>, vector<16xi1>
          %scan3A_312 = arith.constant 0 : i32
          scf.yield %scan3A_312 : i32
        }
        %scan3A_150 = arith.constant 256 : i32
      }
      %scan3A_91 = arith.constant 8 : i32
      "tpu.region"() ({
        %run_scoped3A = tpu.sem_alloc : memref<!tpu.dma_semaphore, #tpu.memory_space<semaphore_mem>>
        %dma_start3A_106 = arith.constant 0 : i32
        %dma_start3A_107 = tpu.memref_slice %arg4[%add3A_12, %dma_start3A_106] : memref<256x65536xi32, #tpu.memory_space<hbm>> -> memref<1x65536xi32, #tpu.memory_space<hbm>>
        %dma_start3A_108 = tpu.memref_squeeze %dma_start3A_107 : memref<1x65536xi32, #tpu.memory_space<hbm>> -> memref<65536xi32, #tpu.memory_space<hbm>>
        %dma_start3A_109 = arith.constant 0 : i32
        %dma_start3A_110 = tpu.memref_slice %arg4[%add3A_12, %dma_start3A_109] : memref<256x65536xi32, #tpu.memory_space<hbm>> -> memref<1x65536xi32, #tpu.memory_space<hbm>>
        %dma_start3A_111 = tpu.memref_squeeze %dma_start3A_110 : memref<1x65536xi32, #tpu.memory_space<hbm>> -> memref<65536xi32, #tpu.memory_space<hbm>>
        tpu.enqueue_dma source(%arg5 : memref<65536xi32, #tpu.memory_space<vmem>>) target(%dma_start3A_111 : memref<65536xi32, #tpu.memory_space<hbm>>) target_semaphore(%run_scoped3A : memref<!tpu.dma_semaphore, #tpu.memory_space<semaphore_mem>>)
        %dma_wait3A = arith.constant 0 : i32
        %dma_wait3A_112 = tpu.memref_slice %arg4[%add3A_12, %dma_wait3A] : memref<256x65536xi32, #tpu.memory_space<hbm>> -> memref<1x65536xi32, #tpu.memory_space<hbm>>
        %dma_wait3A_113 = tpu.memref_squeeze %dma_wait3A_112 : memref<1x65536xi32, #tpu.memory_space<hbm>> -> memref<65536xi32, #tpu.memory_space<hbm>>
        %dma_wait3A_114 = arith.constant 0 : i32
        %dma_wait3A_115 = tpu.memref_slice %arg4[%add3A_12, %dma_wait3A_114] : memref<256x65536xi32, #tpu.memory_space<hbm>> -> memref<1x65536xi32, #tpu.memory_space<hbm>>
        %dma_wait3A_116 = tpu.memref_squeeze %dma_wait3A_115 : memref<1x65536xi32, #tpu.memory_space<hbm>> -> memref<65536xi32, #tpu.memory_space<hbm>>
        tpu.wait_dma2 semaphore(%run_scoped3A : memref<!tpu.dma_semaphore, #tpu.memory_space<semaphore_mem>>) src(%arg5 : memref<65536xi32, #tpu.memory_space<vmem>>) dst(%dma_wait3A_116 : memref<65536xi32, #tpu.memory_space<hbm>>)
        tpu.yield
      }) : () -> ()
      %dma_start3A_92 = arith.constant 0 : i32
      %dma_start3A_93 = tpu.memref_slice %arg4[%add3A_12, %dma_start3A_92] : memref<256x65536xi32, #tpu.memory_space<hbm>> -> memref<1x4096xi32, #tpu.memory_space<hbm>>
      %dma_start3A_94 = tpu.memref_squeeze %dma_start3A_93 : memref<1x4096xi32, #tpu.memory_space<hbm>> -> memref<4096xi32, #tpu.memory_space<hbm>>
      %dma_start3A_95 = arith.constant 0 : i32
      %dma_start3A_96 = tpu.memref_slice %arg4[%add3A_12, %dma_start3A_95] : memref<256x65536xi32, #tpu.memory_space<hbm>> -> memref<1x4096xi32, #tpu.memory_space<hbm>>
      %dma_start3A_97 = tpu.memref_squeeze %dma_start3A_96 : memref<1x4096xi32, #tpu.memory_space<hbm>> -> memref<4096xi32, #tpu.memory_space<hbm>>
      tpu.enqueue_dma source(%dma_start3A_97 : memref<4096xi32, #tpu.memory_space<hbm>>) target(%arg11 : memref<4096xi32, #tpu.memory_space<vmem>>) target_semaphore(%arg13 : memref<!tpu.dma_semaphore, #tpu.memory_space<semaphore_mem>>)
      %scan3A_98 = arith.constant 0 : i32
      %scan3A_99 = arith.constant 1023 : i32
      %scan3A_100 = arith.constant 0 : i32
      %scan3A_101 = arith.constant 8 : i32
      %scan3A_102 = arith.addi %scan3A_100, %scan3A_101 : i32
      %scan3A_103 = arith.constant 1 : i32
      scf.for %scan3A_106 = %scan3A_100 to %scan3A_102 step %scan3A_103  : i32 {
        %mul3A_107 = arith.constant 2 : i32
        %mul3A_108 = arith.muli %scan3A_106, %mul3A_107 : i32
        %add3A_109 = arith.constant 0 : i32
        %add3A_110 = arith.addi %mul3A_108, %add3A_109 : i32
        %add3A_111 = arith.constant 1 : i32
        %add3A_112 = arith.addi %add3A_110, %add3A_111 : i32
        %lt3A = arith.constant 16 : i32
        %lt3A_113 = arith.cmpi slt, %add3A_112, %lt3A : i32
        %convert_element_type3A = arith.extui %lt3A_113 : i1 to i32
        %cond3A = arith.constant 0 : i32
        %cond3A_114 = arith.cmpi ne, %convert_element_type3A, %cond3A : i32
        scf.if %cond3A_114 {
          %add3A_151 = arith.constant 1 : i32
          %add3A_152 = arith.addi %add3A_110, %add3A_151 : i32
          %mul3A_153 = arith.constant 4096 : i32
          %mul3A_154 = arith.muli %add3A_152, %mul3A_153 : i32
          %dma_start3A_155 = tpu.memref_slice %arg4[%add3A_12, %mul3A_154] : memref<256x65536xi32, #tpu.memory_space<hbm>> -> memref<1x4096xi32, #tpu.memory_space<hbm>>
          %dma_start3A_156 = tpu.memref_squeeze %dma_start3A_155 : memref<1x4096xi32, #tpu.memory_space<hbm>> -> memref<4096xi32, #tpu.memory_space<hbm>>
          %dma_start3A_157 = tpu.memref_slice %arg4[%add3A_12, %mul3A_154] : memref<256x65536xi32, #tpu.memory_space<hbm>> -> memref<1x4096xi32, #tpu.memory_space<hbm>>
          %dma_start3A_158 = tpu.memref_squeeze %dma_start3A_157 : memref<1x4096xi32, #tpu.memory_space<hbm>> -> memref<4096xi32, #tpu.memory_space<hbm>>
          tpu.enqueue_dma source(%dma_start3A_158 : memref<4096xi32, #tpu.memory_space<hbm>>) target(%arg12 : memref<4096xi32, #tpu.memory_space<vmem>>) target_semaphore(%arg14 : memref<!tpu.dma_semaphore, #tpu.memory_space<semaphore_mem>>)
        } else {
        }
        %mul3A_115 = arith.constant 4096 : i32
        %mul3A_116 = arith.muli %add3A_110, %mul3A_115 : i32
        %dma_wait3A = tpu.memref_slice %arg4[%add3A_12, %mul3A_116] : memref<256x65536xi32, #tpu.memory_space<hbm>> -> memref<1x4096xi32, #tpu.memory_space<hbm>>
        %dma_wait3A_117 = tpu.memref_squeeze %dma_wait3A : memref<1x4096xi32, #tpu.memory_space<hbm>> -> memref<4096xi32, #tpu.memory_space<hbm>>
        %dma_wait3A_118 = tpu.memref_slice %arg4[%add3A_12, %mul3A_116] : memref<256x65536xi32, #tpu.memory_space<hbm>> -> memref<1x4096xi32, #tpu.memory_space<hbm>>
        %dma_wait3A_119 = tpu.memref_squeeze %dma_wait3A_118 : memref<1x4096xi32, #tpu.memory_space<hbm>> -> memref<4096xi32, #tpu.memory_space<hbm>>
        tpu.wait_dma2 semaphore(%arg13 : memref<!tpu.dma_semaphore, #tpu.memory_space<semaphore_mem>>) src(%dma_wait3A_119 : memref<4096xi32, #tpu.memory_space<hbm>>) dst(%arg11 : memref<4096xi32, #tpu.memory_space<vmem>>)
        %scan3A_120 = arith.constant 0 : i32
        %scan3A_121 = arith.constant 0 : i32
        %scan3A_122 = arith.constant 256 : i32
        %scan3A_123 = arith.addi %scan3A_121, %scan3A_122 : i32
        %scan3A_124 = arith.constant 8 : i32
        %scan3A_125 = scf.for %scan3A_151 = %scan3A_121 to %scan3A_123 step %scan3A_124 iter_args(%scan3A_152 = %scan3A_120) -> (i32)  : i32 {
          %mul3A_153 = arith.constant 16 : i32
          %mul3A_154 = arith.muli %scan3A_151, %mul3A_153 : i32
          %get3A = arith.index_cast %mul3A_154 : i32 to index
          %get3A_155 = tpu.vector_load %arg11[%get3A] {strides = array<i32>} : memref<4096xi32, #tpu.memory_space<vmem>>, vector<16xi32>,
          %shift_right_logical3A = arith.constant 22 : i32
          %shift_right_logical3A_156 = vector.broadcast %shift_right_logical3A : i32 to vector<16xi32>
          %shift_right_logical3A_157 = arith.shrui %get3A_155, %shift_right_logical3A_156 : vector<16xi32>
          %and3A = vector.broadcast %scan3A_99 : i32 to vector<16xi32>
          %and3A_158 = arith.andi %shift_right_logical3A_157, %and3A : vector<16xi32>
          %broadcast_in_dim3A_159 = arith.constant true
          %broadcast_in_dim3A_160 = vector.broadcast %broadcast_in_dim3A_159 : i1 to vector<16xi1>
          %unique3A, %unique3A_161 = tpu.scan_count mask(%broadcast_in_dim3A_160 : vector<16xi1>) value(%and3A_158 : vector<16xi32>) : vector<16xi1>, vector<16xi32>
          %gather3A = tpu.vector_load_idx %arg8[%and3A_158] : memref<1024xi32, #tpu.memory_space<vmem>>[vector<16xi32>], vector<16xi32>,
          %add3A_162 = arith.addi %gather3A, %unique3A_161 : vector<16xi32>
          %sub3A = arith.constant 1 : i32
          %sub3A_163 = vector.broadcast %sub3A : i32 to vector<16xi32>
          %sub3A_164 = arith.subi %add3A_162, %sub3A_163 : vector<16xi32>
          tpu.vector_store_idx %arg5[%sub3A_164], %get3A_155 : memref<65536xi32, #tpu.memory_space<vmem>>[vector<16xi32>], vector<16xi32>,
          tpu.vector_store_idx %arg8[%and3A_158], %unique3A_161 masked %unique3A {add = true} : memref<1024xi32, #tpu.memory_space<vmem>>[vector<16xi32>], vector<16xi32>, vector<16xi1>
          %scan3A_165 = arith.constant 0 : i32
          %scan3A_166 = arith.constant 1 : i32
          %scan3A_167 = arith.addi %scan3A_151, %scan3A_166 : i32
          %mul3A_168 = arith.constant 16 : i32
          %mul3A_169 = arith.muli %scan3A_167, %mul3A_168 : i32
          %get3A_170 = arith.index_cast %mul3A_169 : i32 to index
          %get3A_171 = tpu.vector_load %arg11[%get3A_170] {strides = array<i32>} : memref<4096xi32, #tpu.memory_space<vmem>>, vector<16xi32>,
          %shift_right_logical3A_172 = arith.constant 22 : i32
          %shift_right_logical3A_173 = vector.broadcast %shift_right_logical3A_172 : i32 to vector<16xi32>
          %shift_right_logical3A_174 = arith.shrui %get3A_171, %shift_right_logical3A_173 : vector<16xi32>
          %and3A_175 = vector.broadcast %scan3A_99 : i32 to vector<16xi32>
          %and3A_176 = arith.andi %shift_right_logical3A_174, %and3A_175 : vector<16xi32>
          %broadcast_in_dim3A_177 = arith.constant true
          %broadcast_in_dim3A_178 = vector.broadcast %broadcast_in_dim3A_177 : i1 to vector<16xi1>
          %unique3A_179, %unique3A_180 = tpu.scan_count mask(%broadcast_in_dim3A_178 : vector<16xi1>) value(%and3A_176 : vector<16xi32>) : vector<16xi1>, vector<16xi32>
          %gather3A_181 = tpu.vector_load_idx %arg8[%and3A_176] : memref<1024xi32, #tpu.memory_space<vmem>>[vector<16xi32>], vector<16xi32>,
          %add3A_182 = arith.addi %gather3A_181, %unique3A_180 : vector<16xi32>
          %sub3A_183 = arith.constant 1 : i32
          %sub3A_184 = vector.broadcast %sub3A_183 : i32 to vector<16xi32>
          %sub3A_185 = arith.subi %add3A_182, %sub3A_184 : vector<16xi32>
          tpu.vector_store_idx %arg5[%sub3A_185], %get3A_171 : memref<65536xi32, #tpu.memory_space<vmem>>[vector<16xi32>], vector<16xi32>,
          tpu.vector_store_idx %arg8[%and3A_176], %unique3A_180 masked %unique3A_179 {add = true} : memref<1024xi32, #tpu.memory_space<vmem>>[vector<16xi32>], vector<16xi32>, vector<16xi1>
          %scan3A_186 = arith.constant 0 : i32
          %scan3A_187 = arith.constant 2 : i32
          %scan3A_188 = arith.addi %scan3A_151, %scan3A_187 : i32
          %mul3A_189 = arith.constant 16 : i32
          %mul3A_190 = arith.muli %scan3A_188, %mul3A_189 : i32
          %get3A_191 = arith.index_cast %mul3A_190 : i32 to index
          %get3A_192 = tpu.vector_load %arg11[%get3A_191] {strides = array<i32>} : memref<4096xi32, #tpu.memory_space<vmem>>, vector<16xi32>,
          %shift_right_logical3A_193 = arith.constant 22 : i32
          %shift_right_logical3A_194 = vector.broadcast %shift_right_logical3A_193 : i32 to vector<16xi32>
          %shift_right_logical3A_195 = arith.shrui %get3A_192, %shift_right_logical3A_194 : vector<16xi32>
          %and3A_196 = vector.broadcast %scan3A_99 : i32 to vector<16xi32>
          %and3A_197 = arith.andi %shift_right_logical3A_195, %and3A_196 : vector<16xi32>
          %broadcast_in_dim3A_198 = arith.constant true
          %broadcast_in_dim3A_199 = vector.broadcast %broadcast_in_dim3A_198 : i1 to vector<16xi1>
          %unique3A_200, %unique3A_201 = tpu.scan_count mask(%broadcast_in_dim3A_199 : vector<16xi1>) value(%and3A_197 : vector<16xi32>) : vector<16xi1>, vector<16xi32>
          %gather3A_202 = tpu.vector_load_idx %arg8[%and3A_197] : memref<1024xi32, #tpu.memory_space<vmem>>[vector<16xi32>], vector<16xi32>,
          %add3A_203 = arith.addi %gather3A_202, %unique3A_201 : vector<16xi32>
          %sub3A_204 = arith.constant 1 : i32
          %sub3A_205 = vector.broadcast %sub3A_204 : i32 to vector<16xi32>
          %sub3A_206 = arith.subi %add3A_203, %sub3A_205 : vector<16xi32>
          tpu.vector_store_idx %arg5[%sub3A_206], %get3A_192 : memref<65536xi32, #tpu.memory_space<vmem>>[vector<16xi32>], vector<16xi32>,
          tpu.vector_store_idx %arg8[%and3A_197], %unique3A_201 masked %unique3A_200 {add = true} : memref<1024xi32, #tpu.memory_space<vmem>>[vector<16xi32>], vector<16xi32>, vector<16xi1>
          %scan3A_207 = arith.constant 0 : i32
          %scan3A_208 = arith.constant 3 : i32
          %scan3A_209 = arith.addi %scan3A_151, %scan3A_208 : i32
          %mul3A_210 = arith.constant 16 : i32
          %mul3A_211 = arith.muli %scan3A_209, %mul3A_210 : i32
          %get3A_212 = arith.index_cast %mul3A_211 : i32 to index
          %get3A_213 = tpu.vector_load %arg11[%get3A_212] {strides = array<i32>} : memref<4096xi32, #tpu.memory_space<vmem>>, vector<16xi32>,
          %shift_right_logical3A_214 = arith.constant 22 : i32
          %shift_right_logical3A_215 = vector.broadcast %shift_right_logical3A_214 : i32 to vector<16xi32>
          %shift_right_logical3A_216 = arith.shrui %get3A_213, %shift_right_logical3A_215 : vector<16xi32>
          %and3A_217 = vector.broadcast %scan3A_99 : i32 to vector<16xi32>
          %and3A_218 = arith.andi %shift_right_logical3A_216, %and3A_217 : vector<16xi32>
          %broadcast_in_dim3A_219 = arith.constant true
          %broadcast_in_dim3A_220 = vector.broadcast %broadcast_in_dim3A_219 : i1 to vector<16xi1>
          %unique3A_221, %unique3A_222 = tpu.scan_count mask(%broadcast_in_dim3A_220 : vector<16xi1>) value(%and3A_218 : vector<16xi32>) : vector<16xi1>, vector<16xi32>
          %gather3A_223 = tpu.vector_load_idx %arg8[%and3A_218] : memref<1024xi32, #tpu.memory_space<vmem>>[vector<16xi32>], vector<16xi32>,
          %add3A_224 = arith.addi %gather3A_223, %unique3A_222 : vector<16xi32>
          %sub3A_225 = arith.constant 1 : i32
          %sub3A_226 = vector.broadcast %sub3A_225 : i32 to vector<16xi32>
          %sub3A_227 = arith.subi %add3A_224, %sub3A_226 : vector<16xi32>
          tpu.vector_store_idx %arg5[%sub3A_227], %get3A_213 : memref<65536xi32, #tpu.memory_space<vmem>>[vector<16xi32>], vector<16xi32>,
          tpu.vector_store_idx %arg8[%and3A_218], %unique3A_222 masked %unique3A_221 {add = true} : memref<1024xi32, #tpu.memory_space<vmem>>[vector<16xi32>], vector<16xi32>, vector<16xi1>
          %scan3A_228 = arith.constant 0 : i32
          %scan3A_229 = arith.constant 4 : i32
          %scan3A_230 = arith.addi %scan3A_151, %scan3A_229 : i32
          %mul3A_231 = arith.constant 16 : i32
          %mul3A_232 = arith.muli %scan3A_230, %mul3A_231 : i32
          %get3A_233 = arith.index_cast %mul3A_232 : i32 to index
          %get3A_234 = tpu.vector_load %arg11[%get3A_233] {strides = array<i32>} : memref<4096xi32, #tpu.memory_space<vmem>>, vector<16xi32>,
          %shift_right_logical3A_235 = arith.constant 22 : i32
          %shift_right_logical3A_236 = vector.broadcast %shift_right_logical3A_235 : i32 to vector<16xi32>
          %shift_right_logical3A_237 = arith.shrui %get3A_234, %shift_right_logical3A_236 : vector<16xi32>
          %and3A_238 = vector.broadcast %scan3A_99 : i32 to vector<16xi32>
          %and3A_239 = arith.andi %shift_right_logical3A_237, %and3A_238 : vector<16xi32>
          %broadcast_in_dim3A_240 = arith.constant true
          %broadcast_in_dim3A_241 = vector.broadcast %broadcast_in_dim3A_240 : i1 to vector<16xi1>
          %unique3A_242, %unique3A_243 = tpu.scan_count mask(%broadcast_in_dim3A_241 : vector<16xi1>) value(%and3A_239 : vector<16xi32>) : vector<16xi1>, vector<16xi32>
          %gather3A_244 = tpu.vector_load_idx %arg8[%and3A_239] : memref<1024xi32, #tpu.memory_space<vmem>>[vector<16xi32>], vector<16xi32>,
          %add3A_245 = arith.addi %gather3A_244, %unique3A_243 : vector<16xi32>
          %sub3A_246 = arith.constant 1 : i32
          %sub3A_247 = vector.broadcast %sub3A_246 : i32 to vector<16xi32>
          %sub3A_248 = arith.subi %add3A_245, %sub3A_247 : vector<16xi32>
          tpu.vector_store_idx %arg5[%sub3A_248], %get3A_234 : memref<65536xi32, #tpu.memory_space<vmem>>[vector<16xi32>], vector<16xi32>,
          tpu.vector_store_idx %arg8[%and3A_239], %unique3A_243 masked %unique3A_242 {add = true} : memref<1024xi32, #tpu.memory_space<vmem>>[vector<16xi32>], vector<16xi32>, vector<16xi1>
          %scan3A_249 = arith.constant 0 : i32
          %scan3A_250 = arith.constant 5 : i32
          %scan3A_251 = arith.addi %scan3A_151, %scan3A_250 : i32
          %mul3A_252 = arith.constant 16 : i32
          %mul3A_253 = arith.muli %scan3A_251, %mul3A_252 : i32
          %get3A_254 = arith.index_cast %mul3A_253 : i32 to index
          %get3A_255 = tpu.vector_load %arg11[%get3A_254] {strides = array<i32>} : memref<4096xi32, #tpu.memory_space<vmem>>, vector<16xi32>,
          %shift_right_logical3A_256 = arith.constant 22 : i32
          %shift_right_logical3A_257 = vector.broadcast %shift_right_logical3A_256 : i32 to vector<16xi32>
          %shift_right_logical3A_258 = arith.shrui %get3A_255, %shift_right_logical3A_257 : vector<16xi32>
          %and3A_259 = vector.broadcast %scan3A_99 : i32 to vector<16xi32>
          %and3A_260 = arith.andi %shift_right_logical3A_258, %and3A_259 : vector<16xi32>
          %broadcast_in_dim3A_261 = arith.constant true
          %broadcast_in_dim3A_262 = vector.broadcast %broadcast_in_dim3A_261 : i1 to vector<16xi1>
          %unique3A_263, %unique3A_264 = tpu.scan_count mask(%broadcast_in_dim3A_262 : vector<16xi1>) value(%and3A_260 : vector<16xi32>) : vector<16xi1>, vector<16xi32>
          %gather3A_265 = tpu.vector_load_idx %arg8[%and3A_260] : memref<1024xi32, #tpu.memory_space<vmem>>[vector<16xi32>], vector<16xi32>,
          %add3A_266 = arith.addi %gather3A_265, %unique3A_264 : vector<16xi32>
          %sub3A_267 = arith.constant 1 : i32
          %sub3A_268 = vector.broadcast %sub3A_267 : i32 to vector<16xi32>
          %sub3A_269 = arith.subi %add3A_266, %sub3A_268 : vector<16xi32>
          tpu.vector_store_idx %arg5[%sub3A_269], %get3A_255 : memref<65536xi32, #tpu.memory_space<vmem>>[vector<16xi32>], vector<16xi32>,
          tpu.vector_store_idx %arg8[%and3A_260], %unique3A_264 masked %unique3A_263 {add = true} : memref<1024xi32, #tpu.memory_space<vmem>>[vector<16xi32>], vector<16xi32>, vector<16xi1>
          %scan3A_270 = arith.constant 0 : i32
          %scan3A_271 = arith.constant 6 : i32
          %scan3A_272 = arith.addi %scan3A_151, %scan3A_271 : i32
          %mul3A_273 = arith.constant 16 : i32
          %mul3A_274 = arith.muli %scan3A_272, %mul3A_273 : i32
          %get3A_275 = arith.index_cast %mul3A_274 : i32 to index
          %get3A_276 = tpu.vector_load %arg11[%get3A_275] {strides = array<i32>} : memref<4096xi32, #tpu.memory_space<vmem>>, vector<16xi32>,
          %shift_right_logical3A_277 = arith.constant 22 : i32
          %shift_right_logical3A_278 = vector.broadcast %shift_right_logical3A_277 : i32 to vector<16xi32>
          %shift_right_logical3A_279 = arith.shrui %get3A_276, %shift_right_logical3A_278 : vector<16xi32>
          %and3A_280 = vector.broadcast %scan3A_99 : i32 to vector<16xi32>
          %and3A_281 = arith.andi %shift_right_logical3A_279, %and3A_280 : vector<16xi32>
          %broadcast_in_dim3A_282 = arith.constant true
          %broadcast_in_dim3A_283 = vector.broadcast %broadcast_in_dim3A_282 : i1 to vector<16xi1>
          %unique3A_284, %unique3A_285 = tpu.scan_count mask(%broadcast_in_dim3A_283 : vector<16xi1>) value(%and3A_281 : vector<16xi32>) : vector<16xi1>, vector<16xi32>
          %gather3A_286 = tpu.vector_load_idx %arg8[%and3A_281] : memref<1024xi32, #tpu.memory_space<vmem>>[vector<16xi32>], vector<16xi32>,
          %add3A_287 = arith.addi %gather3A_286, %unique3A_285 : vector<16xi32>
          %sub3A_288 = arith.constant 1 : i32
          %sub3A_289 = vector.broadcast %sub3A_288 : i32 to vector<16xi32>
          %sub3A_290 = arith.subi %add3A_287, %sub3A_289 : vector<16xi32>
          tpu.vector_store_idx %arg5[%sub3A_290], %get3A_276 : memref<65536xi32, #tpu.memory_space<vmem>>[vector<16xi32>], vector<16xi32>,
          tpu.vector_store_idx %arg8[%and3A_281], %unique3A_285 masked %unique3A_284 {add = true} : memref<1024xi32, #tpu.memory_space<vmem>>[vector<16xi32>], vector<16xi32>, vector<16xi1>
          %scan3A_291 = arith.constant 0 : i32
          %scan3A_292 = arith.constant 7 : i32
          %scan3A_293 = arith.addi %scan3A_151, %scan3A_292 : i32
          %mul3A_294 = arith.constant 16 : i32
          %mul3A_295 = arith.muli %scan3A_293, %mul3A_294 : i32
          %get3A_296 = arith.index_cast %mul3A_295 : i32 to index
          %get3A_297 = tpu.vector_load %arg11[%get3A_296] {strides = array<i32>} : memref<4096xi32, #tpu.memory_space<vmem>>, vector<16xi32>,
          %shift_right_logical3A_298 = arith.constant 22 : i32
          %shift_right_logical3A_299 = vector.broadcast %shift_right_logical3A_298 : i32 to vector<16xi32>
          %shift_right_logical3A_300 = arith.shrui %get3A_297, %shift_right_logical3A_299 : vector<16xi32>
          %and3A_301 = vector.broadcast %scan3A_99 : i32 to vector<16xi32>
          %and3A_302 = arith.andi %shift_right_logical3A_300, %and3A_301 : vector<16xi32>
          %broadcast_in_dim3A_303 = arith.constant true
          %broadcast_in_dim3A_304 = vector.broadcast %broadcast_in_dim3A_303 : i1 to vector<16xi1>
          %unique3A_305, %unique3A_306 = tpu.scan_count mask(%broadcast_in_dim3A_304 : vector<16xi1>) value(%and3A_302 : vector<16xi32>) : vector<16xi1>, vector<16xi32>
          %gather3A_307 = tpu.vector_load_idx %arg8[%and3A_302] : memref<1024xi32, #tpu.memory_space<vmem>>[vector<16xi32>], vector<16xi32>,
          %add3A_308 = arith.addi %gather3A_307, %unique3A_306 : vector<16xi32>
          %sub3A_309 = arith.constant 1 : i32
          %sub3A_310 = vector.broadcast %sub3A_309 : i32 to vector<16xi32>
          %sub3A_311 = arith.subi %add3A_308, %sub3A_310 : vector<16xi32>
          tpu.vector_store_idx %arg5[%sub3A_311], %get3A_297 : memref<65536xi32, #tpu.memory_space<vmem>>[vector<16xi32>], vector<16xi32>,
          tpu.vector_store_idx %arg8[%and3A_302], %unique3A_306 masked %unique3A_305 {add = true} : memref<1024xi32, #tpu.memory_space<vmem>>[vector<16xi32>], vector<16xi32>, vector<16xi1>
          %scan3A_312 = arith.constant 0 : i32
          scf.yield %scan3A_312 : i32
        }
        %scan3A_126 = arith.constant 256 : i32
        %mul3A_127 = arith.constant 2 : i32
        %mul3A_128 = arith.muli %scan3A_106, %mul3A_127 : i32
        %add3A_129 = arith.constant 1 : i32
        %add3A_130 = arith.addi %mul3A_128, %add3A_129 : i32
        %add3A_131 = arith.constant 1 : i32
        %add3A_132 = arith.addi %add3A_130, %add3A_131 : i32
        %lt3A_133 = arith.constant 16 : i32
        %lt3A_134 = arith.cmpi slt, %add3A_132, %lt3A_133 : i32
        %convert_element_type3A_135 = arith.extui %lt3A_134 : i1 to i32
        %cond3A_136 = arith.constant 0 : i32
        %cond3A_137 = arith.cmpi ne, %convert_element_type3A_135, %cond3A_136 : i32
        scf.if %cond3A_137 {
          %add3A_151 = arith.constant 1 : i32
          %add3A_152 = arith.addi %add3A_130, %add3A_151 : i32
          %mul3A_153 = arith.constant 4096 : i32
          %mul3A_154 = arith.muli %add3A_152, %mul3A_153 : i32
          %dma_start3A_155 = tpu.memref_slice %arg4[%add3A_12, %mul3A_154] : memref<256x65536xi32, #tpu.memory_space<hbm>> -> memref<1x4096xi32, #tpu.memory_space<hbm>>
          %dma_start3A_156 = tpu.memref_squeeze %dma_start3A_155 : memref<1x4096xi32, #tpu.memory_space<hbm>> -> memref<4096xi32, #tpu.memory_space<hbm>>
          %dma_start3A_157 = tpu.memref_slice %arg4[%add3A_12, %mul3A_154] : memref<256x65536xi32, #tpu.memory_space<hbm>> -> memref<1x4096xi32, #tpu.memory_space<hbm>>
          %dma_start3A_158 = tpu.memref_squeeze %dma_start3A_157 : memref<1x4096xi32, #tpu.memory_space<hbm>> -> memref<4096xi32, #tpu.memory_space<hbm>>
          tpu.enqueue_dma source(%dma_start3A_158 : memref<4096xi32, #tpu.memory_space<hbm>>) target(%arg11 : memref<4096xi32, #tpu.memory_space<vmem>>) target_semaphore(%arg13 : memref<!tpu.dma_semaphore, #tpu.memory_space<semaphore_mem>>)
        } else {
        }
        %mul3A_138 = arith.constant 4096 : i32
        %mul3A_139 = arith.muli %add3A_130, %mul3A_138 : i32
        %dma_wait3A_140 = tpu.memref_slice %arg4[%add3A_12, %mul3A_139] : memref<256x65536xi32, #tpu.memory_space<hbm>> -> memref<1x4096xi32, #tpu.memory_space<hbm>>
        %dma_wait3A_141 = tpu.memref_squeeze %dma_wait3A_140 : memref<1x4096xi32, #tpu.memory_space<hbm>> -> memref<4096xi32, #tpu.memory_space<hbm>>
        %dma_wait3A_142 = tpu.memref_slice %arg4[%add3A_12, %mul3A_139] : memref<256x65536xi32, #tpu.memory_space<hbm>> -> memref<1x4096xi32, #tpu.memory_space<hbm>>
        %dma_wait3A_143 = tpu.memref_squeeze %dma_wait3A_142 : memref<1x4096xi32, #tpu.memory_space<hbm>> -> memref<4096xi32, #tpu.memory_space<hbm>>
        tpu.wait_dma2 semaphore(%arg14 : memref<!tpu.dma_semaphore, #tpu.memory_space<semaphore_mem>>) src(%dma_wait3A_143 : memref<4096xi32, #tpu.memory_space<hbm>>) dst(%arg12 : memref<4096xi32, #tpu.memory_space<vmem>>)
        %scan3A_144 = arith.constant 0 : i32
        %scan3A_145 = arith.constant 0 : i32
        %scan3A_146 = arith.constant 256 : i32
        %scan3A_147 = arith.addi %scan3A_145, %scan3A_146 : i32
        %scan3A_148 = arith.constant 8 : i32
        %scan3A_149 = scf.for %scan3A_151 = %scan3A_145 to %scan3A_147 step %scan3A_148 iter_args(%scan3A_152 = %scan3A_144) -> (i32)  : i32 {
          %mul3A_153 = arith.constant 16 : i32
          %mul3A_154 = arith.muli %scan3A_151, %mul3A_153 : i32
          %get3A = arith.index_cast %mul3A_154 : i32 to index
          %get3A_155 = tpu.vector_load %arg12[%get3A] {strides = array<i32>} : memref<4096xi32, #tpu.memory_space<vmem>>, vector<16xi32>,
          %shift_right_logical3A = arith.constant 22 : i32
          %shift_right_logical3A_156 = vector.broadcast %shift_right_logical3A : i32 to vector<16xi32>
          %shift_right_logical3A_157 = arith.shrui %get3A_155, %shift_right_logical3A_156 : vector<16xi32>
          %and3A = vector.broadcast %scan3A_99 : i32 to vector<16xi32>
          %and3A_158 = arith.andi %shift_right_logical3A_157, %and3A : vector<16xi32>
          %broadcast_in_dim3A_159 = arith.constant true
          %broadcast_in_dim3A_160 = vector.broadcast %broadcast_in_dim3A_159 : i1 to vector<16xi1>
          %unique3A, %unique3A_161 = tpu.scan_count mask(%broadcast_in_dim3A_160 : vector<16xi1>) value(%and3A_158 : vector<16xi32>) : vector<16xi1>, vector<16xi32>
          %gather3A = tpu.vector_load_idx %arg8[%and3A_158] : memref<1024xi32, #tpu.memory_space<vmem>>[vector<16xi32>], vector<16xi32>,
          %add3A_162 = arith.addi %gather3A, %unique3A_161 : vector<16xi32>
          %sub3A = arith.constant 1 : i32
          %sub3A_163 = vector.broadcast %sub3A : i32 to vector<16xi32>
          %sub3A_164 = arith.subi %add3A_162, %sub3A_163 : vector<16xi32>
          tpu.vector_store_idx %arg5[%sub3A_164], %get3A_155 : memref<65536xi32, #tpu.memory_space<vmem>>[vector<16xi32>], vector<16xi32>,
          tpu.vector_store_idx %arg8[%and3A_158], %unique3A_161 masked %unique3A {add = true} : memref<1024xi32, #tpu.memory_space<vmem>>[vector<16xi32>], vector<16xi32>, vector<16xi1>
          %scan3A_165 = arith.constant 0 : i32
          %scan3A_166 = arith.constant 1 : i32
          %scan3A_167 = arith.addi %scan3A_151, %scan3A_166 : i32
          %mul3A_168 = arith.constant 16 : i32
          %mul3A_169 = arith.muli %scan3A_167, %mul3A_168 : i32
          %get3A_170 = arith.index_cast %mul3A_169 : i32 to index
          %get3A_171 = tpu.vector_load %arg12[%get3A_170] {strides = array<i32>} : memref<4096xi32, #tpu.memory_space<vmem>>, vector<16xi32>,
          %shift_right_logical3A_172 = arith.constant 22 : i32
          %shift_right_logical3A_173 = vector.broadcast %shift_right_logical3A_172 : i32 to vector<16xi32>
          %shift_right_logical3A_174 = arith.shrui %get3A_171, %shift_right_logical3A_173 : vector<16xi32>
          %and3A_175 = vector.broadcast %scan3A_99 : i32 to vector<16xi32>
          %and3A_176 = arith.andi %shift_right_logical3A_174, %and3A_175 : vector<16xi32>
          %broadcast_in_dim3A_177 = arith.constant true
          %broadcast_in_dim3A_178 = vector.broadcast %broadcast_in_dim3A_177 : i1 to vector<16xi1>
          %unique3A_179, %unique3A_180 = tpu.scan_count mask(%broadcast_in_dim3A_178 : vector<16xi1>) value(%and3A_176 : vector<16xi32>) : vector<16xi1>, vector<16xi32>
          %gather3A_181 = tpu.vector_load_idx %arg8[%and3A_176] : memref<1024xi32, #tpu.memory_space<vmem>>[vector<16xi32>], vector<16xi32>,
          %add3A_182 = arith.addi %gather3A_181, %unique3A_180 : vector<16xi32>
          %sub3A_183 = arith.constant 1 : i32
          %sub3A_184 = vector.broadcast %sub3A_183 : i32 to vector<16xi32>
          %sub3A_185 = arith.subi %add3A_182, %sub3A_184 : vector<16xi32>
          tpu.vector_store_idx %arg5[%sub3A_185], %get3A_171 : memref<65536xi32, #tpu.memory_space<vmem>>[vector<16xi32>], vector<16xi32>,
          tpu.vector_store_idx %arg8[%and3A_176], %unique3A_180 masked %unique3A_179 {add = true} : memref<1024xi32, #tpu.memory_space<vmem>>[vector<16xi32>], vector<16xi32>, vector<16xi1>
          %scan3A_186 = arith.constant 0 : i32
          %scan3A_187 = arith.constant 2 : i32
          %scan3A_188 = arith.addi %scan3A_151, %scan3A_187 : i32
          %mul3A_189 = arith.constant 16 : i32
          %mul3A_190 = arith.muli %scan3A_188, %mul3A_189 : i32
          %get3A_191 = arith.index_cast %mul3A_190 : i32 to index
          %get3A_192 = tpu.vector_load %arg12[%get3A_191] {strides = array<i32>} : memref<4096xi32, #tpu.memory_space<vmem>>, vector<16xi32>,
          %shift_right_logical3A_193 = arith.constant 22 : i32
          %shift_right_logical3A_194 = vector.broadcast %shift_right_logical3A_193 : i32 to vector<16xi32>
          %shift_right_logical3A_195 = arith.shrui %get3A_192, %shift_right_logical3A_194 : vector<16xi32>
          %and3A_196 = vector.broadcast %scan3A_99 : i32 to vector<16xi32>
          %and3A_197 = arith.andi %shift_right_logical3A_195, %and3A_196 : vector<16xi32>
          %broadcast_in_dim3A_198 = arith.constant true
          %broadcast_in_dim3A_199 = vector.broadcast %broadcast_in_dim3A_198 : i1 to vector<16xi1>
          %unique3A_200, %unique3A_201 = tpu.scan_count mask(%broadcast_in_dim3A_199 : vector<16xi1>) value(%and3A_197 : vector<16xi32>) : vector<16xi1>, vector<16xi32>
          %gather3A_202 = tpu.vector_load_idx %arg8[%and3A_197] : memref<1024xi32, #tpu.memory_space<vmem>>[vector<16xi32>], vector<16xi32>,
          %add3A_203 = arith.addi %gather3A_202, %unique3A_201 : vector<16xi32>
          %sub3A_204 = arith.constant 1 : i32
          %sub3A_205 = vector.broadcast %sub3A_204 : i32 to vector<16xi32>
          %sub3A_206 = arith.subi %add3A_203, %sub3A_205 : vector<16xi32>
          tpu.vector_store_idx %arg5[%sub3A_206], %get3A_192 : memref<65536xi32, #tpu.memory_space<vmem>>[vector<16xi32>], vector<16xi32>,
          tpu.vector_store_idx %arg8[%and3A_197], %unique3A_201 masked %unique3A_200 {add = true} : memref<1024xi32, #tpu.memory_space<vmem>>[vector<16xi32>], vector<16xi32>, vector<16xi1>
          %scan3A_207 = arith.constant 0 : i32
          %scan3A_208 = arith.constant 3 : i32
          %scan3A_209 = arith.addi %scan3A_151, %scan3A_208 : i32
          %mul3A_210 = arith.constant 16 : i32
          %mul3A_211 = arith.muli %scan3A_209, %mul3A_210 : i32
          %get3A_212 = arith.index_cast %mul3A_211 : i32 to index
          %get3A_213 = tpu.vector_load %arg12[%get3A_212] {strides = array<i32>} : memref<4096xi32, #tpu.memory_space<vmem>>, vector<16xi32>,
          %shift_right_logical3A_214 = arith.constant 22 : i32
          %shift_right_logical3A_215 = vector.broadcast %shift_right_logical3A_214 : i32 to vector<16xi32>
          %shift_right_logical3A_216 = arith.shrui %get3A_213, %shift_right_logical3A_215 : vector<16xi32>
          %and3A_217 = vector.broadcast %scan3A_99 : i32 to vector<16xi32>
          %and3A_218 = arith.andi %shift_right_logical3A_216, %and3A_217 : vector<16xi32>
          %broadcast_in_dim3A_219 = arith.constant true
          %broadcast_in_dim3A_220 = vector.broadcast %broadcast_in_dim3A_219 : i1 to vector<16xi1>
          %unique3A_221, %unique3A_222 = tpu.scan_count mask(%broadcast_in_dim3A_220 : vector<16xi1>) value(%and3A_218 : vector<16xi32>) : vector<16xi1>, vector<16xi32>
          %gather3A_223 = tpu.vector_load_idx %arg8[%and3A_218] : memref<1024xi32, #tpu.memory_space<vmem>>[vector<16xi32>], vector<16xi32>,
          %add3A_224 = arith.addi %gather3A_223, %unique3A_222 : vector<16xi32>
          %sub3A_225 = arith.constant 1 : i32
          %sub3A_226 = vector.broadcast %sub3A_225 : i32 to vector<16xi32>
          %sub3A_227 = arith.subi %add3A_224, %sub3A_226 : vector<16xi32>
          tpu.vector_store_idx %arg5[%sub3A_227], %get3A_213 : memref<65536xi32, #tpu.memory_space<vmem>>[vector<16xi32>], vector<16xi32>,
          tpu.vector_store_idx %arg8[%and3A_218], %unique3A_222 masked %unique3A_221 {add = true} : memref<1024xi32, #tpu.memory_space<vmem>>[vector<16xi32>], vector<16xi32>, vector<16xi1>
          %scan3A_228 = arith.constant 0 : i32
          %scan3A_229 = arith.constant 4 : i32
          %scan3A_230 = arith.addi %scan3A_151, %scan3A_229 : i32
          %mul3A_231 = arith.constant 16 : i32
          %mul3A_232 = arith.muli %scan3A_230, %mul3A_231 : i32
          %get3A_233 = arith.index_cast %mul3A_232 : i32 to index
          %get3A_234 = tpu.vector_load %arg12[%get3A_233] {strides = array<i32>} : memref<4096xi32, #tpu.memory_space<vmem>>, vector<16xi32>,
          %shift_right_logical3A_235 = arith.constant 22 : i32
          %shift_right_logical3A_236 = vector.broadcast %shift_right_logical3A_235 : i32 to vector<16xi32>
          %shift_right_logical3A_237 = arith.shrui %get3A_234, %shift_right_logical3A_236 : vector<16xi32>
          %and3A_238 = vector.broadcast %scan3A_99 : i32 to vector<16xi32>
          %and3A_239 = arith.andi %shift_right_logical3A_237, %and3A_238 : vector<16xi32>
          %broadcast_in_dim3A_240 = arith.constant true
          %broadcast_in_dim3A_241 = vector.broadcast %broadcast_in_dim3A_240 : i1 to vector<16xi1>
          %unique3A_242, %unique3A_243 = tpu.scan_count mask(%broadcast_in_dim3A_241 : vector<16xi1>) value(%and3A_239 : vector<16xi32>) : vector<16xi1>, vector<16xi32>
          %gather3A_244 = tpu.vector_load_idx %arg8[%and3A_239] : memref<1024xi32, #tpu.memory_space<vmem>>[vector<16xi32>], vector<16xi32>,
          %add3A_245 = arith.addi %gather3A_244, %unique3A_243 : vector<16xi32>
          %sub3A_246 = arith.constant 1 : i32
          %sub3A_247 = vector.broadcast %sub3A_246 : i32 to vector<16xi32>
          %sub3A_248 = arith.subi %add3A_245, %sub3A_247 : vector<16xi32>
          tpu.vector_store_idx %arg5[%sub3A_248], %get3A_234 : memref<65536xi32, #tpu.memory_space<vmem>>[vector<16xi32>], vector<16xi32>,
          tpu.vector_store_idx %arg8[%and3A_239], %unique3A_243 masked %unique3A_242 {add = true} : memref<1024xi32, #tpu.memory_space<vmem>>[vector<16xi32>], vector<16xi32>, vector<16xi1>
          %scan3A_249 = arith.constant 0 : i32
          %scan3A_250 = arith.constant 5 : i32
          %scan3A_251 = arith.addi %scan3A_151, %scan3A_250 : i32
          %mul3A_252 = arith.constant 16 : i32
          %mul3A_253 = arith.muli %scan3A_251, %mul3A_252 : i32
          %get3A_254 = arith.index_cast %mul3A_253 : i32 to index
          %get3A_255 = tpu.vector_load %arg12[%get3A_254] {strides = array<i32>} : memref<4096xi32, #tpu.memory_space<vmem>>, vector<16xi32>,
          %shift_right_logical3A_256 = arith.constant 22 : i32
          %shift_right_logical3A_257 = vector.broadcast %shift_right_logical3A_256 : i32 to vector<16xi32>
          %shift_right_logical3A_258 = arith.shrui %get3A_255, %shift_right_logical3A_257 : vector<16xi32>
          %and3A_259 = vector.broadcast %scan3A_99 : i32 to vector<16xi32>
          %and3A_260 = arith.andi %shift_right_logical3A_258, %and3A_259 : vector<16xi32>
          %broadcast_in_dim3A_261 = arith.constant true
          %broadcast_in_dim3A_262 = vector.broadcast %broadcast_in_dim3A_261 : i1 to vector<16xi1>
          %unique3A_263, %unique3A_264 = tpu.scan_count mask(%broadcast_in_dim3A_262 : vector<16xi1>) value(%and3A_260 : vector<16xi32>) : vector<16xi1>, vector<16xi32>
          %gather3A_265 = tpu.vector_load_idx %arg8[%and3A_260] : memref<1024xi32, #tpu.memory_space<vmem>>[vector<16xi32>], vector<16xi32>,
          %add3A_266 = arith.addi %gather3A_265, %unique3A_264 : vector<16xi32>
          %sub3A_267 = arith.constant 1 : i32
          %sub3A_268 = vector.broadcast %sub3A_267 : i32 to vector<16xi32>
          %sub3A_269 = arith.subi %add3A_266, %sub3A_268 : vector<16xi32>
          tpu.vector_store_idx %arg5[%sub3A_269], %get3A_255 : memref<65536xi32, #tpu.memory_space<vmem>>[vector<16xi32>], vector<16xi32>,
          tpu.vector_store_idx %arg8[%and3A_260], %unique3A_264 masked %unique3A_263 {add = true} : memref<1024xi32, #tpu.memory_space<vmem>>[vector<16xi32>], vector<16xi32>, vector<16xi1>
          %scan3A_270 = arith.constant 0 : i32
          %scan3A_271 = arith.constant 6 : i32
          %scan3A_272 = arith.addi %scan3A_151, %scan3A_271 : i32
          %mul3A_273 = arith.constant 16 : i32
          %mul3A_274 = arith.muli %scan3A_272, %mul3A_273 : i32
          %get3A_275 = arith.index_cast %mul3A_274 : i32 to index
          %get3A_276 = tpu.vector_load %arg12[%get3A_275] {strides = array<i32>} : memref<4096xi32, #tpu.memory_space<vmem>>, vector<16xi32>,
          %shift_right_logical3A_277 = arith.constant 22 : i32
          %shift_right_logical3A_278 = vector.broadcast %shift_right_logical3A_277 : i32 to vector<16xi32>
          %shift_right_logical3A_279 = arith.shrui %get3A_276, %shift_right_logical3A_278 : vector<16xi32>
          %and3A_280 = vector.broadcast %scan3A_99 : i32 to vector<16xi32>
          %and3A_281 = arith.andi %shift_right_logical3A_279, %and3A_280 : vector<16xi32>
          %broadcast_in_dim3A_282 = arith.constant true
          %broadcast_in_dim3A_283 = vector.broadcast %broadcast_in_dim3A_282 : i1 to vector<16xi1>
          %unique3A_284, %unique3A_285 = tpu.scan_count mask(%broadcast_in_dim3A_283 : vector<16xi1>) value(%and3A_281 : vector<16xi32>) : vector<16xi1>, vector<16xi32>
          %gather3A_286 = tpu.vector_load_idx %arg8[%and3A_281] : memref<1024xi32, #tpu.memory_space<vmem>>[vector<16xi32>], vector<16xi32>,
          %add3A_287 = arith.addi %gather3A_286, %unique3A_285 : vector<16xi32>
          %sub3A_288 = arith.constant 1 : i32
          %sub3A_289 = vector.broadcast %sub3A_288 : i32 to vector<16xi32>
          %sub3A_290 = arith.subi %add3A_287, %sub3A_289 : vector<16xi32>
          tpu.vector_store_idx %arg5[%sub3A_290], %get3A_276 : memref<65536xi32, #tpu.memory_space<vmem>>[vector<16xi32>], vector<16xi32>,
          tpu.vector_store_idx %arg8[%and3A_281], %unique3A_285 masked %unique3A_284 {add = true} : memref<1024xi32, #tpu.memory_space<vmem>>[vector<16xi32>], vector<16xi32>, vector<16xi1>
          %scan3A_291 = arith.constant 0 : i32
          %scan3A_292 = arith.constant 7 : i32
          %scan3A_293 = arith.addi %scan3A_151, %scan3A_292 : i32
          %mul3A_294 = arith.constant 16 : i32
          %mul3A_295 = arith.muli %scan3A_293, %mul3A_294 : i32
          %get3A_296 = arith.index_cast %mul3A_295 : i32 to index
          %get3A_297 = tpu.vector_load %arg12[%get3A_296] {strides = array<i32>} : memref<4096xi32, #tpu.memory_space<vmem>>, vector<16xi32>,
          %shift_right_logical3A_298 = arith.constant 22 : i32
          %shift_right_logical3A_299 = vector.broadcast %shift_right_logical3A_298 : i32 to vector<16xi32>
          %shift_right_logical3A_300 = arith.shrui %get3A_297, %shift_right_logical3A_299 : vector<16xi32>
          %and3A_301 = vector.broadcast %scan3A_99 : i32 to vector<16xi32>
          %and3A_302 = arith.andi %shift_right_logical3A_300, %and3A_301 : vector<16xi32>
          %broadcast_in_dim3A_303 = arith.constant true
          %broadcast_in_dim3A_304 = vector.broadcast %broadcast_in_dim3A_303 : i1 to vector<16xi1>
          %unique3A_305, %unique3A_306 = tpu.scan_count mask(%broadcast_in_dim3A_304 : vector<16xi1>) value(%and3A_302 : vector<16xi32>) : vector<16xi1>, vector<16xi32>
          %gather3A_307 = tpu.vector_load_idx %arg8[%and3A_302] : memref<1024xi32, #tpu.memory_space<vmem>>[vector<16xi32>], vector<16xi32>,
          %add3A_308 = arith.addi %gather3A_307, %unique3A_306 : vector<16xi32>
          %sub3A_309 = arith.constant 1 : i32
          %sub3A_310 = vector.broadcast %sub3A_309 : i32 to vector<16xi32>
          %sub3A_311 = arith.subi %add3A_308, %sub3A_310 : vector<16xi32>
          tpu.vector_store_idx %arg5[%sub3A_311], %get3A_297 : memref<65536xi32, #tpu.memory_space<vmem>>[vector<16xi32>], vector<16xi32>,
          tpu.vector_store_idx %arg8[%and3A_302], %unique3A_306 masked %unique3A_305 {add = true} : memref<1024xi32, #tpu.memory_space<vmem>>[vector<16xi32>], vector<16xi32>, vector<16xi1>
          %scan3A_312 = arith.constant 0 : i32
          scf.yield %scan3A_312 : i32
        }
        %scan3A_150 = arith.constant 256 : i32
      }
      %scan3A_104 = arith.constant 8 : i32
      "tpu.region"() ({
        %run_scoped3A = tpu.sem_alloc : memref<!tpu.dma_semaphore, #tpu.memory_space<semaphore_mem>>
        %dma_start3A_106 = arith.constant 0 : i32
        %dma_start3A_107 = tpu.memref_slice %arg3[%add3A_12, %dma_start3A_106] : memref<256x65536xi32, #tpu.memory_space<hbm>> -> memref<1x65536xi32, #tpu.memory_space<hbm>>
        %dma_start3A_108 = tpu.memref_squeeze %dma_start3A_107 : memref<1x65536xi32, #tpu.memory_space<hbm>> -> memref<65536xi32, #tpu.memory_space<hbm>>
        %dma_start3A_109 = arith.constant 0 : i32
        %dma_start3A_110 = tpu.memref_slice %arg3[%add3A_12, %dma_start3A_109] : memref<256x65536xi32, #tpu.memory_space<hbm>> -> memref<1x65536xi32, #tpu.memory_space<hbm>>
        %dma_start3A_111 = tpu.memref_squeeze %dma_start3A_110 : memref<1x65536xi32, #tpu.memory_space<hbm>> -> memref<65536xi32, #tpu.memory_space<hbm>>
        tpu.enqueue_dma source(%arg5 : memref<65536xi32, #tpu.memory_space<vmem>>) target(%dma_start3A_111 : memref<65536xi32, #tpu.memory_space<hbm>>) target_semaphore(%run_scoped3A : memref<!tpu.dma_semaphore, #tpu.memory_space<semaphore_mem>>)
        %dma_wait3A = arith.constant 0 : i32
        %dma_wait3A_112 = tpu.memref_slice %arg3[%add3A_12, %dma_wait3A] : memref<256x65536xi32, #tpu.memory_space<hbm>> -> memref<1x65536xi32, #tpu.memory_space<hbm>>
        %dma_wait3A_113 = tpu.memref_squeeze %dma_wait3A_112 : memref<1x65536xi32, #tpu.memory_space<hbm>> -> memref<65536xi32, #tpu.memory_space<hbm>>
        %dma_wait3A_114 = arith.constant 0 : i32
        %dma_wait3A_115 = tpu.memref_slice %arg3[%add3A_12, %dma_wait3A_114] : memref<256x65536xi32, #tpu.memory_space<hbm>> -> memref<1x65536xi32, #tpu.memory_space<hbm>>
        %dma_wait3A_116 = tpu.memref_squeeze %dma_wait3A_115 : memref<1x65536xi32, #tpu.memory_space<hbm>> -> memref<65536xi32, #tpu.memory_space<hbm>>
        tpu.wait_dma2 semaphore(%run_scoped3A : memref<!tpu.dma_semaphore, #tpu.memory_space<semaphore_mem>>) src(%arg5 : memref<65536xi32, #tpu.memory_space<vmem>>) dst(%dma_wait3A_116 : memref<65536xi32, #tpu.memory_space<hbm>>)
        tpu.yield
      }) : () -> ()
      %scan3A_105 = arith.constant 0 : i32
      scf.yield %scan3A_105 : i32
    }
    %scan3A_7 = arith.constant 8 : i32
    return
  }
}

module attributes {stable_mosaic.version = 14 : i64} {
  func.func @body(%arg0: i32, %arg1: memref<256x4096xi32, #tpu.memory_space<vmem>>, %arg2: memref<4096xf32, #tpu.memory_space<vmem>>, %arg3: memref<1x256xf32, #tpu.memory_space<vmem>>, %arg4: memref<1x256xf32, #tpu.memory_space<vmem>>) attributes {dimension_semantics = [#tpu.dimension_semantics<arbitrary>], iteration_bounds = array<i64: 16>, scalar_prefetch = 0 : i64, scratch_operands = 0 : i64, tpu.core_type = #tpu.core_type<tc>, window_params = [{transform_indices = @transform_0, window_bounds = array<i64: 256, 4096>}, {transform_indices = @transform_1, window_bounds = array<i64: 4096>}, {pipeline_mode = #tpu.pipeline_mode<synchronous>, transform_indices = @transform_2, window_bounds = array<i64: 1, 256>}, {pipeline_mode = #tpu.pipeline_mode<synchronous>, transform_indices = @transform_3, window_bounds = array<i64: 1, 256>}]} {
    %eq3A = arith.constant 0 : i32
    %eq3A_0 = arith.cmpi eq, %arg0, %eq3A : i32
    %convert_element_type3A = arith.extui %eq3A_0 : i1 to i32
    %cond3A = arith.constant 0 : i32
    %cond3A_1 = arith.cmpi ne, %convert_element_type3A, %cond3A : i32
    scf.if %cond3A_1 {
      %broadcast_in_dim3A_32 = arith.constant 0.000000e+00 : f32
      %broadcast_in_dim3A_33 = vector.broadcast %broadcast_in_dim3A_32 : f32 to vector<1x256xf32>
      %swap3A_34 = arith.constant 0 : index
      %swap3A_35 = arith.constant 0 : index
      %swap3A_36 = vector.load %arg3[%swap3A_34, %swap3A_35] : memref<1x256xf32, #tpu.memory_space<vmem>>, vector<1x256xf32>
      tpu.vector_store %arg3[%swap3A_34, %swap3A_35], %broadcast_in_dim3A_33 {strides = array<i32>} : memref<1x256xf32, #tpu.memory_space<vmem>>, vector<1x256xf32>,
      %broadcast_in_dim3A_37 = arith.constant 0.000000e+00 : f32
      %broadcast_in_dim3A_38 = vector.broadcast %broadcast_in_dim3A_37 : f32 to vector<1x256xf32>
      %swap3A_39 = arith.constant 0 : index
      %swap3A_40 = arith.constant 0 : index
      %swap3A_41 = vector.load %arg4[%swap3A_39, %swap3A_40] : memref<1x256xf32, #tpu.memory_space<vmem>>, vector<1x256xf32>
      tpu.vector_store %arg4[%swap3A_39, %swap3A_40], %broadcast_in_dim3A_38 {strides = array<i32>} : memref<1x256xf32, #tpu.memory_space<vmem>>, vector<1x256xf32>,
    } else {
    }
    %get3A = arith.constant 0 : index
    %get3A_2 = arith.constant 0 : index
    %get3A_3 = vector.load %arg1[%get3A, %get3A_2] : memref<256x4096xi32, #tpu.memory_space<vmem>>, vector<256x4096xi32>
    %shift_right_logical3A = arith.constant 31 : i32
    %shift_right_logical3A_4 = vector.broadcast %shift_right_logical3A : i32 to vector<256x4096xi32>
    %shift_right_logical3A_5 = arith.shrui %get3A_3, %shift_right_logical3A_4 : vector<256x4096xi32>
    %neg3A = arith.constant 0 : i32
    %neg3A_6 = vector.broadcast %neg3A : i32 to vector<256x4096xi32>
    %neg3A_7 = arith.subi %neg3A_6, %shift_right_logical3A_5 : vector<256x4096xi32>
    %not3A = arith.constant dense<-1> : vector<256x4096xi32>
    %not3A_8 = arith.xori %neg3A_7, %not3A : vector<256x4096xi32>
    %or3A = arith.constant -2147483648 : i32
    %or3A_9 = vector.broadcast %or3A : i32 to vector<256x4096xi32>
    %or3A_10 = arith.ori %or3A_9, %not3A_8 : vector<256x4096xi32>
    %xor3A = arith.xori %get3A_3, %or3A_10 : vector<256x4096xi32>
    %bitcast_convert_type3A = tpu.bitcast %xor3A : vector<256x4096xi32> -> vector<256x4096xf32>
    %get3A_11 = arith.constant 0 : index
    %get3A_12 = vector.load %arg2[%get3A_11] : memref<4096xf32, #tpu.memory_space<vmem>>, vector<4096xf32>
    %get3A_13 = arith.constant 0 : index
    %get3A_14 = arith.constant 0 : index
    %get3A_15 = vector.load %arg3[%get3A_13, %get3A_14] : memref<1x256xf32, #tpu.memory_space<vmem>>, vector<1x256xf32>
    %broadcast_in_dim3A = vector.shape_cast %get3A_12 : vector<4096xf32> to vector<1x4096xf32>
    %mul3A = vector.broadcast %broadcast_in_dim3A : vector<1x4096xf32> to vector<256x4096xf32>
    %mul3A_16 = arith.mulf %bitcast_convert_type3A, %mul3A : vector<256x4096xf32>
    %reduce_sum3A = arith.constant dense<0.000000e+00> : vector<256xf32>
    %reduce_sum3A_17 = vector.multi_reduction <add>, %mul3A_16, %reduce_sum3A [1] : vector<256x4096xf32> to vector<256xf32>
    %broadcast_in_dim3A_18 = vector.shape_cast %reduce_sum3A_17 : vector<256xf32> to vector<1x256xf32>
    %add3A = arith.addf %get3A_15, %broadcast_in_dim3A_18 : vector<1x256xf32>
    %swap3A = arith.constant 0 : index
    %swap3A_19 = arith.constant 0 : index
    %swap3A_20 = vector.load %arg3[%swap3A, %swap3A_19] : memref<1x256xf32, #tpu.memory_space<vmem>>, vector<1x256xf32>
    tpu.vector_store %arg3[%swap3A, %swap3A_19], %add3A {strides = array<i32>} : memref<1x256xf32, #tpu.memory_space<vmem>>, vector<1x256xf32>,
    %get3A_21 = arith.constant 0 : index
    %get3A_22 = arith.constant 0 : index
    %get3A_23 = vector.load %arg4[%get3A_21, %get3A_22] : memref<1x256xf32, #tpu.memory_space<vmem>>, vector<1x256xf32>
    %mul3A_24 = arith.mulf %bitcast_convert_type3A, %bitcast_convert_type3A : vector<256x4096xf32>
    %reduce_sum3A_25 = arith.constant dense<0.000000e+00> : vector<256xf32>
    %reduce_sum3A_26 = vector.multi_reduction <add>, %mul3A_24, %reduce_sum3A_25 [1] : vector<256x4096xf32> to vector<256xf32>
    %broadcast_in_dim3A_27 = vector.shape_cast %reduce_sum3A_26 : vector<256xf32> to vector<1x256xf32>
    %add3A_28 = arith.addf %get3A_23, %broadcast_in_dim3A_27 : vector<1x256xf32>
    %swap3A_29 = arith.constant 0 : index
    %swap3A_30 = arith.constant 0 : index
    %swap3A_31 = vector.load %arg4[%swap3A_29, %swap3A_30] : memref<1x256xf32, #tpu.memory_space<vmem>>, vector<1x256xf32>
    tpu.vector_store %arg4[%swap3A_29, %swap3A_30], %add3A_28 {strides = array<i32>} : memref<1x256xf32, #tpu.memory_space<vmem>>, vector<1x256xf32>,
    return
  }
  func.func @transform_0(%arg0: i32) -> (i32, i32) {
    %c0_i32 = arith.constant 0 : i32
    %c0_i32_0 = arith.constant 0 : i32
    return %c0_i32, %arg0 : i32, i32
  }
  func.func @transform_1(%arg0: i32) -> i32 {
    %c0_i32 = arith.constant 0 : i32
    return %arg0 : i32
  }
  func.func @transform_2(%arg0: i32) -> (i32, i32) {
    %c0_i32 = arith.constant 0 : i32
    %c0_i32_0 = arith.constant 0 : i32
    %c0_i32_1 = arith.constant 0 : i32
    return %c0_i32, %c0_i32_0 : i32, i32
  }
  func.func @transform_3(%arg0: i32) -> (i32, i32) {
    %c0_i32 = arith.constant 0 : i32
    %c0_i32_0 = arith.constant 0 : i32
    %c0_i32_1 = arith.constant 0 : i32
    return %c0_i32, %c0_i32_0 : i32, i32
  }
}

</mosaic_0001>

<sc_bundles>
// kernel: kernel.4.cloned.1.call-start
scs
__scs_entry_jumppad:
0x0: {  	(pc) =	sbr.rel $0x88, $3  }
0x1: {  	(tag) =	ssettag $0x0;
	lr =	simm.s32 $0x1  }
0x2: {  	[smem:$0x3FA0] =	sst lr;
	_ =	strace $0xD0000000  }
0x3: {  	_ = 	snop  }
0x4: {  	_ = 	snop  }
0x5: {  	_ = 	snop  }
0x6: {  	_ = 	snop  }
0x7: {  	_ = 	snop  }
__scs_overlays_trampoline_lowered:
0x8: {  	[smem:$0x3FAF] =	sst s0  }
0x9: {  	[smem:$0x3FB0] =	sst s1  }
0xa: {  	[smem:$0x3FB1] =	sst s2  }
0xb: {  	[smem:$0x3FB2] =	sst s3  }
0xc: {  	[smem:$0x3FB3] =	sst s4  }
0xd: {  	[smem:$0x3FB4] =	sst s5  }
0xe: {  	[smem:$0x3FB5] =	sst s6  }
0xf: {  	[smem:$0x3FB6] =	sst s7  }
0x10: {  	[smem:$0x3FB7] =	sst s8  }
0x11: {  	[smem:$0x3FB8] =	sst s9;
	s0 =	simm.s32 @!p0 $0x0  }
0x12: {  	s1 =	sld [smem:$0x3F9E];
	s0 =	simm.s32 @p0 $0x1  }
0x13: {  	[smem:$0x3FB9] =	sst s0;
	s0 =	simm.s32 @!p1 $0x0  }
0x14: {  	s2 =	sld [smem:$0x3F9D];
	s0 =	simm.s32 @p1 $0x1  }
0x15: {  	[smem:$0x3FBA] =	sst s0;
	s0 =	simm.s32 @!p2 $0x0  }
0x16: {  	s3 =	sld [smem:$0x3FDB];
	s0 =	simm.s32 @p2 $0x1  }
0x17: {  	s4 =	simm.s32 $0x1BF5;
	[smem:$0x3FBC] =	sst s0  }
0x18: {  	s0 =	sld [smem:$0x3F9F];
	_ =	swait.ge [sflag:s4], $0x0  }
0x19: {  	s7 =	sld [smem:$0x3FA0]  }
0x1a: {  	s8 =	sadd.s32 $0xFFFFE003, lr  }
0x1b: {  	s9 =	sadd.s32 $0xFFFFFEF7, lr;
	s5 =	simm.s32 $0xFFFFFFFF;
	p2 =	slt.u32 s8, $0xFFFFF086  }
0x1c: {  	p1 =	slt.u32 s9, $0xF7A;
	s5 =	simm.s32 @!p2 $0x0  }
0x1d: {  	s5 =	simm.s32 @p1 $0x1;
	p0 =	seq.s32 s7, s2  }
0x1e: {  	s7 =	smul.u32 @!p0 $0xF7A, s2;
	p2 =	seq.s32 @!p0 s5, $0x0  }
0x1f: {  	s9 =	smul.u32 $0xF7A, s1;
	s8 =	simm.s32 @!p0 $0x1BF5;
	p2 =	por !p2, p0  }
0x20: {  	[sflag:s8] =	ssyncset.s32 @!p0 $0xFFFFF086;
	s6 =	sadd.s32 @!p0 s3, s7;
	s7 =	simm.s32 @!p0 $0x108  }
0x21: {  	s3 =	sadd.s32 s3, s9;
	s6 =	sadd.s32 @!p0 $0x88, s6;
	s7 =	simm.s32 @p2 $0x1082  }
0x22: {  	[simem:s7], [sflag:s8] =	dma.local @!p0 [hbm:s6], $0xF7A  }
0x23: {  	s9 =	sor.u32 $0xD0000000, s2;
	s6 =	simm.s32 $0x108;
	_ =	swait.ge @!p0 [sflag:s8], $0x0  }
0x24: {  	s3 =	sadd.s32 $0x88, s3;
	s6 =	simm.s32 @!p1 $0x1082;
	[sflag:s4] =	ssyncset.s32 $0xFFFFF086  }
0x25: {  	[simem:s6], [sflag:s4] =	dma.local [hbm:s3], $0xF7A  }
0x26: {  	[smem:$0x3FA0] =	sst s1;
	(tag) =	ssettag s2;
	_ =	strace s9  }
0x27: {  	s1 =	sld [smem:$0x3FB0]  }
0x28: {  	s2 =	sld [smem:$0x3FB1]  }
0x29: {  	s4 =	sld [smem:$0x3FB3]  }
0x2a: {  	p0 =	seq.s32 s5, $0x0;
	s5 =	sld [smem:$0x3FB4]  }
0x2b: {  	s6 =	sld [smem:$0x3FB5]  }
0x2c: {  	s7 =	sld [smem:$0x3FB6]  }
0x2d: {  	s3 =	simm.s32 $0x108;
	s8 =	sld [smem:$0x3FB7]  }
0x2e: {  	s3 =	simm.s32 @!p0 $0x1082;
	s9 =	sld [smem:$0x3FB8]  }
0x2f: {  	lr =	sadd.s32 s0, s3;
	s0 =	sld [smem:$0x3FAF]  }
0x30: {  	s3 =	sld [smem:$0x3FB2]  }
0x31: {  	[smem:$0x3FBB] =	sst s10  }
0x32: {  	s10 =	sld [smem:$0x3FB9];
	_ =	sdelay $0x3  }
0x33: {  	p0 =	seq.s32 s10, $0x1;
	s10 =	sld [smem:$0x3FBB];
	_ =	sdelay $0x3  }
0x34: {  	[smem:$0x3FBB] =	sst s10  }
0x35: {  	s10 =	sld [smem:$0x3FBA];
	_ =	sdelay $0x3  }
0x36: {  	p1 =	seq.s32 s10, $0x1;
	s10 =	sld [smem:$0x3FBB];
	_ =	sdelay $0x3  }
0x37: {  	[smem:$0x3FBB] =	sst s10  }
0x38: {  	s10 =	sld [smem:$0x3FBC]  }
0x39: {  	_ = 	snop;
	(pc) =	sbr.ind lr, $3  }
0x3a: {  	_ = 	snop  }
0x3b: {  	_ = 	snop  }
0x3c: {  	p2 =	seq.s32 s10, $0x1;
	s10 =	sld [smem:$0x3FBB]  }
0x3d: {  	_ =	shalt  }
0x3e: {  	_ =	shalt  }
0x3f: {  	_ =	shalt  }
0x40: {  	_ =	shalt  }
0x41: {  	_ =	shalt  }
0x42: {  	_ =	shalt  }
0x43: {  	_ =	shalt  }
0x44: {  	_ =	shalt  }
0x45: {  	_ =	shalt  }
0x46: {  	_ =	shalt  }
0x47: {  	_ =	shalt  }
0x48: {  	_ =	shalt  }
0x49: {  	_ =	shalt  }
0x4a: {  	_ =	shalt  }
0x4b: {  	_ =	shalt  }
0x4c: {  	_ =	shalt  }
0x4d: {  	_ =	shalt  }
0x4e: {  	_ =	shalt  }
0x4f: {  	_ =	shalt  }
0x50: {  	_ =	shalt  }
0x51: {  	_ =	shalt  }
0x52: {  	_ =	shalt  }
0x53: {  	_ =	shalt  }
0x54: {  	_ =	shalt  }
0x55: {  	_ =	shalt  }
0x56: {  	_ =	shalt  }
0x57: {  	_ =	shalt  }
0x58: {  	_ =	shalt  }
0x59: {  	_ =	shalt  }
0x5a: {  	_ =	shalt  }
0x5b: {  	_ =	shalt  }
0x5c: {  	_ =	shalt  }
0x5d: {  	_ =	shalt  }
0x5e: {  	_ =	shalt  }
0x5f: {  	_ =	shalt  }
0x60: {  	_ =	shalt  }
0x61: {  	_ =	shalt  }
0x62: {  	_ =	shalt  }
0x63: {  	_ =	shalt  }
0x64: {  	_ =	shalt  }
0x65: {  	_ =	shalt  }
0x66: {  	_ =	shalt  }
0x67: {  	_ =	shalt  }
0x68: {  	_ =	shalt  }
0x69: {  	_ =	shalt  }
0x6a: {  	_ =	shalt  }
0x6b: {  	_ =	shalt  }
0x6c: {  	_ =	shalt  }
0x6d: {  	_ =	shalt  }
0x6e: {  	_ =	shalt  }
0x6f: {  	_ =	shalt  }
0x70: {  	_ =	shalt  }
0x71: {  	_ =	shalt  }
0x72: {  	_ =	shalt  }
0x73: {  	_ =	shalt  }
0x74: {  	_ =	shalt  }
0x75: {  	_ =	shalt  }
0x76: {  	_ =	shalt  }
0x77: {  	_ =	shalt  }
0x78: {  	_ =	shalt  }
0x79: {  	_ =	shalt  }
0x7a: {  	_ =	shalt  }
0x7b: {  	_ =	shalt  }
0x7c: {  	_ =	shalt  }
0x7d: {  	_ =	shalt  }
0x7e: {  	_ =	shalt  }
0x7f: {  	_ =	shalt  }
0x80: {  	_ =	shalt  }
0x81: {  	_ =	shalt  }
0x82: {  	_ =	shalt  }
0x83: {  	_ =	shalt  }
0x84: {  	_ =	shalt  }
0x85: {  	_ =	shalt  }
0x86: {  	_ =	shalt  }
0x87: {  	_ =	shalt  }
.Lfunc_end0:
.L_simem_size_0:
called_computation_lowered:
.L_overlay_start_0:
0x88: {  	s2 =	sld [smem:$0x3FD9]  }
0x89: {  	s3 =	sld [smem:$0x3FFE];
	_ =	sdelay $0x1  }
0x8a: {  	s1 =	srdreg.scid  }
0x8b: {  	s0 =	sand.u32 $0x1, s1  }
0x8c: {  	s16 =	sshll.u32 s0, $0xA;
	s2 =	sadd.s32 s3, s2  }
0x8d: {  	s2 =	sadd.s32 s2, s16  }
0x8e: {  	[smem:$0x3FC7] =	sst s2  }
0x8f: {  	_ = 	snop  }
0x90: {  	(tm) =	ssettm $0x1  }
0x91: {  	s17 =	sld [smem:$0x3FFB];
	_ =	sdelay $0x3  }
0x92: {  	_ =	strace s17  }
0x93: {  	s2 =	sld [smem:$0x3FFC];
	_ =	sdelay $0x3  }
0x94: {  	_ =	strace s2  }
0x95: {  	s2 =	sld [smem:$0x3FFD];
	_ =	sdelay $0x3  }
0x96: {  	_ =	strace s2  }
0x97: {  	_ =	strace $0x8FFFFFFF  }
0x98: {  	s18 =	sld [smem:$0x3FDB];
	_ =	sdelay $0x1  }
0x99: {  	s19 =	simm.s32 $_scs_section_size  }
0x9a: {  	s4 =	simm.s32 $_size__tile_overlayer_lowered;
	s5 =	simm.s32 $_tile_overlayer_lowered  }
0x9b: {  	s22 =	simm.s32 $0x1BFF;
	s21 =	sshll.u32 s5, $0x1;
	s2 =	sadd.s32 s19, s18  }
0x9c: {  	s6 =	simm.s32 $0x0;
	s20 =	sshll.u32 s4, $0x1;
	s4 =	sadd.s32 s21, s2  }
0x9d: {  	[timem:s6], [sflag:s22] =	dma.local [hbm:s4], s20  }
0x9e: {  	_ =	swait.ge [sflag:s22], s20  }
0x9f: {  	s3 =	ssub.s32 $0x0, s20;
	[sflag:s22] =	ssyncset.done $0x0  }
0xa0: {  	[sflag:s22] =	ssyncadd.s32 s3;
	_ =	sdelay $0x1  }
0xa1: {  	s23 =	simm.s32 $0x1B8B  }
0xa2: {  	_ =	swait.ge [sflag:s23], $0x1  }
0xa3: {  	[sflag:s23] =	ssyncset.done $0x0  }
0xa4: {  	s25 =	simm.s32 $0x1B8E;
	s24 =	sld [smem:$0x3FFE];
	[sflag:s23] =	ssyncadd.s32 $0xFFFFFFFF  }
0xa5: {  	s26 =	simm.s32 $execute0_lowered;
	[smem:$0x3FD2] =	sst s25  }
0xa6: {  	s4 =	sshll.u32 s26, $0x1;
	_ =	strace $0x80000046;
	[dreg:$0x1] =	wrdreg $0xFFFFFFFF  }
0xa7: {  	s28 =	simm.s32 $_size_execute0_lowered;
	s2 =	sadd.s32 s2, s4;
	[dreg:$0x0] =	wrdreg $0x0  }
0xa8: {  	s4 =	sshll.u32 s28, $0x1;
	[dreg:$0x2] =	wrdreg s2  }
0xa9: {  	[dreg:$0x3] =	wrdreg s4  }
0xaa: {  	[dreg:$0x4] =	wrdreg $0xC0  }
0xab: {  	_ =	task [dreg:s6], $0x5FFFF  }
0xac: {  	[dreg:$0x1] =	wrdreg $0xFFFFFFFF  }
0xad: {  	[dreg:$0x0] =	wrdreg $0x60  }
0xae: {  	[dreg:$0x2] =	wrdreg s24  }
0xaf: {  	[dreg:$0x3] =	wrdreg $0x9  }
0xb0: {  	_ =	task.clear_ibuf [dreg:s6], $0x4FFFF;
	_ =	strace $0x90000046  }
0xb1: {  	s29 =	simm.s32 $0x9;
	_ =	strace $0x80000048  }
0xb2: {  	_ =	swait.ge [sflag:s29], $0x1  }
0xb3: {  	[sflag:s29] =	ssyncadd.s32 $0xFFFFFFFF  }
0xb4: {  	_ =	strace $0x90000048  }
0xb5: {  	_ =	sfence  }
0xb6: {  	s30 =	sld [smem:$0x0];
	_ =	sdelay $0x2  }
0xb7: {  	s31 =	sshll.u32 s1, $0xD;
	s1 =	sshrl.u32 s1, $0x2  }
0xb8: {  	s3 =	sand.u32 $0x4000, s31;
	s1 =	sadd.s32 s1, s30  }
0xb9: {  	s0 =	sor.u32 s3, s0;
	s1 =	sshll.u32 s1, $0x11  }
0xba: {  	s0 =	sor.u32 s1, s0  }
0xbb: {  	s0 =	sadd.s32 $0x8F2B, s0  }
0xbc: {  	[sflag:s0] =	ssyncadd.remote.s32 $0x1  }
0xbd: {  	_ =	sfence.sel $0xFFFF  }
0xbe: {  	[dreg:$0x0] =	wrdreg $0xFFFFFFFF;
	(pc) =	sbr.abs _section_cstart, $3  }
0xbf: {  	[dreg:$0x1] =	wrdreg $0xFFFFFFFF  }
0xc0: {  	_ =	task.clear_ibuf [dreg:s6], $0x2FFFF;
	_ =	strace $0x9FFFFFFF  }
0xc1: {  	(tm) =	ssettm $0x7FFFFFFF  }
tec
execute0_lowered:
.L_overlay_start_1:
0x0: {  	(tag) =	ssettag $0x1  }
0x1: {  	s5 =	rddreg [dreg:$0x0]  }
0x2: {  	s1 =	simm.s32 $0x0;
	s2 =	srdreg.scid;
	s10 =	simm.s32 $0x400  }
0x3: {  	s11 =	simm.s32 $0x11400;
	s12 =	simm.s32 $0x12400;
	s13 =	simm.s32 $0x1  }
0x4: {  	s14 =	simm.s32 $0x10000;
	s15 =	simm.s32 $0x10800;
	s16 =	simm.s32 $0x11000  }
0x5: {  	s17 =	simm.s32 $0x2;
	s18 =	simm.s32 $0x3;
	s19 =	simm.s32 $0x13400  }
0x6: {  	s20 =	simm.s32 $0x14400;
	s21 =	simm.s32 $0x0;
	[smem:$0x7FF] =	sst s1  }
0x7: {  	s3 =	sadd.s32 $0x200, s5;
	s6 =	sand.u32 $0x1, s2;
	s4 =	sadd.s32 $0x400200, s5  }
0x8: {  	s2 =	stileid.u32;
	s5 =	sadd.s32 $0x200200, s5;
	s7 =	ssub.s32 $0x2, s6  }
0x9: {  	s6 =	sshll.u32 s6, $0x17;
	s9 =	sshll.u32 s2, $0x13;
	s8 =	sshrl.u32 s7, $0x1  }
0xa: {  	_ =	strace $0x80000047;
	s6 =	sor.u32 s9, s6;
	s8 =	ssub.s32 s7, s8  }
0xb: {  	v0 =	vimm.s32 $0x0;
	v1 =	vimm.s32 $0x1;
	s9 =	simm.s32 $0x80;
	s7 =	sor.u32 $0x10000, s6;
	s8 =	smax.u32 s8, $0x1  }
.LBB2_1:
0xc: {  	s22 =	simm.s32 $0x0  }
.LBB2_2:
0xd: {  	s24 =	simm.s32 $0x10020  }
0xe: {  	[tilespmem:s24+$0xFFFFFFE0] =	vst v0  }
0xf: {  	[tilespmem:s24+$0x10] =	vst v0  }
0x10: {  	s25 =	simm.s32 $0x0;
	[tilespmem:s24+$0x0] =	vst v0  }
.LBB2_3:
0x11: {  	s25 =	sadd.s32 $0x4, s25  }
0x12: {  	[tilespmem:s24+$0xFFFFFFF0] =	vst v0;
	s24 =	sadd.s32 $0x40, s24;
	s23 =	simm.s32 $0x10820;
	p0 =	slt.u32 s25, $0x7C  }
.Ltmp0:
0x13: {  	[tilespmem:s24+$0xFFFFFFE0] =	vst v0;
	(pc) =	sbr.rel @p0 .LBB2_3-.Ltmp0, $3  }
0x14: {  	_ =	sdelay $0x1  }
0x15: {  	[tilespmem:s24+$0x10] =	vst v0  }
0x16: {  	[tilespmem:s24+$0x0] =	vst v0  }
0x17: {  	[tilespmem:s24+$0xFFFFFFF0] =	vst v0  }
0x18: {  	[tilespmem:s23+$0xFFFFFFE0] =	vst v0  }
0x19: {  	[tilespmem:s23+$0x10] =	vst v0  }
0x1a: {  	s24 =	simm.s32 $0x0;
	[tilespmem:s23+$0x0] =	vst v0  }
.LBB2_5:
0x1b: {  	s24 =	sadd.s32 $0x4, s24  }
0x1c: {  	[tilespmem:s23+$0xFFFFFFF0] =	vst v0;
	s23 =	sadd.s32 $0x40, s23;
	p0 =	slt.u32 s24, $0x7C  }
.Ltmp1:
0x1d: {  	[tilespmem:s23+$0xFFFFFFE0] =	vst v0;
	(pc) =	sbr.rel @p0 .LBB2_5-.Ltmp1, $3  }
0x1e: {  	_ =	sdelay $0x1  }
0x1f: {  	[tilespmem:s23+$0x10] =	vst v0  }
0x20: {  	[tilespmem:s23+$0x0] =	vst v0  }
0x21: {  	[tilespmem:s23+$0xFFFFFFF0] =	vst v0  }
0x22: {  	[tilespmem:$0x11000] =	vst v0  }
0x23: {  	[tilespmem:$0x11010] =	vst v0  }
0x24: {  	[tilespmem:$0x11020] =	vst v0  }
0x25: {  	[tilespmem:$0x11030] =	vst v0  }
0x26: {  	[tilespmem:$0x11040] =	vst v0  }
0x27: {  	[tilespmem:$0x11050] =	vst v0  }
0x28: {  	[tilespmem:$0x11060] =	vst v0  }
0x29: {  	[tilespmem:$0x11070] =	vst v0  }
0x2a: {  	[tilespmem:$0x11080] =	vst v0  }
0x2b: {  	[tilespmem:$0x11090] =	vst v0  }
0x2c: {  	[tilespmem:$0x110A0] =	vst v0  }
0x2d: {  	[tilespmem:$0x110B0] =	vst v0  }
0x2e: {  	[tilespmem:$0x110C0] =	vst v0  }
0x2f: {  	[tilespmem:$0x110D0] =	vst v0  }
0x30: {  	[tilespmem:$0x110E0] =	vst v0  }
0x31: {  	[tilespmem:$0x110F0] =	vst v0  }
0x32: {  	[tilespmem:$0x11100] =	vst v0  }
0x33: {  	[tilespmem:$0x11110] =	vst v0  }
0x34: {  	[tilespmem:$0x11120] =	vst v0  }
0x35: {  	[tilespmem:$0x11130] =	vst v0  }
0x36: {  	[tilespmem:$0x11140] =	vst v0  }
0x37: {  	[tilespmem:$0x11150] =	vst v0  }
0x38: {  	[tilespmem:$0x11160] =	vst v0  }
0x39: {  	[tilespmem:$0x11170] =	vst v0  }
0x3a: {  	[tilespmem:$0x11180] =	vst v0  }
0x3b: {  	[tilespmem:$0x11190] =	vst v0  }
0x3c: {  	[tilespmem:$0x111A0] =	vst v0  }
0x3d: {  	[tilespmem:$0x111B0] =	vst v0  }
0x3e: {  	[tilespmem:$0x111C0] =	vst v0  }
0x3f: {  	[tilespmem:$0x111D0] =	vst v0  }
0x40: {  	[tilespmem:$0x111E0] =	vst v0  }
0x41: {  	[tilespmem:$0x111F0] =	vst v0  }
0x42: {  	[tilespmem:$0x11200] =	vst v0  }
0x43: {  	[tilespmem:$0x11210] =	vst v0  }
0x44: {  	[tilespmem:$0x11220] =	vst v0  }
0x45: {  	[tilespmem:$0x11230] =	vst v0  }
0x46: {  	[tilespmem:$0x11240] =	vst v0  }
0x47: {  	[tilespmem:$0x11250] =	vst v0  }
0x48: {  	[tilespmem:$0x11260] =	vst v0  }
0x49: {  	[tilespmem:$0x11270] =	vst v0  }
0x4a: {  	[tilespmem:$0x11280] =	vst v0  }
0x4b: {  	[tilespmem:$0x11290] =	vst v0  }
0x4c: {  	[tilespmem:$0x112A0] =	vst v0  }
0x4d: {  	[tilespmem:$0x112B0] =	vst v0  }
0x4e: {  	[tilespmem:$0x112C0] =	vst v0  }
0x4f: {  	[tilespmem:$0x112D0] =	vst v0  }
0x50: {  	[tilespmem:$0x112E0] =	vst v0  }
0x51: {  	[tilespmem:$0x112F0] =	vst v0  }
0x52: {  	[tilespmem:$0x11300] =	vst v0  }
0x53: {  	[tilespmem:$0x11310] =	vst v0  }
0x54: {  	[tilespmem:$0x11320] =	vst v0  }
0x55: {  	[tilespmem:$0x11330] =	vst v0  }
0x56: {  	[tilespmem:$0x11340] =	vst v0  }
0x57: {  	[tilespmem:$0x11350] =	vst v0  }
0x58: {  	[tilespmem:$0x11360] =	vst v0  }
0x59: {  	[tilespmem:$0x11370] =	vst v0  }
0x5a: {  	[tilespmem:$0x11380] =	vst v0  }
0x5b: {  	[tilespmem:$0x11390] =	vst v0  }
0x5c: {  	[tilespmem:$0x113A0] =	vst v0  }
0x5d: {  	[tilespmem:$0x113B0] =	vst v0  }
0x5e: {  	s25 =	sshll.u32 s22, $0x7;
	[tilespmem:$0x113C0] =	vst v0  }
0x5f: {  	[tilespmem:$0x113D0] =	vst v0;
	s23 =	sor.u32 s6, s25  }
0x60: {  	[tilespmem:$0x113E0] =	vst v0;
	s24 =	sshrl.u32 s23, $0x3  }
0x61: {  	s28 =	simm.s32 $0x0;
	[tilespmem:$0x113F0] =	vst v0;
	s25 =	sadd.s32 s25, s7;
	s26 =	sadd.s32 s3, s24  }
0x62: {  	[tilespmem:s11], [sflag:$0x1] =	stream.strided.gather [hbm4b:s26+s9], $0x1000, s10, s9, $0x38;
	[tilespmem:$0x15400] =	vst v63  }
.LBB2_7:
0x63: {  	s29 =	sshll.u32 s28, $0x10  }
0x64: {  	s30 =	sor.u32 s29, s23  }
0x65: {  	s30 =	sshrl.u32 s30, $0x3  }
0x66: {  	s30 =	sor.u32 $0x1000, s30  }
0x67: {  	s30 =	sadd.s32 s3, s30  }
0x68: {  	[tilespmem:s12], [sflag:$0x2] =	stream.strided.gather [hbm4b:s30+s9], $0x1000, s10, s9, $0x38;
	[tilespmem:$0x15400] =	vst v63  }
0x69: {  	_ =	swait.ge [sflag:s13], $0x1000  }
0x6a: {  	[sflag:s13] =	ssyncset.done $0x0  }
0x6b: {  	s30 =	simm.s32 $0x11420;
	[sflag:s13] =	ssyncadd.s32 $0xFFFFF000  }
0x6c: {  	v2 =	vld [tilespmem:s30+$0x10];
	_ =	sdelay $0x1  }
0x6d: {  	v3 =	vld [tilespmem:s30+$0xFFFFFFE0]  }
0x6e: {  	v6 =	vld [tilespmem:s30+$0x0];
	_ =	sdelay $0x1  }
0x6f: {  	v8 =	vld [tilespmem:s30+$0xFFFFFFF0];
	v4 =	vshra.s32 v2, $0x1F  }
0x70: {  	v4 =	vor.u32 $0x80000000, v4  }
0x71: {  	v7 =	vshra.s32 v3, $0x1F;
	v5 =	vxor.u32 v2, v4  }
0x72: {  	v2 =	vor.u32 $0x80000000, v7;
	v7 =	vshra.s32 v6, $0x1F;
	v12 =	vand.u32 $0x7FF, v5  }
0x73: {  	v4 =	vxor.u32 v3, v2;
	v2 =	vor.u32 $0x80000000, v7  }
0x74: {  	v9 =	vshrl.u32 v5, $0xB;
	v3 =	vxor.u32 v6, v2;
	v6 =	vshra.s32 v8, $0x1F  }
0x75: {  	v7 =	vshrl.u32 v4, $0xB;
	v9 =	vand.u32 $0x7FF, v9;
	v6 =	vor.u32 $0x80000000, v6  }
0x76: {  	v11 =	vand.u32 $0x7FF, v4;
	v10 =	vand.u32 $0x7FF, v3;
	v6 =	vxor.u32 v8, v6  }
0x77: {  	s31 =	simm.s32 $0x11460;
	s30 =	simm.s32 $0x0;
	v2 =	vand.u32 $0x7FF, v7;
	v7 =	vshrl.u32 v3, $0xB;
	v8 =	vshrl.u32 v6, $0xB;
	[tilespmem:v12+s14+$0x0] =	vst.idx.add.s32.msk $0xffff, v1  }
.LBB2_8:
0x78: {  	v12 =	vld [tilespmem:s31+$0xFFFFFFE0];
	s30 =	sadd.s32 $0x4, s30  }
0x79: {  	v5 =	vshrl.u32 v5, $0x16;
	v13 =	vld [tilespmem:s31+$0x0];
	p0 =	slt.u32 s30, $0xFC  }
0x7a: {  	v14 =	vld [tilespmem:s31+$0x10]  }
0x7b: {  	v15 =	vand.u32 $0x7FF, v6;
	[tilespmem:v10+s14+$0x0] =	vst.idx.add.s32.msk $0xffff, v1  }
0x7c: {  	[tilespmem:v11+s14+$0x0] =	vst.idx.add.s32.msk $0xffff, v1  }
0x7d: {  	v10 =	vshrl.u32 v4, $0x16;
	[tilespmem:v9+s15+$0x0] =	vst.idx.add.s32.msk $0xffff, v1  }
0x7e: {  	v7 =	vand.u32 $0x7FF, v7;
	[tilespmem:v5+s16+$0x0] =	vst.idx.add.s32.msk $0xffff, v1  }
0x7f: {  	v8 =	vand.u32 $0x7FF, v8;
	v9 =	vshrl.u32 v3, $0x16;
	v11 =	vld [tilespmem:s31+$0xFFFFFFF0];
	v4 =	vshra.s32 v14, $0x1F  }
0x80: {  	v3 =	vshra.s32 v12, $0x1F;
	v4 =	vor.u32 $0x80000000, v4;
	[tilespmem:v15+s14+$0x0] =	vst.idx.add.s32.msk $0xffff, v1;
	v15 =	vshrl.u32 v6, $0x16  }
0x81: {  	v3 =	vor.u32 $0x80000000, v3;
	v6 =	vshra.s32 v13, $0x1F;
	v5 =	vxor.u32 v14, v4;
	[tilespmem:v2+s15+$0x0] =	vst.idx.add.s32.msk $0xffff, v1  }
0x82: {  	v4 =	vxor.u32 v12, v3;
	v2 =	vor.u32 $0x80000000, v6;
	v12 =	vand.u32 $0x7FF, v5;
	[tilespmem:v10+s16+$0x0] =	vst.idx.add.s32.msk $0xffff, v1  }
.Ltmp2:
0x83: {  	v6 =	vshrl.u32 v4, $0xB;
	v3 =	vxor.u32 v13, v2;
	v13 =	vshrl.u32 v5, $0xB;
	[tilespmem:v7+s15+$0x0] =	vst.idx.add.s32.msk $0xffff, v1;
	(pc) =	sbr.rel @p0 .LBB2_8-.Ltmp2, $4  }
0x84: {  	v2 =	vand.u32 $0x7FF, v6;
	v7 =	vshrl.u32 v3, $0xB;
	v6 =	vshra.s32 v11, $0x1F;
	[tilespmem:v9+s16+$0x0] =	vst.idx.add.s32.msk $0xffff, v1  }
0x85: {  	v10 =	vand.u32 $0x7FF, v3;
	v9 =	vand.u32 $0x7FF, v13;
	v6 =	vor.u32 $0x80000000, v6;
	[tilespmem:v8+s15+$0x0] =	vst.idx.add.s32.msk $0xffff, v1  }
0x86: {  	v6 =	vxor.u32 v11, v6;
	[tilespmem:v15+s16+$0x0] =	vst.idx.add.s32.msk $0xffff, v1  }
0x87: {  	s31 =	sadd.s32 $0x40, s31;
	v11 =	vand.u32 $0x7FF, v4;
	v8 =	vshrl.u32 v6, $0xB;
	[tilespmem:v12+s14+$0x0] =	vst.idx.add.s32.msk $0xffff, v1  }
0x88: {  	_ =	sdelay $0x2  }
0x89: {  	v5 =	vshrl.u32 v5, $0x16  }
0x8a: {  	v12 =	vand.u32 $0x7FF, v6;
	[tilespmem:v10+s14+$0x0] =	vst.idx.add.s32.msk $0xffff, v1  }
0x8b: {  	[tilespmem:v11+s14+$0x0] =	vst.idx.add.s32.msk $0xffff, v1;
	v4 =	vshrl.u32 v4, $0x16  }
0x8c: {  	[tilespmem:v9+s15+$0x0] =	vst.idx.add.s32.msk $0xffff, v1;
	v7 =	vand.u32 $0x7FF, v7  }
0x8d: {  	v3 =	vshrl.u32 v3, $0x16;
	[tilespmem:v2+s15+$0x0] =	vst.idx.add.s32.msk $0xffff, v1  }
0x8e: {  	[tilespmem:v5+s16+$0x0] =	vst.idx.add.s32.msk $0xffff, v1;
	v5 =	vand.u32 $0x7FF, v8  }
0x8f: {  	v6 =	vshrl.u32 v6, $0x16;
	[tilespmem:v12+s14+$0x0] =	vst.idx.add.s32.msk $0xffff, v1  }
0x90: {  	[tilespmem:v4+s16+$0x0] =	vst.idx.add.s32.msk $0xffff, v1  }
0x91: {  	p0 =	seq.s32 s28, $0x7;
	[tilespmem:v7+s15+$0x0] =	vst.idx.add.s32.msk $0xffff, v1  }
0x92: {  	s29 =	sadd.s32 @!p0 s29, s25;
	[tilespmem:v3+s16+$0x0] =	vst.idx.add.s32.msk $0xffff, v1  }
0x93: {  	s30 =	simm.s32 @!p0 $0x80;
	s29 =	sshrl.u32 @!p0 s29, $0x3;
	[tilespmem:v5+s15+$0x0] =	vst.idx.add.s32.msk $0xffff, v1  }
0x94: {  	s31 =	simm.s32 @!p0 $0x400;
	s0 =	simm.s32 @!p0 $0x11400;
	s29 =	sadd.s32 @!p0 s3, s29;
	[tilespmem:v6+s16+$0x0] =	vst.idx.add.s32.msk $0xffff, v1  }
0x95: {  	[tilespmem:s0], [sflag:$0x1] =	stream.strided.gather @!p0 [hbm4b:s29+s30], $0x1000, s31, s30, $0x38;
	[tilespmem:$0x15400] =	vst v63  }
0x96: {  	_ =	swait.ge [sflag:s17], $0x1000  }
0x97: {  	[sflag:s17] =	ssyncset.done $0x0  }
0x98: {  	s31 =	simm.s32 $0x12420;
	[sflag:s17] =	ssyncadd.s32 $0xFFFFF000  }
0x99: {  	v2 =	vld [tilespmem:s31+$0x10];
	_ =	sdelay $0x1  }
0x9a: {  	v3 =	vld [tilespmem:s31+$0xFFFFFFE0]  }
0x9b: {  	v6 =	vld [tilespmem:s31+$0x0];
	_ =	sdelay $0x1  }
0x9c: {  	v8 =	vld [tilespmem:s31+$0xFFFFFFF0];
	v4 =	vshra.s32 v2, $0x1F  }
0x9d: {  	v4 =	vor.u32 $0x80000000, v4  }
0x9e: {  	v7 =	vshra.s32 v3, $0x1F;
	v5 =	vxor.u32 v2, v4  }
0x9f: {  	v2 =	vor.u32 $0x80000000, v7;
	v7 =	vshra.s32 v6, $0x1F;
	v63 =	vand.u32 $0x7FF, v5  }
0xa0: {  	v4 =	vxor.u32 v3, v2;
	v2 =	vor.u32 $0x80000000, v7  }
0xa1: {  	v9 =	vshrl.u32 v5, $0xB;
	v3 =	vxor.u32 v6, v2;
	v6 =	vshra.s32 v8, $0x1F  }
0xa2: {  	v7 =	vshrl.u32 v4, $0xB;
	v9 =	vand.u32 $0x7FF, v9;
	v6 =	vor.u32 $0x80000000, v6  }
0xa3: {  	v11 =	vand.u32 $0x7FF, v4;
	v10 =	vand.u32 $0x7FF, v3;
	v6 =	vxor.u32 v8, v6  }
0xa4: {  	s29 =	simm.s32 $0x0;
	s30 =	simm.s32 $0x12460;
	v2 =	vand.u32 $0x7FF, v7;
	v7 =	vshrl.u32 v3, $0xB;
	v8 =	vshrl.u32 v6, $0xB;
	[tilespmem:v63+s14+$0x0] =	vst.idx.add.s32.msk $0xffff, v1  }
.LBB2_10:
0xa5: {  	v12 =	vld [tilespmem:s30+$0xFFFFFFE0];
	s29 =	sadd.s32 $0x4, s29  }
0xa6: {  	v5 =	vshrl.u32 v5, $0x16;
	v13 =	vld [tilespmem:s30+$0x0];
	p0 =	slt.u32 s29, $0xFC  }
0xa7: {  	v14 =	vld [tilespmem:s30+$0x10]  }
0xa8: {  	v15 =	vand.u32 $0x7FF, v6;
	[tilespmem:v10+s14+$0x0] =	vst.idx.add.s32.msk $0xffff, v1  }
0xa9: {  	[tilespmem:v11+s14+$0x0] =	vst.idx.add.s32.msk $0xffff, v1  }
0xaa: {  	v10 =	vshrl.u32 v4, $0x16;
	[tilespmem:v9+s15+$0x0] =	vst.idx.add.s32.msk $0xffff, v1  }
0xab: {  	v7 =	vand.u32 $0x7FF, v7;
	[tilespmem:v5+s16+$0x0] =	vst.idx.add.s32.msk $0xffff, v1  }
0xac: {  	v8 =	vand.u32 $0x7FF, v8;
	v9 =	vshrl.u32 v3, $0x16;
	v11 =	vld [tilespmem:s30+$0xFFFFFFF0];
	v4 =	vshra.s32 v14, $0x1F  }
0xad: {  	v3 =	vshra.s32 v12, $0x1F;
	v4 =	vor.u32 $0x80000000, v4;
	[tilespmem:v15+s14+$0x0] =	vst.idx.add.s32.msk $0xffff, v1;
	v15 =	vshrl.u32 v6, $0x16  }
0xae: {  	v3 =	vor.u32 $0x80000000, v3;
	v6 =	vshra.s32 v13, $0x1F;
	v5 =	vxor.u32 v14, v4;
	[tilespmem:v2+s15+$0x0] =	vst.idx.add.s32.msk $0xffff, v1  }
0xaf: {  	v4 =	vxor.u32 v12, v3;
	v2 =	vor.u32 $0x80000000, v6;
	v12 =	vand.u32 $0x7FF, v5;
	[tilespmem:v10+s16+$0x0] =	vst.idx.add.s32.msk $0xffff, v1  }
.Ltmp3:
0xb0: {  	v6 =	vshrl.u32 v4, $0xB;
	v3 =	vxor.u32 v13, v2;
	v13 =	vshrl.u32 v5, $0xB;
	[tilespmem:v7+s15+$0x0] =	vst.idx.add.s32.msk $0xffff, v1;
	(pc) =	sbr.rel @p0 .LBB2_10-.Ltmp3, $4  }
0xb1: {  	v2 =	vand.u32 $0x7FF, v6;
	v7 =	vshrl.u32 v3, $0xB;
	v6 =	vshra.s32 v11, $0x1F;
	[tilespmem:v9+s16+$0x0] =	vst.idx.add.s32.msk $0xffff, v1  }
0xb2: {  	v10 =	vand.u32 $0x7FF, v3;
	v9 =	vand.u32 $0x7FF, v13;
	v6 =	vor.u32 $0x80000000, v6;
	[tilespmem:v8+s15+$0x0] =	vst.idx.add.s32.msk $0xffff, v1  }
0xb3: {  	v6 =	vxor.u32 v11, v6;
	[tilespmem:v15+s16+$0x0] =	vst.idx.add.s32.msk $0xffff, v1  }
0xb4: {  	s30 =	sadd.s32 $0x40, s30;
	v11 =	vand.u32 $0x7FF, v4;
	v8 =	vshrl.u32 v6, $0xB;
	[tilespmem:v12+s14+$0x0] =	vst.idx.add.s32.msk $0xffff, v1  }
0xb5: {  	_ =	sdelay $0x2  }
0xb6: {  	v5 =	vshrl.u32 v5, $0x16  }
0xb7: {  	v12 =	vand.u32 $0x7FF, v6;
	[tilespmem:v10+s14+$0x0] =	vst.idx.add.s32.msk $0xffff, v1  }
0xb8: {  	[tilespmem:v11+s14+$0x0] =	vst.idx.add.s32.msk $0xffff, v1;
	v4 =	vshrl.u32 v4, $0x16  }
0xb9: {  	[tilespmem:v9+s15+$0x0] =	vst.idx.add.s32.msk $0xffff, v1;
	v7 =	vand.u32 $0x7FF, v7  }
0xba: {  	v3 =	vshrl.u32 v3, $0x16;
	[tilespmem:v2+s15+$0x0] =	vst.idx.add.s32.msk $0xffff, v1  }
0xbb: {  	v62 =	vand.u32 $0x7FF, v8;
	s28 =	sadd.s32 $0x1, s28;
	[tilespmem:v5+s16+$0x0] =	vst.idx.add.s32.msk $0xffff, v1  }
0xbc: {  	v63 =	vshrl.u32 v6, $0x16;
	p0 =	sne.s32 s28, $0x8;
	[tilespmem:v12+s14+$0x0] =	vst.idx.add.s32.msk $0xffff, v1  }
.Ltmp4:
0xbd: {  	[tilespmem:v4+s16+$0x0] =	vst.idx.add.s32.msk $0xffff, v1;
	(pc) =	sbr.rel @p0 .LBB2_7-.Ltmp4, $4  }
0xbe: {  	[tilespmem:v7+s15+$0x0] =	vst.idx.add.s32.msk $0xffff, v1  }
0xbf: {  	[tilespmem:v3+s16+$0x0] =	vst.idx.add.s32.msk $0xffff, v1  }
0xc0: {  	[tilespmem:v62+s15+$0x0] =	vst.idx.add.s32.msk $0xffff, v1  }
0xc1: {  	s29 =	simm.s32 $0x0;
	[tilespmem:v63+s16+$0x0] =	vst.idx.add.s32.msk $0xffff, v1  }
0xc2: {  	s0 =	sshra.s32 s29, $0x2  }
0xc3: {  	v2 =	vld [tilespmem:s0+$0x10000];
	_ =	sdelay $0x4  }
0xc4: {  	(xrf0) =	vadd.scan.msk.s32 $0xffff, v2;
	_ =	sdelay $0x5  }
0xc5: {  	v3, _, _ =	vpop (xrf0)  }
0xc6: {  	(v2sf) =	vpush v3, $0xF  }
0xc7: {  	v2 =	vsub.s32 s29, v2  }
0xc8: {  	s30 =	sadd.s32 $0x40, s29;
	v2 =	vadd.s32 v3, v2  }
0xc9: {  	s28 =	sshra.s32 s30, $0x2;
	s31 =	sadd.s32 $0x40, s30;
	s30 =	simm.s32 $0x0;
	[tilespmem:s0+$0x10000] =	vst v2  }
.LBB2_13:
0xca: {  	p0 =	sne.s32 s31, $0x1FC0;
	v2 =	vld [tilespmem:s28+$0x10000];
	_ =	sdelay $0x4  }
0xcb: {  	(xrf0) =	vadd.scan.msk.s32 $0xffff, v2;
	_ =	sdelay $0x5  }
.Ltmp5:
0xcc: {  	v3, _, _ =	vpop (xrf0);
	s0 =	spop (v2sf);
	(pc) =	sbr.rel @p0 .LBB2_13-.Ltmp5, $4  }
0xcd: {  	(v2sf) =	vpush v3, $0xF;
	s30 =	sadd.s32 s30, s0  }
0xce: {  	v2 =	vsub.s32 s30, v2  }
0xcf: {  	v2 =	vadd.s32 v3, v2  }
0xd0: {  	[tilespmem:s28+$0x10000] =	vst v2;
	s28 =	sshra.s32 s31, $0x2;
	s31 =	sadd.s32 $0x40, s31  }
0xd1: {  	_ = 	snop  }
0xd2: {  	v2 =	vld [tilespmem:s28+$0x10000];
	_ =	sdelay $0x4  }
0xd3: {  	(xrf0) =	vadd.scan.msk.s32 $0xffff, v2;
	_ =	sdelay $0x4  }
0xd4: {  	s0 =	spop (v2sf)  }
0xd5: {  	v3, _, _ =	vpop (xrf0);
	s0 =	sadd.s32 s30, s0  }
0xd6: {  	(v2sf) =	vpush v3, $0xF;
	v2 =	vsub.s32 s0, v2  }
0xd7: {  	v2 =	vadd.s32 v3, v2  }
0xd8: {  	s31 =	simm.s32 $0x0;
	[tilespmem:s28+$0x10000] =	vst v2  }
0xd9: {  	v2 =	vld [tilespmem:s31+$0x10800];
	_ =	sdelay $0x4  }
0xda: {  	(xrf0) =	vadd.scan.msk.s32 $0xffff, v2;
	_ =	sdelay $0x5  }
0xdb: {  	v3, _, _ =	vpop (xrf0)  }
0xdc: {  	s28 =	spop (v2sf);
	(v2sf) =	vpush v3, $0xF  }
0xdd: {  	v2 =	vsub.s32 s29, v2  }
0xde: {  	v2 =	vadd.s32 v3, v2  }
0xdf: {  	s30 =	simm.s32 $0x80;
	s28 =	simm.s32 $0x10;
	[tilespmem:s31+$0x10800] =	vst v2  }
.LBB2_15:
0xe0: {  	p0 =	sne.s32 s30, $0x1FC0;
	v2 =	vld [tilespmem:s28+$0x10800];
	_ =	sdelay $0x4  }
0xe1: {  	(xrf0) =	vadd.scan.msk.s32 $0xffff, v2;
	_ =	sdelay $0x5  }
.Ltmp6:
0xe2: {  	v3, _, _ =	vpop (xrf0);
	s0 =	spop (v2sf);
	(pc) =	sbr.rel @p0 .LBB2_15-.Ltmp6, $4  }
0xe3: {  	(v2sf) =	vpush v3, $0xF;
	s29 =	sadd.s32 s29, s0  }
0xe4: {  	v2 =	vsub.s32 s29, v2  }
0xe5: {  	v2 =	vadd.s32 v3, v2  }
0xe6: {  	[tilespmem:s28+$0x10800] =	vst v2;
	s28 =	sshra.s32 s30, $0x2;
	s30 =	sadd.s32 $0x40, s30  }
0xe7: {  	_ = 	snop  }
0xe8: {  	v2 =	vld [tilespmem:s28+$0x10800];
	_ =	sdelay $0x4  }
0xe9: {  	(xrf0) =	vadd.scan.msk.s32 $0xffff, v2;
	_ =	sdelay $0x4  }
0xea: {  	s0 =	spop (v2sf)  }
0xeb: {  	v3, _, _ =	vpop (xrf0);
	s0 =	sadd.s32 s29, s0  }
0xec: {  	(v2sf) =	vpush v3, $0xF;
	v2 =	vsub.s32 s0, v2  }
0xed: {  	v2 =	vadd.s32 v3, v2  }
0xee: {  	s31 =	simm.s32 $0x0;
	[tilespmem:s28+$0x10800] =	vst v2  }
0xef: {  	v2 =	vld [tilespmem:s31+$0x11000];
	_ =	sdelay $0x4  }
0xf0: {  	(xrf0) =	vadd.scan.msk.s32 $0xffff, v2;
	_ =	sdelay $0x5  }
0xf1: {  	v3, _, _ =	vpop (xrf0)  }
0xf2: {  	s28 =	simm.s32 $0x0;
	s29 =	spop (v2sf);
	(v2sf) =	vpush v3, $0xF  }
0xf3: {  	v2 =	vsub.s32 s28, v2  }
0xf4: {  	v2 =	vadd.s32 v3, v2  }
0xf5: {  	s30 =	simm.s32 $0x80;
	s29 =	simm.s32 $0x10;
	[tilespmem:s31+$0x11000] =	vst v2  }
.LBB2_17:
0xf6: {  	p0 =	sne.s32 s30, $0xFC0;
	v2 =	vld [tilespmem:s29+$0x11000];
	_ =	sdelay $0x4  }
0xf7: {  	(xrf0) =	vadd.scan.msk.s32 $0xffff, v2;
	_ =	sdelay $0x5  }
.Ltmp7:
0xf8: {  	v3, _, _ =	vpop (xrf0);
	s0 =	spop (v2sf);
	(pc) =	sbr.rel @p0 .LBB2_17-.Ltmp7, $4  }
0xf9: {  	(v2sf) =	vpush v3, $0xF;
	s28 =	sadd.s32 s28, s0  }
0xfa: {  	v2 =	vsub.s32 s28, v2  }
0xfb: {  	v2 =	vadd.s32 v3, v2  }
0xfc: {  	[tilespmem:s29+$0x11000] =	vst v2;
	s29 =	sshra.s32 s30, $0x2;
	s30 =	sadd.s32 $0x40, s30  }
0xfd: {  	v2 =	vld [tilespmem:s29+$0x11000];
	_ =	sdelay $0x4  }
0xfe: {  	(xrf0) =	vadd.scan.msk.s32 $0xffff, v2;
	_ =	sdelay $0x5  }
0xff: {  	v3, _, _ =	vpop (xrf0)  }
0x100: {  	(v2sf) =	vpush v3, $0xF;
	_ =	sdelay $0x8  }
0x101: {  	s0 =	spop (v2sf)  }
0x102: {  	s0 =	sadd.s32 s28, s0  }
0x103: {  	v2 =	vsub.s32 s0, v2  }
0x104: {  	v2 =	vadd.s32 v3, v2  }
0x105: {  	[tilespmem:s29+$0x11000] =	vst v2  }
0x106: {  	[tilespmem:s11], [sflag:$0x1] =	stream.strided.gather [hbm4b:s26+s9], $0x1000, s10, s9, $0x38;
	[tilespmem:$0x15400] =	vst v63  }
0x107: {  	s26 =	simm.s32 $0x0;
	s31 =	spop (v2sf)  }
.LBB2_19:
0x108: {  	s28 =	sshll.u32 s26, $0x10  }
0x109: {  	s0 =	sor.u32 s28, s23  }
0x10a: {  	s0 =	sshrl.u32 s0, $0x3  }
0x10b: {  	s0 =	sor.u32 $0x1000, s0  }
0x10c: {  	s0 =	sadd.s32 s3, s0  }
0x10d: {  	[tilespmem:s12], [sflag:$0x2] =	stream.strided.gather [hbm4b:s0+s9], $0x1000, s10, s9, $0x38;
	[tilespmem:$0x15400] =	vst v63  }
0x10e: {  	_ =	swait.ge [sflag:s13], $0x1000  }
0x10f: {  	[sflag:s13] =	ssyncset.done $0x0  }
0x110: {  	s29 =	simm.s32 $0xFFFFFFF8;
	s30 =	simm.s32 $0x11440;
	[sflag:s13] =	ssyncadd.s32 $0xFFFFF000  }
.LBB2_20:
0x111: {  	v2 =	vld [tilespmem:s30+$0xFFFFFFC0];
	_ =	sdelay $0x4  }
0x112: {  	v3 =	vshra.s32 v2, $0x1F  }
0x113: {  	v3 =	vor.u32 $0x80000000, v3  }
0x114: {  	v2 =	vxor.u32 v2, v3  }
0x115: {  	v3 =	vand.u32 $0x7FF, v2  }
0x116: {  	(xrf1) =	vunique.msk.u32 $0xffff, v3;
	_ =	sdelay $0x9  }
0x117: {  	v4 =	vld.idx.msk [tilespmem:v3+s14+$0x0], $0xffff;
	_ =	sdelay $0x3  }
0x118: {  	_, v5, vm0 =	vpop (xrf1)  }
0x119: {  	v4 =	vadd.s32 v5, v4  }
0x11a: {  	v4 =	vadd.s32 $0xFFFFFFFF, v4;
	_ =	sdelay $0x4  }
0x11b: {  	[tilespmem:v4+s1+$0x0] =	vst.idx.msk $0xffff, v2  }
0x11c: {  	[tilespmem:v3+s14+$0x0] =	vst.idx.add.s32.msk vm0, v5  }
0x11d: {  	v2 =	vld [tilespmem:s30+$0xFFFFFFD0];
	_ =	sdelay $0x4  }
0x11e: {  	v3 =	vshra.s32 v2, $0x1F  }
0x11f: {  	v3 =	vor.u32 $0x80000000, v3  }
0x120: {  	v2 =	vxor.u32 v2, v3  }
0x121: {  	v3 =	vand.u32 $0x7FF, v2  }
0x122: {  	(xrf1) =	vunique.msk.u32 $0xffff, v3;
	_ =	sdelay $0x9  }
0x123: {  	v4 =	vld.idx.msk [tilespmem:v3+s14+$0x0], $0xffff;
	_ =	sdelay $0x3  }
0x124: {  	_, v5, vm0 =	vpop (xrf1)  }
0x125: {  	v4 =	vadd.s32 v5, v4  }
0x126: {  	v4 =	vadd.s32 $0xFFFFFFFF, v4;
	_ =	sdelay $0x4  }
0x127: {  	[tilespmem:v4+s1+$0x0] =	vst.idx.msk $0xffff, v2  }
0x128: {  	[tilespmem:v3+s14+$0x0] =	vst.idx.add.s32.msk vm0, v5  }
0x129: {  	v2 =	vld [tilespmem:s30+$0xFFFFFFE0];
	_ =	sdelay $0x4  }
0x12a: {  	v3 =	vshra.s32 v2, $0x1F  }
0x12b: {  	v3 =	vor.u32 $0x80000000, v3  }
0x12c: {  	v2 =	vxor.u32 v2, v3  }
0x12d: {  	v3 =	vand.u32 $0x7FF, v2  }
0x12e: {  	(xrf1) =	vunique.msk.u32 $0xffff, v3;
	_ =	sdelay $0x9  }
0x12f: {  	v4 =	vld.idx.msk [tilespmem:v3+s14+$0x0], $0xffff;
	_ =	sdelay $0x3  }
0x130: {  	_, v5, vm0 =	vpop (xrf1)  }
0x131: {  	v4 =	vadd.s32 v5, v4  }
0x132: {  	v4 =	vadd.s32 $0xFFFFFFFF, v4;
	_ =	sdelay $0x4  }
0x133: {  	[tilespmem:v4+s1+$0x0] =	vst.idx.msk $0xffff, v2  }
0x134: {  	[tilespmem:v3+s14+$0x0] =	vst.idx.add.s32.msk vm0, v5  }
0x135: {  	v2 =	vld [tilespmem:s30+$0xFFFFFFF0];
	_ =	sdelay $0x4  }
0x136: {  	v3 =	vshra.s32 v2, $0x1F  }
0x137: {  	v3 =	vor.u32 $0x80000000, v3  }
0x138: {  	v2 =	vxor.u32 v2, v3  }
0x139: {  	v3 =	vand.u32 $0x7FF, v2  }
0x13a: {  	(xrf1) =	vunique.msk.u32 $0xffff, v3;
	_ =	sdelay $0x9  }
0x13b: {  	v4 =	vld.idx.msk [tilespmem:v3+s14+$0x0], $0xffff;
	_ =	sdelay $0x3  }
0x13c: {  	_, v5, vm0 =	vpop (xrf1)  }
0x13d: {  	v4 =	vadd.s32 v5, v4  }
0x13e: {  	v4 =	vadd.s32 $0xFFFFFFFF, v4;
	_ =	sdelay $0x4  }
0x13f: {  	[tilespmem:v4+s1+$0x0] =	vst.idx.msk $0xffff, v2  }
0x140: {  	[tilespmem:v3+s14+$0x0] =	vst.idx.add.s32.msk vm0, v5  }
0x141: {  	v2 =	vld [tilespmem:s30+$0x0];
	_ =	sdelay $0x4  }
0x142: {  	v3 =	vshra.s32 v2, $0x1F  }
0x143: {  	v3 =	vor.u32 $0x80000000, v3  }
0x144: {  	v2 =	vxor.u32 v2, v3  }
0x145: {  	v3 =	vand.u32 $0x7FF, v2  }
0x146: {  	(xrf1) =	vunique.msk.u32 $0xffff, v3;
	_ =	sdelay $0x9  }
0x147: {  	v4 =	vld.idx.msk [tilespmem:v3+s14+$0x0], $0xffff;
	_ =	sdelay $0x3  }
0x148: {  	_, v5, vm0 =	vpop (xrf1)  }
0x149: {  	v4 =	vadd.s32 v5, v4  }
0x14a: {  	v4 =	vadd.s32 $0xFFFFFFFF, v4;
	_ =	sdelay $0x4  }
0x14b: {  	[tilespmem:v4+s1+$0x0] =	vst.idx.msk $0xffff, v2  }
0x14c: {  	[tilespmem:v3+s14+$0x0] =	vst.idx.add.s32.msk vm0, v5  }
0x14d: {  	v2 =	vld [tilespmem:s30+$0x10];
	_ =	sdelay $0x4  }
0x14e: {  	v3 =	vshra.s32 v2, $0x1F  }
0x14f: {  	v3 =	vor.u32 $0x80000000, v3  }
0x150: {  	v2 =	vxor.u32 v2, v3  }
0x151: {  	v3 =	vand.u32 $0x7FF, v2  }
0x152: {  	(xrf1) =	vunique.msk.u32 $0xffff, v3;
	_ =	sdelay $0x9  }
0x153: {  	v4 =	vld.idx.msk [tilespmem:v3+s14+$0x0], $0xffff;
	_ =	sdelay $0x3  }
0x154: {  	_, v5, vm0 =	vpop (xrf1)  }
0x155: {  	v4 =	vadd.s32 v5, v4  }
0x156: {  	v4 =	vadd.s32 $0xFFFFFFFF, v4;
	_ =	sdelay $0x4  }
0x157: {  	[tilespmem:v4+s1+$0x0] =	vst.idx.msk $0xffff, v2  }
0x158: {  	[tilespmem:v3+s14+$0x0] =	vst.idx.add.s32.msk vm0, v5  }
0x159: {  	v2 =	vld [tilespmem:s30+$0x20];
	_ =	sdelay $0x4  }
0x15a: {  	v3 =	vshra.s32 v2, $0x1F  }
0x15b: {  	v3 =	vor.u32 $0x80000000, v3  }
0x15c: {  	v2 =	vxor.u32 v2, v3  }
0x15d: {  	v3 =	vand.u32 $0x7FF, v2  }
0x15e: {  	(xrf1) =	vunique.msk.u32 $0xffff, v3;
	_ =	sdelay $0x9  }
0x15f: {  	v4 =	vld.idx.msk [tilespmem:v3+s14+$0x0], $0xffff;
	_ =	sdelay $0x3  }
0x160: {  	_, v5, vm0 =	vpop (xrf1)  }
0x161: {  	v4 =	vadd.s32 v5, v4  }
0x162: {  	v4 =	vadd.s32 $0xFFFFFFFF, v4;
	_ =	sdelay $0x4  }
0x163: {  	[tilespmem:v4+s1+$0x0] =	vst.idx.msk $0xffff, v2  }
0x164: {  	[tilespmem:v3+s14+$0x0] =	vst.idx.add.s32.msk vm0, v5  }
0x165: {  	v2 =	vld [tilespmem:s30+$0x30];
	_ =	sdelay $0x4  }
0x166: {  	v3 =	vshra.s32 v2, $0x1F  }
0x167: {  	v3 =	vor.u32 $0x80000000, v3  }
0x168: {  	v2 =	vxor.u32 v2, v3  }
0x169: {  	v3 =	vand.u32 $0x7FF, v2  }
0x16a: {  	(xrf1) =	vunique.msk.u32 $0xffff, v3;
	_ =	sdelay $0x9  }
0x16b: {  	v4 =	vld.idx.msk [tilespmem:v3+s14+$0x0], $0xffff;
	_ =	sdelay $0x3  }
0x16c: {  	_, v5, vm0 =	vpop (xrf1)  }
0x16d: {  	v4 =	vadd.s32 v5, v4  }
0x16e: {  	s29 =	sadd.s32 $0x8, s29;
	v4 =	vadd.s32 $0xFFFFFFFF, v4  }
0x16f: {  	p0 =	slt.u32 s29, $0xF8  }
.Ltmp8:
0x170: {  	_ = 	snop;
	(pc) =	sbr.rel @p0 .LBB2_20-.Ltmp8, $3  }
0x171: {  	_ =	sdelay $0x1  }
0x172: {  	[tilespmem:v4+s1+$0x0] =	vst.idx.msk $0xffff, v2  }
0x173: {  	s30 =	sadd.s32 $0x80, s30;
	[tilespmem:v3+s14+$0x0] =	vst.idx.add.s32.msk vm0, v5  }
0x174: {  	p0 =	seq.s32 s26, $0x7  }
0x175: {  	s0 =	sadd.s32 @!p0 s28, s25  }
0x176: {  	s28 =	simm.s32 @!p0 $0x80;
	s0 =	sshrl.u32 @!p0 s0, $0x3  }
0x177: {  	s29 =	simm.s32 @!p0 $0x400;
	s30 =	simm.s32 @!p0 $0x11400;
	s0 =	sadd.s32 @!p0 s3, s0  }
0x178: {  	[tilespmem:s30], [sflag:$0x1] =	stream.strided.gather @!p0 [hbm4b:s0+s28], $0x1000, s29, s28, $0x38;
	[tilespmem:$0x15400] =	vst v63  }
0x179: {  	_ =	swait.ge [sflag:s17], $0x1000  }
0x17a: {  	[sflag:s17] =	ssyncset.done $0x0  }
0x17b: {  	s28 =	simm.s32 $0xFFFFFFF8;
	s29 =	simm.s32 $0x12440;
	[sflag:s17] =	ssyncadd.s32 $0xFFFFF000  }
.LBB2_22:
0x17c: {  	v2 =	vld [tilespmem:s29+$0xFFFFFFC0];
	_ =	sdelay $0x4  }
0x17d: {  	v3 =	vshra.s32 v2, $0x1F  }
0x17e: {  	v3 =	vor.u32 $0x80000000, v3  }
0x17f: {  	v2 =	vxor.u32 v2, v3  }
0x180: {  	v3 =	vand.u32 $0x7FF, v2  }
0x181: {  	(xrf1) =	vunique.msk.u32 $0xffff, v3;
	_ =	sdelay $0x9  }
0x182: {  	v4 =	vld.idx.msk [tilespmem:v3+s14+$0x0], $0xffff;
	_ =	sdelay $0x3  }
0x183: {  	_, v5, vm0 =	vpop (xrf1)  }
0x184: {  	v4 =	vadd.s32 v5, v4  }
0x185: {  	v4 =	vadd.s32 $0xFFFFFFFF, v4;
	_ =	sdelay $0x4  }
0x186: {  	[tilespmem:v4+s1+$0x0] =	vst.idx.msk $0xffff, v2  }
0x187: {  	[tilespmem:v3+s14+$0x0] =	vst.idx.add.s32.msk vm0, v5  }
0x188: {  	v2 =	vld [tilespmem:s29+$0xFFFFFFD0];
	_ =	sdelay $0x4  }
0x189: {  	v3 =	vshra.s32 v2, $0x1F  }
0x18a: {  	v3 =	vor.u32 $0x80000000, v3  }
0x18b: {  	v2 =	vxor.u32 v2, v3  }
0x18c: {  	v3 =	vand.u32 $0x7FF, v2  }
0x18d: {  	(xrf1) =	vunique.msk.u32 $0xffff, v3;
	_ =	sdelay $0x9  }
0x18e: {  	v4 =	vld.idx.msk [tilespmem:v3+s14+$0x0], $0xffff;
	_ =	sdelay $0x3  }
0x18f: {  	_, v5, vm0 =	vpop (xrf1)  }
0x190: {  	v4 =	vadd.s32 v5, v4  }
0x191: {  	v4 =	vadd.s32 $0xFFFFFFFF, v4;
	_ =	sdelay $0x4  }
0x192: {  	[tilespmem:v4+s1+$0x0] =	vst.idx.msk $0xffff, v2  }
0x193: {  	[tilespmem:v3+s14+$0x0] =	vst.idx.add.s32.msk vm0, v5  }
0x194: {  	v2 =	vld [tilespmem:s29+$0xFFFFFFE0];
	_ =	sdelay $0x4  }
0x195: {  	v3 =	vshra.s32 v2, $0x1F  }
0x196: {  	v3 =	vor.u32 $0x80000000, v3  }
0x197: {  	v2 =	vxor.u32 v2, v3  }
0x198: {  	v3 =	vand.u32 $0x7FF, v2  }
0x199: {  	(xrf1) =	vunique.msk.u32 $0xffff, v3;
	_ =	sdelay $0x9  }
0x19a: {  	v4 =	vld.idx.msk [tilespmem:v3+s14+$0x0], $0xffff;
	_ =	sdelay $0x3  }
0x19b: {  	_, v5, vm0 =	vpop (xrf1)  }
0x19c: {  	v4 =	vadd.s32 v5, v4  }
0x19d: {  	v4 =	vadd.s32 $0xFFFFFFFF, v4;
	_ =	sdelay $0x4  }
0x19e: {  	[tilespmem:v4+s1+$0x0] =	vst.idx.msk $0xffff, v2  }
0x19f: {  	[tilespmem:v3+s14+$0x0] =	vst.idx.add.s32.msk vm0, v5  }
0x1a0: {  	v2 =	vld [tilespmem:s29+$0xFFFFFFF0];
	_ =	sdelay $0x4  }
0x1a1: {  	v3 =	vshra.s32 v2, $0x1F  }
0x1a2: {  	v3 =	vor.u32 $0x80000000, v3  }
0x1a3: {  	v2 =	vxor.u32 v2, v3  }
0x1a4: {  	v3 =	vand.u32 $0x7FF, v2  }
0x1a5: {  	(xrf1) =	vunique.msk.u32 $0xffff, v3;
	_ =	sdelay $0x9  }
0x1a6: {  	v4 =	vld.idx.msk [tilespmem:v3+s14+$0x0], $0xffff;
	_ =	sdelay $0x3  }
0x1a7: {  	_, v5, vm0 =	vpop (xrf1)  }
0x1a8: {  	v4 =	vadd.s32 v5, v4  }
0x1a9: {  	v4 =	vadd.s32 $0xFFFFFFFF, v4;
	_ =	sdelay $0x4  }
0x1aa: {  	[tilespmem:v4+s1+$0x0] =	vst.idx.msk $0xffff, v2  }
0x1ab: {  	[tilespmem:v3+s14+$0x0] =	vst.idx.add.s32.msk vm0, v5  }
0x1ac: {  	v2 =	vld [tilespmem:s29+$0x0];
	_ =	sdelay $0x4  }
0x1ad: {  	v3 =	vshra.s32 v2, $0x1F  }
0x1ae: {  	v3 =	vor.u32 $0x80000000, v3  }
0x1af: {  	v2 =	vxor.u32 v2, v3  }
0x1b0: {  	v3 =	vand.u32 $0x7FF, v2  }
0x1b1: {  	(xrf1) =	vunique.msk.u32 $0xffff, v3;
	_ =	sdelay $0x9  }
0x1b2: {  	v4 =	vld.idx.msk [tilespmem:v3+s14+$0x0], $0xffff;
	_ =	sdelay $0x3  }
0x1b3: {  	_, v5, vm0 =	vpop (xrf1)  }
0x1b4: {  	v4 =	vadd.s32 v5, v4  }
0x1b5: {  	v4 =	vadd.s32 $0xFFFFFFFF, v4;
	_ =	sdelay $0x4  }
0x1b6: {  	[tilespmem:v4+s1+$0x0] =	vst.idx.msk $0xffff, v2  }
0x1b7: {  	[tilespmem:v3+s14+$0x0] =	vst.idx.add.s32.msk vm0, v5  }
0x1b8: {  	v2 =	vld [tilespmem:s29+$0x10];
	_ =	sdelay $0x4  }
0x1b9: {  	v3 =	vshra.s32 v2, $0x1F  }
0x1ba: {  	v3 =	vor.u32 $0x80000000, v3  }
0x1bb: {  	v2 =	vxor.u32 v2, v3  }
0x1bc: {  	v3 =	vand.u32 $0x7FF, v2  }
0x1bd: {  	(xrf1) =	vunique.msk.u32 $0xffff, v3;
	_ =	sdelay $0x9  }
0x1be: {  	v4 =	vld.idx.msk [tilespmem:v3+s14+$0x0], $0xffff;
	_ =	sdelay $0x3  }
0x1bf: {  	_, v5, vm0 =	vpop (xrf1)  }
0x1c0: {  	v4 =	vadd.s32 v5, v4  }
0x1c1: {  	v4 =	vadd.s32 $0xFFFFFFFF, v4;
	_ =	sdelay $0x4  }
0x1c2: {  	[tilespmem:v4+s1+$0x0] =	vst.idx.msk $0xffff, v2  }
0x1c3: {  	[tilespmem:v3+s14+$0x0] =	vst.idx.add.s32.msk vm0, v5  }
0x1c4: {  	v2 =	vld [tilespmem:s29+$0x20];
	_ =	sdelay $0x4  }
0x1c5: {  	v3 =	vshra.s32 v2, $0x1F  }
0x1c6: {  	v3 =	vor.u32 $0x80000000, v3  }
0x1c7: {  	v2 =	vxor.u32 v2, v3  }
0x1c8: {  	v3 =	vand.u32 $0x7FF, v2  }
0x1c9: {  	(xrf1) =	vunique.msk.u32 $0xffff, v3;
	_ =	sdelay $0x9  }
0x1ca: {  	v4 =	vld.idx.msk [tilespmem:v3+s14+$0x0], $0xffff;
	_ =	sdelay $0x3  }
0x1cb: {  	_, v5, vm0 =	vpop (xrf1)  }
0x1cc: {  	v4 =	vadd.s32 v5, v4  }
0x1cd: {  	v4 =	vadd.s32 $0xFFFFFFFF, v4;
	_ =	sdelay $0x4  }
0x1ce: {  	[tilespmem:v4+s1+$0x0] =	vst.idx.msk $0xffff, v2  }
0x1cf: {  	[tilespmem:v3+s14+$0x0] =	vst.idx.add.s32.msk vm0, v5  }
0x1d0: {  	v2 =	vld [tilespmem:s29+$0x30];
	_ =	sdelay $0x4  }
0x1d1: {  	v3 =	vshra.s32 v2, $0x1F  }
0x1d2: {  	v3 =	vor.u32 $0x80000000, v3  }
0x1d3: {  	v2 =	vxor.u32 v2, v3  }
0x1d4: {  	v3 =	vand.u32 $0x7FF, v2  }
0x1d5: {  	(xrf1) =	vunique.msk.u32 $0xffff, v3;
	_ =	sdelay $0x9  }
0x1d6: {  	v4 =	vld.idx.msk [tilespmem:v3+s14+$0x0], $0xffff;
	_ =	sdelay $0x3  }
0x1d7: {  	_, v5, vm0 =	vpop (xrf1)  }
0x1d8: {  	v4 =	vadd.s32 v5, v4  }
0x1d9: {  	s28 =	sadd.s32 $0x8, s28;
	v4 =	vadd.s32 $0xFFFFFFFF, v4  }
0x1da: {  	p0 =	slt.u32 s28, $0xF8  }
.Ltmp9:
0x1db: {  	_ = 	snop;
	(pc) =	sbr.rel @p0 .LBB2_22-.Ltmp9, $3  }
0x1dc: {  	_ =	sdelay $0x1  }
0x1dd: {  	[tilespmem:v4+s1+$0x0] =	vst.idx.msk $0xffff, v2  }
0x1de: {  	s29 =	sadd.s32 $0x80, s29;
	[tilespmem:v3+s14+$0x0] =	vst.idx.add.s32.msk vm0, v5  }
0x1df: {  	s26 =	sadd.s32 $0x1, s26  }
0x1e0: {  	p0 =	sne.s32 s26, $0x8  }
.Ltmp10:
0x1e1: {  	_ = 	snop;
	(pc) =	sbr.rel @p0 .LBB2_19-.Ltmp10, $1  }
0x1e2: {  	_ =	sdelay $0x3  }
0x1e3: {  	s26 =	sadd.s32 s5, s24;
	s28 =	simm.s32 $0x0  }
0x1e4: {  	[hbm4b:s26+s9] =	stream.strided.scatter [tilespmem:s28], [sflag:$0x3], $0x10000, s10, s9, $0x38;
	[tilespmem:$0x15400] =	vst v63  }
0x1e5: {  	_ =	swait.ge [sflag:s18], $0x10000  }
0x1e6: {  	[sflag:s18] =	ssyncset.done $0x0  }
0x1e7: {  	[sflag:s18] =	ssyncadd.s32 $0xFFFF0000  }
0x1e8: {  	[tilespmem:s19], [sflag:$0x1] =	stream.strided.gather [hbm4b:s26+s9], $0x1000, s10, s9, $0x38;
	[tilespmem:$0x15400] =	vst v63  }
.LBB2_25:
0x1e9: {  	s29 =	sshll.u32 s28, $0x10  }
0x1ea: {  	s0 =	sor.u32 s29, s23  }
0x1eb: {  	s0 =	sshrl.u32 s0, $0x3  }
0x1ec: {  	s0 =	sor.u32 $0x1000, s0  }
0x1ed: {  	s0 =	sadd.s32 s5, s0  }
0x1ee: {  	[tilespmem:s20], [sflag:$0x2] =	stream.strided.gather [hbm4b:s0+s9], $0x1000, s10, s9, $0x38;
	[tilespmem:$0x15400] =	vst v63  }
0x1ef: {  	_ =	swait.ge [sflag:s13], $0x1000  }
0x1f0: {  	[sflag:s13] =	ssyncset.done $0x0  }
0x1f1: {  	s30 =	simm.s32 $0xFFFFFFF8;
	s31 =	simm.s32 $0x13440;
	[sflag:s13] =	ssyncadd.s32 $0xFFFFF000  }
.LBB2_26:
0x1f2: {  	v2 =	vld [tilespmem:s31+$0xFFFFFFC0];
	_ =	sdelay $0x4  }
0x1f3: {  	v3 =	vshrl.u32 v2, $0xB  }
0x1f4: {  	v3 =	vand.u32 $0x7FF, v3  }
0x1f5: {  	(xrf1) =	vunique.msk.u32 $0xffff, v3;
	_ =	sdelay $0x9  }
0x1f6: {  	v4 =	vld.idx.msk [tilespmem:v3+s15+$0x0], $0xffff;
	_ =	sdelay $0x3  }
0x1f7: {  	_, v5, vm0 =	vpop (xrf1)  }
0x1f8: {  	v4 =	vadd.s32 v5, v4  }
0x1f9: {  	v4 =	vadd.s32 $0xFFFFFFFF, v4;
	_ =	sdelay $0x4  }
0x1fa: {  	[tilespmem:v4+s1+$0x0] =	vst.idx.msk $0xffff, v2  }
0x1fb: {  	[tilespmem:v3+s15+$0x0] =	vst.idx.add.s32.msk vm0, v5  }
0x1fc: {  	v2 =	vld [tilespmem:s31+$0xFFFFFFD0];
	_ =	sdelay $0x4  }
0x1fd: {  	v3 =	vshrl.u32 v2, $0xB  }
0x1fe: {  	v3 =	vand.u32 $0x7FF, v3  }
0x1ff: {  	(xrf1) =	vunique.msk.u32 $0xffff, v3;
	_ =	sdelay $0x9  }
0x200: {  	v4 =	vld.idx.msk [tilespmem:v3+s15+$0x0], $0xffff;
	_ =	sdelay $0x3  }
0x201: {  	_, v5, vm0 =	vpop (xrf1)  }
0x202: {  	v4 =	vadd.s32 v5, v4  }
0x203: {  	v4 =	vadd.s32 $0xFFFFFFFF, v4;
	_ =	sdelay $0x4  }
0x204: {  	[tilespmem:v4+s1+$0x0] =	vst.idx.msk $0xffff, v2  }
0x205: {  	[tilespmem:v3+s15+$0x0] =	vst.idx.add.s32.msk vm0, v5  }
0x206: {  	v2 =	vld [tilespmem:s31+$0xFFFFFFE0];
	_ =	sdelay $0x4  }
0x207: {  	v3 =	vshrl.u32 v2, $0xB  }
0x208: {  	v3 =	vand.u32 $0x7FF, v3  }
0x209: {  	(xrf1) =	vunique.msk.u32 $0xffff, v3;
	_ =	sdelay $0x9  }
0x20a: {  	v4 =	vld.idx.msk [tilespmem:v3+s15+$0x0], $0xffff;
	_ =	sdelay $0x3  }
0x20b: {  	_, v5, vm0 =	vpop (xrf1)  }
0x20c: {  	v4 =	vadd.s32 v5, v4  }
0x20d: {  	v4 =	vadd.s32 $0xFFFFFFFF, v4;
	_ =	sdelay $0x4  }
0x20e: {  	[tilespmem:v4+s1+$0x0] =	vst.idx.msk $0xffff, v2  }
0x20f: {  	[tilespmem:v3+s15+$0x0] =	vst.idx.add.s32.msk vm0, v5  }
0x210: {  	v2 =	vld [tilespmem:s31+$0xFFFFFFF0];
	_ =	sdelay $0x4  }
0x211: {  	v3 =	vshrl.u32 v2, $0xB  }
0x212: {  	v3 =	vand.u32 $0x7FF, v3  }
0x213: {  	(xrf1) =	vunique.msk.u32 $0xffff, v3;
	_ =	sdelay $0x9  }
0x214: {  	v4 =	vld.idx.msk [tilespmem:v3+s15+$0x0], $0xffff;
	_ =	sdelay $0x3  }
0x215: {  	_, v5, vm0 =	vpop (xrf1)  }
0x216: {  	v4 =	vadd.s32 v5, v4  }
0x217: {  	v4 =	vadd.s32 $0xFFFFFFFF, v4;
	_ =	sdelay $0x4  }
0x218: {  	[tilespmem:v4+s1+$0x0] =	vst.idx.msk $0xffff, v2  }
0x219: {  	[tilespmem:v3+s15+$0x0] =	vst.idx.add.s32.msk vm0, v5  }
0x21a: {  	v2 =	vld [tilespmem:s31+$0x0];
	_ =	sdelay $0x4  }
0x21b: {  	v3 =	vshrl.u32 v2, $0xB  }
0x21c: {  	v3 =	vand.u32 $0x7FF, v3  }
0x21d: {  	(xrf1) =	vunique.msk.u32 $0xffff, v3;
	_ =	sdelay $0x9  }
0x21e: {  	v4 =	vld.idx.msk [tilespmem:v3+s15+$0x0], $0xffff;
	_ =	sdelay $0x3  }
0x21f: {  	_, v5, vm0 =	vpop (xrf1)  }
0x220: {  	v4 =	vadd.s32 v5, v4  }
0x221: {  	v4 =	vadd.s32 $0xFFFFFFFF, v4;
	_ =	sdelay $0x4  }
0x222: {  	[tilespmem:v4+s1+$0x0] =	vst.idx.msk $0xffff, v2  }
0x223: {  	[tilespmem:v3+s15+$0x0] =	vst.idx.add.s32.msk vm0, v5  }
0x224: {  	v2 =	vld [tilespmem:s31+$0x10];
	_ =	sdelay $0x4  }
0x225: {  	v3 =	vshrl.u32 v2, $0xB  }
0x226: {  	v3 =	vand.u32 $0x7FF, v3  }
0x227: {  	(xrf1) =	vunique.msk.u32 $0xffff, v3;
	_ =	sdelay $0x9  }
0x228: {  	v4 =	vld.idx.msk [tilespmem:v3+s15+$0x0], $0xffff;
	_ =	sdelay $0x3  }
0x229: {  	_, v5, vm0 =	vpop (xrf1)  }
0x22a: {  	v4 =	vadd.s32 v5, v4  }
0x22b: {  	v4 =	vadd.s32 $0xFFFFFFFF, v4;
	_ =	sdelay $0x4  }
0x22c: {  	[tilespmem:v4+s1+$0x0] =	vst.idx.msk $0xffff, v2  }
0x22d: {  	[tilespmem:v3+s15+$0x0] =	vst.idx.add.s32.msk vm0, v5  }
0x22e: {  	v2 =	vld [tilespmem:s31+$0x20];
	_ =	sdelay $0x4  }
0x22f: {  	v3 =	vshrl.u32 v2, $0xB  }
0x230: {  	v3 =	vand.u32 $0x7FF, v3  }
0x231: {  	(xrf1) =	vunique.msk.u32 $0xffff, v3;
	_ =	sdelay $0x9  }
0x232: {  	v4 =	vld.idx.msk [tilespmem:v3+s15+$0x0], $0xffff;
	_ =	sdelay $0x3  }
0x233: {  	_, v5, vm0 =	vpop (xrf1)  }
0x234: {  	v4 =	vadd.s32 v5, v4  }
0x235: {  	v4 =	vadd.s32 $0xFFFFFFFF, v4;
	_ =	sdelay $0x4  }
0x236: {  	[tilespmem:v4+s1+$0x0] =	vst.idx.msk $0xffff, v2  }
0x237: {  	[tilespmem:v3+s15+$0x0] =	vst.idx.add.s32.msk vm0, v5  }
0x238: {  	v2 =	vld [tilespmem:s31+$0x30];
	_ =	sdelay $0x4  }
0x239: {  	v3 =	vshrl.u32 v2, $0xB  }
0x23a: {  	v3 =	vand.u32 $0x7FF, v3  }
0x23b: {  	(xrf1) =	vunique.msk.u32 $0xffff, v3;
	_ =	sdelay $0x9  }
0x23c: {  	v4 =	vld.idx.msk [tilespmem:v3+s15+$0x0], $0xffff;
	_ =	sdelay $0x3  }
0x23d: {  	_, v5, vm0 =	vpop (xrf1)  }
0x23e: {  	v4 =	vadd.s32 v5, v4  }
0x23f: {  	s30 =	sadd.s32 $0x8, s30;
	v4 =	vadd.s32 $0xFFFFFFFF, v4  }
0x240: {  	p0 =	slt.u32 s30, $0xF8  }
.Ltmp11:
0x241: {  	_ = 	snop;
	(pc) =	sbr.rel @p0 .LBB2_26-.Ltmp11, $3  }
0x242: {  	_ =	sdelay $0x1  }
0x243: {  	[tilespmem:v4+s1+$0x0] =	vst.idx.msk $0xffff, v2  }
0x244: {  	s31 =	sadd.s32 $0x80, s31;
	[tilespmem:v3+s15+$0x0] =	vst.idx.add.s32.msk vm0, v5  }
0x245: {  	p0 =	seq.s32 s28, $0x7  }
0x246: {  	s0 =	sadd.s32 @!p0 s29, s25  }
0x247: {  	s29 =	simm.s32 @!p0 $0x80;
	s0 =	sshrl.u32 @!p0 s0, $0x3  }
0x248: {  	s30 =	simm.s32 @!p0 $0x400;
	s31 =	simm.s32 @!p0 $0x13400;
	s0 =	sadd.s32 @!p0 s5, s0  }
0x249: {  	[tilespmem:s31], [sflag:$0x1] =	stream.strided.gather @!p0 [hbm4b:s0+s29], $0x1000, s30, s29, $0x38;
	[tilespmem:$0x15400] =	vst v63  }
0x24a: {  	_ =	swait.ge [sflag:s17], $0x1000  }
0x24b: {  	[sflag:s17] =	ssyncset.done $0x0  }
0x24c: {  	s29 =	simm.s32 $0xFFFFFFF8;
	s30 =	simm.s32 $0x14440;
	[sflag:s17] =	ssyncadd.s32 $0xFFFFF000  }
.LBB2_28:
0x24d: {  	v2 =	vld [tilespmem:s30+$0xFFFFFFC0];
	_ =	sdelay $0x4  }
0x24e: {  	v3 =	vshrl.u32 v2, $0xB  }
0x24f: {  	v3 =	vand.u32 $0x7FF, v3  }
0x250: {  	(xrf1) =	vunique.msk.u32 $0xffff, v3;
	_ =	sdelay $0x9  }
0x251: {  	v4 =	vld.idx.msk [tilespmem:v3+s15+$0x0], $0xffff;
	_ =	sdelay $0x3  }
0x252: {  	_, v5, vm0 =	vpop (xrf1)  }
0x253: {  	v4 =	vadd.s32 v5, v4  }
0x254: {  	v4 =	vadd.s32 $0xFFFFFFFF, v4;
	_ =	sdelay $0x4  }
0x255: {  	[tilespmem:v4+s1+$0x0] =	vst.idx.msk $0xffff, v2  }
0x256: {  	[tilespmem:v3+s15+$0x0] =	vst.idx.add.s32.msk vm0, v5  }
0x257: {  	v2 =	vld [tilespmem:s30+$0xFFFFFFD0];
	_ =	sdelay $0x4  }
0x258: {  	v3 =	vshrl.u32 v2, $0xB  }
0x259: {  	v3 =	vand.u32 $0x7FF, v3  }
0x25a: {  	(xrf1) =	vunique.msk.u32 $0xffff, v3;
	_ =	sdelay $0x9  }
0x25b: {  	v4 =	vld.idx.msk [tilespmem:v3+s15+$0x0], $0xffff;
	_ =	sdelay $0x3  }
0x25c: {  	_, v5, vm0 =	vpop (xrf1)  }
0x25d: {  	v4 =	vadd.s32 v5, v4  }
0x25e: {  	v4 =	vadd.s32 $0xFFFFFFFF, v4;
	_ =	sdelay $0x4  }
0x25f: {  	[tilespmem:v4+s1+$0x0] =	vst.idx.msk $0xffff, v2  }
0x260: {  	[tilespmem:v3+s15+$0x0] =	vst.idx.add.s32.msk vm0, v5  }
0x261: {  	v2 =	vld [tilespmem:s30+$0xFFFFFFE0];
	_ =	sdelay $0x4  }
0x262: {  	v3 =	vshrl.u32 v2, $0xB  }
0x263: {  	v3 =	vand.u32 $0x7FF, v3  }
0x264: {  	(xrf1) =	vunique.msk.u32 $0xffff, v3;
	_ =	sdelay $0x9  }
0x265: {  	v4 =	vld.idx.msk [tilespmem:v3+s15+$0x0], $0xffff;
	_ =	sdelay $0x3  }
0x266: {  	_, v5, vm0 =	vpop (xrf1)  }
0x267: {  	v4 =	vadd.s32 v5, v4  }
0x268: {  	v4 =	vadd.s32 $0xFFFFFFFF, v4;
	_ =	sdelay $0x4  }
0x269: {  	[tilespmem:v4+s1+$0x0] =	vst.idx.msk $0xffff, v2  }
0x26a: {  	[tilespmem:v3+s15+$0x0] =	vst.idx.add.s32.msk vm0, v5  }
0x26b: {  	v2 =	vld [tilespmem:s30+$0xFFFFFFF0];
	_ =	sdelay $0x4  }
0x26c: {  	v3 =	vshrl.u32 v2, $0xB  }
0x26d: {  	v3 =	vand.u32 $0x7FF, v3  }
0x26e: {  	(xrf1) =	vunique.msk.u32 $0xffff, v3;
	_ =	sdelay $0x9  }
0x26f: {  	v4 =	vld.idx.msk [tilespmem:v3+s15+$0x0], $0xffff;
	_ =	sdelay $0x3  }
0x270: {  	_, v5, vm0 =	vpop (xrf1)  }
0x271: {  	v4 =	vadd.s32 v5, v4  }
0x272: {  	v4 =	vadd.s32 $0xFFFFFFFF, v4;
	_ =	sdelay $0x4  }
0x273: {  	[tilespmem:v4+s1+$0x0] =	vst.idx.msk $0xffff, v2  }
0x274: {  	[tilespmem:v3+s15+$0x0] =	vst.idx.add.s32.msk vm0, v5  }
0x275: {  	v2 =	vld [tilespmem:s30+$0x0];
	_ =	sdelay $0x4  }
0x276: {  	v3 =	vshrl.u32 v2, $0xB  }
0x277: {  	v3 =	vand.u32 $0x7FF, v3  }
0x278: {  	(xrf1) =	vunique.msk.u32 $0xffff, v3;
	_ =	sdelay $0x9  }
0x279: {  	v4 =	vld.idx.msk [tilespmem:v3+s15+$0x0], $0xffff;
	_ =	sdelay $0x3  }
0x27a: {  	_, v5, vm0 =	vpop (xrf1)  }
0x27b: {  	v4 =	vadd.s32 v5, v4  }
0x27c: {  	v4 =	vadd.s32 $0xFFFFFFFF, v4;
	_ =	sdelay $0x4  }
0x27d: {  	[tilespmem:v4+s1+$0x0] =	vst.idx.msk $0xffff, v2  }
0x27e: {  	[tilespmem:v3+s15+$0x0] =	vst.idx.add.s32.msk vm0, v5  }
0x27f: {  	v2 =	vld [tilespmem:s30+$0x10];
	_ =	sdelay $0x4  }
0x280: {  	v3 =	vshrl.u32 v2, $0xB  }
0x281: {  	v3 =	vand.u32 $0x7FF, v3  }
0x282: {  	(xrf1) =	vunique.msk.u32 $0xffff, v3;
	_ =	sdelay $0x9  }
0x283: {  	v4 =	vld.idx.msk [tilespmem:v3+s15+$0x0], $0xffff;
	_ =	sdelay $0x3  }
0x284: {  	_, v5, vm0 =	vpop (xrf1)  }
0x285: {  	v4 =	vadd.s32 v5, v4  }
0x286: {  	v4 =	vadd.s32 $0xFFFFFFFF, v4;
	_ =	sdelay $0x4  }
0x287: {  	[tilespmem:v4+s1+$0x0] =	vst.idx.msk $0xffff, v2  }
0x288: {  	[tilespmem:v3+s15+$0x0] =	vst.idx.add.s32.msk vm0, v5  }
0x289: {  	v2 =	vld [tilespmem:s30+$0x20];
	_ =	sdelay $0x4  }
0x28a: {  	v3 =	vshrl.u32 v2, $0xB  }
0x28b: {  	v3 =	vand.u32 $0x7FF, v3  }
0x28c: {  	(xrf1) =	vunique.msk.u32 $0xffff, v3;
	_ =	sdelay $0x9  }
0x28d: {  	v4 =	vld.idx.msk [tilespmem:v3+s15+$0x0], $0xffff;
	_ =	sdelay $0x3  }
0x28e: {  	_, v5, vm0 =	vpop (xrf1)  }
0x28f: {  	v4 =	vadd.s32 v5, v4  }
0x290: {  	v4 =	vadd.s32 $0xFFFFFFFF, v4;
	_ =	sdelay $0x4  }
0x291: {  	[tilespmem:v4+s1+$0x0] =	vst.idx.msk $0xffff, v2  }
0x292: {  	[tilespmem:v3+s15+$0x0] =	vst.idx.add.s32.msk vm0, v5  }
0x293: {  	v2 =	vld [tilespmem:s30+$0x30];
	_ =	sdelay $0x4  }
0x294: {  	v3 =	vshrl.u32 v2, $0xB  }
0x295: {  	v3 =	vand.u32 $0x7FF, v3  }
0x296: {  	(xrf1) =	vunique.msk.u32 $0xffff, v3;
	_ =	sdelay $0x9  }
0x297: {  	v4 =	vld.idx.msk [tilespmem:v3+s15+$0x0], $0xffff;
	_ =	sdelay $0x3  }
0x298: {  	_, v5, vm0 =	vpop (xrf1)  }
0x299: {  	v4 =	vadd.s32 v5, v4  }
0x29a: {  	s29 =	sadd.s32 $0x8, s29;
	v4 =	vadd.s32 $0xFFFFFFFF, v4  }
0x29b: {  	p0 =	slt.u32 s29, $0xF8  }
.Ltmp12:
0x29c: {  	_ = 	snop;
	(pc) =	sbr.rel @p0 .LBB2_28-.Ltmp12, $3  }
0x29d: {  	_ =	sdelay $0x1  }
0x29e: {  	[tilespmem:v4+s1+$0x0] =	vst.idx.msk $0xffff, v2  }
0x29f: {  	s30 =	sadd.s32 $0x80, s30;
	[tilespmem:v3+s15+$0x0] =	vst.idx.add.s32.msk vm0, v5  }
0x2a0: {  	s28 =	sadd.s32 $0x1, s28  }
0x2a1: {  	p0 =	sne.s32 s28, $0x8  }
.Ltmp13:
0x2a2: {  	_ = 	snop;
	(pc) =	sbr.rel @p0 .LBB2_25-.Ltmp13, $1  }
0x2a3: {  	_ =	sdelay $0x3  }
0x2a4: {  	s28 =	simm.s32 $0x0  }
0x2a5: {  	[hbm4b:s26+s9] =	stream.strided.scatter [tilespmem:s28], [sflag:$0x3], $0x10000, s10, s9, $0x38;
	[tilespmem:$0x15400] =	vst v63  }
0x2a6: {  	_ =	swait.ge [sflag:s18], $0x10000  }
0x2a7: {  	[sflag:s18] =	ssyncset.done $0x0  }
0x2a8: {  	[sflag:s18] =	ssyncadd.s32 $0xFFFF0000  }
0x2a9: {  	[tilespmem:s19], [sflag:$0x1] =	stream.strided.gather [hbm4b:s26+s9], $0x1000, s10, s9, $0x38;
	[tilespmem:$0x15400] =	vst v63  }
.LBB2_31:
0x2aa: {  	s26 =	sshll.u32 s28, $0x10  }
0x2ab: {  	s0 =	sor.u32 s26, s23  }
0x2ac: {  	s0 =	sshrl.u32 s0, $0x3  }
0x2ad: {  	s0 =	sor.u32 $0x1000, s0  }
0x2ae: {  	s0 =	sadd.s32 s5, s0  }
0x2af: {  	[tilespmem:s20], [sflag:$0x2] =	stream.strided.gather [hbm4b:s0+s9], $0x1000, s10, s9, $0x38;
	[tilespmem:$0x15400] =	vst v63  }
0x2b0: {  	_ =	swait.ge [sflag:s13], $0x1000  }
0x2b1: {  	[sflag:s13] =	ssyncset.done $0x0  }
0x2b2: {  	s29 =	simm.s32 $0xFFFFFFF8;
	s30 =	simm.s32 $0x13440;
	[sflag:s13] =	ssyncadd.s32 $0xFFFFF000  }
.LBB2_32:
0x2b3: {  	v2 =	vld [tilespmem:s30+$0xFFFFFFC0];
	_ =	sdelay $0x4  }
0x2b4: {  	v3 =	vshrl.u32 v2, $0x16  }
0x2b5: {  	(xrf1) =	vunique.msk.u32 $0xffff, v3;
	_ =	sdelay $0x9  }
0x2b6: {  	v4 =	vld.idx.msk [tilespmem:v3+s16+$0x0], $0xffff;
	_ =	sdelay $0x3  }
0x2b7: {  	_, v5, vm0 =	vpop (xrf1)  }
0x2b8: {  	v4 =	vadd.s32 v5, v4  }
0x2b9: {  	v4 =	vadd.s32 $0xFFFFFFFF, v4;
	_ =	sdelay $0x4  }
0x2ba: {  	[tilespmem:v4+s1+$0x0] =	vst.idx.msk $0xffff, v2  }
0x2bb: {  	[tilespmem:v3+s16+$0x0] =	vst.idx.add.s32.msk vm0, v5  }
0x2bc: {  	v2 =	vld [tilespmem:s30+$0xFFFFFFD0];
	_ =	sdelay $0x4  }
0x2bd: {  	v3 =	vshrl.u32 v2, $0x16  }
0x2be: {  	(xrf1) =	vunique.msk.u32 $0xffff, v3;
	_ =	sdelay $0x9  }
0x2bf: {  	v4 =	vld.idx.msk [tilespmem:v3+s16+$0x0], $0xffff;
	_ =	sdelay $0x3  }
0x2c0: {  	_, v5, vm0 =	vpop (xrf1)  }
0x2c1: {  	v4 =	vadd.s32 v5, v4  }
0x2c2: {  	v4 =	vadd.s32 $0xFFFFFFFF, v4;
	_ =	sdelay $0x4  }
0x2c3: {  	[tilespmem:v4+s1+$0x0] =	vst.idx.msk $0xffff, v2  }
0x2c4: {  	[tilespmem:v3+s16+$0x0] =	vst.idx.add.s32.msk vm0, v5  }
0x2c5: {  	v2 =	vld [tilespmem:s30+$0xFFFFFFE0];
	_ =	sdelay $0x4  }
0x2c6: {  	v3 =	vshrl.u32 v2, $0x16  }
0x2c7: {  	(xrf1) =	vunique.msk.u32 $0xffff, v3;
	_ =	sdelay $0x9  }
0x2c8: {  	v4 =	vld.idx.msk [tilespmem:v3+s16+$0x0], $0xffff;
	_ =	sdelay $0x3  }
0x2c9: {  	_, v5, vm0 =	vpop (xrf1)  }
0x2ca: {  	v4 =	vadd.s32 v5, v4  }
0x2cb: {  	v4 =	vadd.s32 $0xFFFFFFFF, v4;
	_ =	sdelay $0x4  }
0x2cc: {  	[tilespmem:v4+s1+$0x0] =	vst.idx.msk $0xffff, v2  }
0x2cd: {  	[tilespmem:v3+s16+$0x0] =	vst.idx.add.s32.msk vm0, v5  }
0x2ce: {  	v2 =	vld [tilespmem:s30+$0xFFFFFFF0];
	_ =	sdelay $0x4  }
0x2cf: {  	v3 =	vshrl.u32 v2, $0x16  }
0x2d0: {  	(xrf1) =	vunique.msk.u32 $0xffff, v3;
	_ =	sdelay $0x9  }
0x2d1: {  	v4 =	vld.idx.msk [tilespmem:v3+s16+$0x0], $0xffff;
	_ =	sdelay $0x3  }
0x2d2: {  	_, v5, vm0 =	vpop (xrf1)  }
0x2d3: {  	v4 =	vadd.s32 v5, v4  }
0x2d4: {  	v4 =	vadd.s32 $0xFFFFFFFF, v4;
	_ =	sdelay $0x4  }
0x2d5: {  	[tilespmem:v4+s1+$0x0] =	vst.idx.msk $0xffff, v2  }
0x2d6: {  	[tilespmem:v3+s16+$0x0] =	vst.idx.add.s32.msk vm0, v5  }
0x2d7: {  	v2 =	vld [tilespmem:s30+$0x0];
	_ =	sdelay $0x4  }
0x2d8: {  	v3 =	vshrl.u32 v2, $0x16  }
0x2d9: {  	(xrf1) =	vunique.msk.u32 $0xffff, v3;
	_ =	sdelay $0x9  }
0x2da: {  	v4 =	vld.idx.msk [tilespmem:v3+s16+$0x0], $0xffff;
	_ =	sdelay $0x3  }
0x2db: {  	_, v5, vm0 =	vpop (xrf1)  }
0x2dc: {  	v4 =	vadd.s32 v5, v4  }
0x2dd: {  	v4 =	vadd.s32 $0xFFFFFFFF, v4;
	_ =	sdelay $0x4  }
0x2de: {  	[tilespmem:v4+s1+$0x0] =	vst.idx.msk $0xffff, v2  }
0x2df: {  	[tilespmem:v3+s16+$0x0] =	vst.idx.add.s32.msk vm0, v5  }
0x2e0: {  	v2 =	vld [tilespmem:s30+$0x10];
	_ =	sdelay $0x4  }
0x2e1: {  	v3 =	vshrl.u32 v2, $0x16  }
0x2e2: {  	(xrf1) =	vunique.msk.u32 $0xffff, v3;
	_ =	sdelay $0x9  }
0x2e3: {  	v4 =	vld.idx.msk [tilespmem:v3+s16+$0x0], $0xffff;
	_ =	sdelay $0x3  }
0x2e4: {  	_, v5, vm0 =	vpop (xrf1)  }
0x2e5: {  	v4 =	vadd.s32 v5, v4  }
0x2e6: {  	v4 =	vadd.s32 $0xFFFFFFFF, v4;
	_ =	sdelay $0x4  }
0x2e7: {  	[tilespmem:v4+s1+$0x0] =	vst.idx.msk $0xffff, v2  }
0x2e8: {  	[tilespmem:v3+s16+$0x0] =	vst.idx.add.s32.msk vm0, v5  }
0x2e9: {  	v2 =	vld [tilespmem:s30+$0x20];
	_ =	sdelay $0x4  }
0x2ea: {  	v3 =	vshrl.u32 v2, $0x16  }
0x2eb: {  	(xrf1) =	vunique.msk.u32 $0xffff, v3;
	_ =	sdelay $0x9  }
0x2ec: {  	v4 =	vld.idx.msk [tilespmem:v3+s16+$0x0], $0xffff;
	_ =	sdelay $0x3  }
0x2ed: {  	_, v5, vm0 =	vpop (xrf1)  }
0x2ee: {  	v4 =	vadd.s32 v5, v4  }
0x2ef: {  	v4 =	vadd.s32 $0xFFFFFFFF, v4;
	_ =	sdelay $0x4  }
0x2f0: {  	[tilespmem:v4+s1+$0x0] =	vst.idx.msk $0xffff, v2  }
0x2f1: {  	[tilespmem:v3+s16+$0x0] =	vst.idx.add.s32.msk vm0, v5  }
0x2f2: {  	v2 =	vld [tilespmem:s30+$0x30];
	_ =	sdelay $0x4  }
0x2f3: {  	v3 =	vshrl.u32 v2, $0x16  }
0x2f4: {  	(xrf1) =	vunique.msk.u32 $0xffff, v3;
	_ =	sdelay $0x9  }
0x2f5: {  	v4 =	vld.idx.msk [tilespmem:v3+s16+$0x0], $0xffff;
	_ =	sdelay $0x3  }
0x2f6: {  	_, v5, vm0 =	vpop (xrf1)  }
0x2f7: {  	v4 =	vadd.s32 v5, v4  }
0x2f8: {  	s29 =	sadd.s32 $0x8, s29;
	v4 =	vadd.s32 $0xFFFFFFFF, v4  }
0x2f9: {  	p0 =	slt.u32 s29, $0xF8  }
.Ltmp14:
0x2fa: {  	_ = 	snop;
	(pc) =	sbr.rel @p0 .LBB2_32-.Ltmp14, $3  }
0x2fb: {  	_ =	sdelay $0x1  }
0x2fc: {  	[tilespmem:v4+s1+$0x0] =	vst.idx.msk $0xffff, v2  }
0x2fd: {  	s30 =	sadd.s32 $0x80, s30;
	[tilespmem:v3+s16+$0x0] =	vst.idx.add.s32.msk vm0, v5  }
0x2fe: {  	p0 =	seq.s32 s28, $0x7  }
0x2ff: {  	s0 =	sadd.s32 @!p0 s26, s25  }
0x300: {  	s26 =	simm.s32 @!p0 $0x80;
	s0 =	sshrl.u32 @!p0 s0, $0x3  }
0x301: {  	s29 =	simm.s32 @!p0 $0x400;
	s30 =	simm.s32 @!p0 $0x13400;
	s0 =	sadd.s32 @!p0 s5, s0  }
0x302: {  	[tilespmem:s30], [sflag:$0x1] =	stream.strided.gather @!p0 [hbm4b:s0+s26], $0x1000, s29, s26, $0x38;
	[tilespmem:$0x15400] =	vst v63  }
0x303: {  	_ =	swait.ge [sflag:s17], $0x1000  }
0x304: {  	[sflag:s17] =	ssyncset.done $0x0  }
0x305: {  	s26 =	simm.s32 $0xFFFFFFF8;
	s29 =	simm.s32 $0x14440;
	[sflag:s17] =	ssyncadd.s32 $0xFFFFF000  }
.LBB2_34:
0x306: {  	v2 =	vld [tilespmem:s29+$0xFFFFFFC0];
	_ =	sdelay $0x4  }
0x307: {  	v3 =	vshrl.u32 v2, $0x16  }
0x308: {  	(xrf1) =	vunique.msk.u32 $0xffff, v3;
	_ =	sdelay $0x9  }
0x309: {  	v4 =	vld.idx.msk [tilespmem:v3+s16+$0x0], $0xffff;
	_ =	sdelay $0x3  }
0x30a: {  	_, v5, vm0 =	vpop (xrf1)  }
0x30b: {  	v4 =	vadd.s32 v5, v4  }
0x30c: {  	v4 =	vadd.s32 $0xFFFFFFFF, v4;
	_ =	sdelay $0x4  }
0x30d: {  	[tilespmem:v4+s1+$0x0] =	vst.idx.msk $0xffff, v2  }
0x30e: {  	[tilespmem:v3+s16+$0x0] =	vst.idx.add.s32.msk vm0, v5  }
0x30f: {  	v2 =	vld [tilespmem:s29+$0xFFFFFFD0];
	_ =	sdelay $0x4  }
0x310: {  	v3 =	vshrl.u32 v2, $0x16  }
0x311: {  	(xrf1) =	vunique.msk.u32 $0xffff, v3;
	_ =	sdelay $0x9  }
0x312: {  	v4 =	vld.idx.msk [tilespmem:v3+s16+$0x0], $0xffff;
	_ =	sdelay $0x3  }
0x313: {  	_, v5, vm0 =	vpop (xrf1)  }
0x314: {  	v4 =	vadd.s32 v5, v4  }
0x315: {  	v4 =	vadd.s32 $0xFFFFFFFF, v4;
	_ =	sdelay $0x4  }
0x316: {  	[tilespmem:v4+s1+$0x0] =	vst.idx.msk $0xffff, v2  }
0x317: {  	[tilespmem:v3+s16+$0x0] =	vst.idx.add.s32.msk vm0, v5  }
0x318: {  	v2 =	vld [tilespmem:s29+$0xFFFFFFE0];
	_ =	sdelay $0x4  }
0x319: {  	v3 =	vshrl.u32 v2, $0x16  }
0x31a: {  	(xrf1) =	vunique.msk.u32 $0xffff, v3;
	_ =	sdelay $0x9  }
0x31b: {  	v4 =	vld.idx.msk [tilespmem:v3+s16+$0x0], $0xffff;
	_ =	sdelay $0x3  }
0x31c: {  	_, v5, vm0 =	vpop (xrf1)  }
0x31d: {  	v4 =	vadd.s32 v5, v4  }
0x31e: {  	v4 =	vadd.s32 $0xFFFFFFFF, v4;
	_ =	sdelay $0x4  }
0x31f: {  	[tilespmem:v4+s1+$0x0] =	vst.idx.msk $0xffff, v2  }
0x320: {  	[tilespmem:v3+s16+$0x0] =	vst.idx.add.s32.msk vm0, v5  }
0x321: {  	v2 =	vld [tilespmem:s29+$0xFFFFFFF0];
	_ =	sdelay $0x4  }
0x322: {  	v3 =	vshrl.u32 v2, $0x16  }
0x323: {  	(xrf1) =	vunique.msk.u32 $0xffff, v3;
	_ =	sdelay $0x9  }
0x324: {  	v4 =	vld.idx.msk [tilespmem:v3+s16+$0x0], $0xffff;
	_ =	sdelay $0x3  }
0x325: {  	_, v5, vm0 =	vpop (xrf1)  }
0x326: {  	v4 =	vadd.s32 v5, v4  }
0x327: {  	v4 =	vadd.s32 $0xFFFFFFFF, v4;
	_ =	sdelay $0x4  }
0x328: {  	[tilespmem:v4+s1+$0x0] =	vst.idx.msk $0xffff, v2  }
0x329: {  	[tilespmem:v3+s16+$0x0] =	vst.idx.add.s32.msk vm0, v5  }
0x32a: {  	v2 =	vld [tilespmem:s29+$0x0];
	_ =	sdelay $0x4  }
0x32b: {  	v3 =	vshrl.u32 v2, $0x16  }
0x32c: {  	(xrf1) =	vunique.msk.u32 $0xffff, v3;
	_ =	sdelay $0x9  }
0x32d: {  	v4 =	vld.idx.msk [tilespmem:v3+s16+$0x0], $0xffff;
	_ =	sdelay $0x3  }
0x32e: {  	_, v5, vm0 =	vpop (xrf1)  }
0x32f: {  	v4 =	vadd.s32 v5, v4  }
0x330: {  	v4 =	vadd.s32 $0xFFFFFFFF, v4;
	_ =	sdelay $0x4  }
0x331: {  	[tilespmem:v4+s1+$0x0] =	vst.idx.msk $0xffff, v2  }
0x332: {  	[tilespmem:v3+s16+$0x0] =	vst.idx.add.s32.msk vm0, v5  }
0x333: {  	v2 =	vld [tilespmem:s29+$0x10];
	_ =	sdelay $0x4  }
0x334: {  	v3 =	vshrl.u32 v2, $0x16  }
0x335: {  	(xrf1) =	vunique.msk.u32 $0xffff, v3;
	_ =	sdelay $0x9  }
0x336: {  	v4 =	vld.idx.msk [tilespmem:v3+s16+$0x0], $0xffff;
	_ =	sdelay $0x3  }
0x337: {  	_, v5, vm0 =	vpop (xrf1)  }
0x338: {  	v4 =	vadd.s32 v5, v4  }
0x339: {  	v4 =	vadd.s32 $0xFFFFFFFF, v4;
	_ =	sdelay $0x4  }
0x33a: {  	[tilespmem:v4+s1+$0x0] =	vst.idx.msk $0xffff, v2  }
0x33b: {  	[tilespmem:v3+s16+$0x0] =	vst.idx.add.s32.msk vm0, v5  }
0x33c: {  	v2 =	vld [tilespmem:s29+$0x20];
	_ =	sdelay $0x4  }
0x33d: {  	v3 =	vshrl.u32 v2, $0x16  }
0x33e: {  	(xrf1) =	vunique.msk.u32 $0xffff, v3;
	_ =	sdelay $0x9  }
0x33f: {  	v4 =	vld.idx.msk [tilespmem:v3+s16+$0x0], $0xffff;
	_ =	sdelay $0x3  }
0x340: {  	_, v5, vm0 =	vpop (xrf1)  }
0x341: {  	v4 =	vadd.s32 v5, v4  }
0x342: {  	v4 =	vadd.s32 $0xFFFFFFFF, v4;
	_ =	sdelay $0x4  }
0x343: {  	[tilespmem:v4+s1+$0x0] =	vst.idx.msk $0xffff, v2  }
0x344: {  	[tilespmem:v3+s16+$0x0] =	vst.idx.add.s32.msk vm0, v5  }
0x345: {  	v2 =	vld [tilespmem:s29+$0x30];
	_ =	sdelay $0x4  }
0x346: {  	v3 =	vshrl.u32 v2, $0x16  }
0x347: {  	(xrf1) =	vunique.msk.u32 $0xffff, v3;
	_ =	sdelay $0x9  }
0x348: {  	v4 =	vld.idx.msk [tilespmem:v3+s16+$0x0], $0xffff;
	_ =	sdelay $0x3  }
0x349: {  	_, v5, vm0 =	vpop (xrf1)  }
0x34a: {  	v4 =	vadd.s32 v5, v4  }
0x34b: {  	s26 =	sadd.s32 $0x8, s26;
	v4 =	vadd.s32 $0xFFFFFFFF, v4  }
0x34c: {  	p0 =	slt.u32 s26, $0xF8  }
.Ltmp15:
0x34d: {  	_ = 	snop;
	(pc) =	sbr.rel @p0 .LBB2_34-.Ltmp15, $3  }
0x34e: {  	_ =	sdelay $0x1  }
0x34f: {  	[tilespmem:v4+s1+$0x0] =	vst.idx.msk $0xffff, v2  }
0x350: {  	s29 =	sadd.s32 $0x80, s29;
	[tilespmem:v3+s16+$0x0] =	vst.idx.add.s32.msk vm0, v5  }
0x351: {  	s28 =	sadd.s32 $0x1, s28  }
0x352: {  	p0 =	sne.s32 s28, $0x8  }
.Ltmp16:
0x353: {  	_ = 	snop;
	(pc) =	sbr.rel @p0 .LBB2_31-.Ltmp16, $1  }
0x354: {  	_ =	sdelay $0x3  }
0x355: {  	s22 =	sadd.s32 $0x1, s22  }
0x356: {  	p0 =	sne.s32 s22, $0x8  }
.Ltmp17:
0x357: {  	s0 =	sadd.s32 s4, s24;
	(pc) =	sbr.rel @p0 .LBB2_2-.Ltmp17, $4  }
0x358: {  	[hbm4b:s0+s9] =	stream.strided.scatter [tilespmem:s1], [sflag:$0x3], $0x10000, s10, s9, $0x38;
	[tilespmem:$0x15400] =	vst v63  }
0x359: {  	_ =	swait.ge [sflag:s18], $0x10000  }
0x35a: {  	[sflag:s18] =	ssyncset.done $0x0  }
0x35b: {  	[sflag:s18] =	ssyncadd.s32 $0xFFFF0000  }
0x35c: {  	s21 =	sadd.s32 $0x1, s21  }
0x35d: {  	p0 =	sne.s32 s21, s8  }
.Ltmp18:
0x35e: {  	_ = 	snop;
	(pc) =	sbr.rel @p0 .LBB2_1-.Ltmp18, $1  }
0x35f: {  	_ =	sdelay $0x3  }
0x360: {  	_ =	sfence.sel $0x180000  }
0x361: {  	[bflag:$0x0] =	sbarrier.arrive $0xFFFF  }
0x362: {  	_ =	strace $0x90000047  }
0x363: {  	[bflag:$0x2] =	sbarrier.arrive $0xFFFF  }
0x364: {  	p0 =	sne.s32 s2, $0x0;
	s0 =	rddreg [dreg:$0x1]  }
0x365: {  	s0 =	sadd.s32 @!p0 $0x100000, s0  }
0x366: {  	[sflag:s0] =	ssyncadd.tile.s32 @!p0 $0x1;
	_ =	shalt  }
.Lfunc_end2:
_tile_overlayer_lowered:
.L_overlay_start_2:
0x367: {  	(tag) =	ssettag $0x2  }
0x368: {  	s0 =	rddreg [dreg:$0x0];
	s2 =	stileid.u32  }
0x369: {  	s1 =	rddreg [dreg:$0x1];
	p0 =	sne.s32 s2, $0x0  }
0x36a: {  	s3 =	rddreg [dreg:$0x2];
	[bflag:$0x3] =	sbarrier.arrive $0xFFFF;
	s2 =	simm.s32 @!p0 $0x1C03  }
0x36b: {  	[timem:s3], [sflag:s2] =	dma.local @!p0 [hbm:s0], s1  }
0x36c: {  	s0 =	simm.s32 @!p0 $0x3  }
0x36d: {  	_ =	swait.ge @!p0 [sflag:s0], s1  }
0x36e: {  	s1 =	ssub.s32 @!p0 $0x0, s1;
	[sflag:s0] =	ssyncset.done @!p0 $0x0  }
0x36f: {  	[sflag:s0] =	ssyncadd.s32 @!p0 s1  }
0x370: {  	[bflag:$0x3] =	sbarrier.arrive $0xFFFF  }
0x371: {  	_ =	shalt  }

</sc_bundles>
